<compile_context>
chip_gen: v7x
topology: tpu7x:2x2x1
jax: 0.10.2.dev20260603
libtpu: 0.0.44.dev20260713+nightly
codegen_flags: <defaults>
</compile_context>

<pallas_src>
import jax
import jax.numpy as jnp
import numpy as np
from jax import lax
from jax.experimental import pallas as pl
from jax.experimental.pallas import tpu as pltpu
from jax.experimental.pallas import tpu_sc as plsc

_NUM_TREES = 600
_EMB_DIM = 3
_VOCAB = _NUM_TREES * 1024
_BATCH = 16384
_LANES = 16

_NW = 32
_NSUB = 16
_ROWS_PER_W = _BATCH // _NW
_CB = 8
_NCHUNK = _ROWS_PER_W // _CB
_ROW_ELEMS = _NUM_TREES * _EMB_DIM
_NVEC = (_ROW_ELEMS + _LANES - 1) // _LANES
_PAT = _NVEC * _LANES
_NBUF = 1

_FCH = 4
_FROW = _VOCAB // (_NW * _FCH)
_FEL = _FROW * _EMB_DIM
_FQ = _FEL // (3 * _LANES)

_f = np.minimum(np.arange(_PAT, dtype=np.int64), _ROW_ELEMS - 1)
_ROWPAT = np.asarray(_f // _EMB_DIM, dtype=np.int32)
_COLPAT = np.asarray(_f % _EMB_DIM, dtype=np.int32)


def _fmt_body(t1d_hbm, tout_hbm, buf1_v, rows3_v):
    wid = lax.axis_index("s") * 2 + lax.axis_index("c")
    lane = lax.iota(jnp.int32, _LANES)
    rpat = [(m * _LANES + lane) // 3 for m in range(3)]
    cpat = [(m * _LANES + lane) % 3 for m in range(3)]
    for h in range(_FCH):
        g = wid * _FCH + h
        pltpu.sync_copy(t1d_hbm.at[pl.ds(g * _FEL, _FEL)], buf1_v)

        def fill_q(q, carry):
            for m in range(3):
                v = buf1_v[pl.ds((q * 3 + m) * _LANES, _LANES)]
                plsc.store_scatter(rows3_v, [q * _LANES + rpat[m], cpat[m]], v)
            return carry

        lax.fori_loop(0, _FQ, fill_q, 0)
        pltpu.sync_copy(rows3_v, tout_hbm.at[pl.ds(g * _FROW, _FROW), :])


def _xfmt_body(x2d_hbm, xf_hbm, blk_v, out1_v):
    wid = lax.axis_index("s") * 2 + lax.axis_index("c")
    lane = lax.iota(jnp.int32, _LANES)
    hi8 = lane >= 8
    base = wid * _ROWS_PER_W

    def blk_body(b, carry):
        row0 = base + b * 32
        pltpu.sync_copy(x2d_hbm.at[pl.ds(row0, 32), :], blk_v)

        def row_body(r, cr):
            rb = r * _NUM_TREES
            rvec = jnp.full((_LANES,), r, dtype=jnp.int32)
            for k in range(37):
                v = plsc.load_gather(blk_v, [rvec, k * _LANES + lane])
                plsc.store_scatter(out1_v, [rb + k * _LANES + lane], v)
            v = plsc.load_gather(blk_v, [rvec, 584 + lane])
            plsc.store_scatter(out1_v, [rb + 584 + lane], v, mask=hi8)
            return cr

        lax.fori_loop(0, 32, row_body, 0)
        pltpu.sync_copy(out1_v,
                        xf_hbm.at[pl.ds(row0 * _NUM_TREES, 32 * _NUM_TREES)])
        return carry

    lax.fori_loop(0, _ROWS_PER_W // 32, blk_body, 0)


def _body(xf_hbm, spt, rowpat_hbm, colpat_hbm, wpad_hbm, bias_hbm,
          out_hbm,
          idx_v, rows_v, rowpat_v, colpat_v, wpad_v,
          bias_v, outbuf_v, sem0, sem1):
    sems = (sem0, sem1)
    wid = lax.axis_index("s") * 2 + lax.axis_index("c")
    lane = lax.iota(jnp.int32, _LANES)
    lane0 = lane == 0

    pltpu.sync_copy(rowpat_hbm, rowpat_v)
    pltpu.sync_copy(colpat_hbm, colpat_v)
    pltpu.sync_copy(wpad_hbm, wpad_v)
    pltpu.sync_copy(bias_hbm, bias_v)
    base_row = wid * _ROWS_PER_W

    def fire(c, p):
        pltpu.sync_copy(
            xf_hbm.at[pl.ds((base_row + c * _CB) * _NUM_TREES,
                            _CB * _NUM_TREES)],
            idx_v.at[p])
        pltpu.make_async_copy(
            spt.at[idx_v.at[p]], rows_v.at[p], sems[p]).start()

    def drain(p):
        pltpu.make_async_copy(
            spt.at[idx_v.at[p]], rows_v.at[p], sems[p]).wait()

    def compute(c, p):
        bias = bias_v[...]
        rows_p = rows_v.at[p]

        def j_body(j, accs):
            jo = j * _LANES
            rp = rowpat_v[pl.ds(jo, _LANES)]
            cv = colpat_v[pl.ds(jo, _LANES)]
            w = wpad_v[pl.ds(jo, _LANES)]
            new = []
            for r in range(_CB):
                g = plsc.load_gather(rows_p, [rp + (r * _NUM_TREES), cv])
                new.append(accs[r] + g * w)
            return tuple(new)

        accs = lax.fori_loop(0, _NVEC, j_body,
                             tuple(bias for _ in range(_CB)))
        for r in range(_CB):
            s = jnp.sum(accs[r])
            pos = jnp.full((_LANES,), c * _CB + r, dtype=jnp.int32)
            val = jnp.full((_LANES,), s, dtype=jnp.float32)
            plsc.store_scatter(outbuf_v, [pos], val, mask=lane0)

    for p in range(_NBUF):
        fire(p, p)

    def outer(c0, carry):
        for p in range(_NBUF):
            c = c0 + p
            drain(p)
            compute(c, p)

            @pl.when(c + _NBUF < _NCHUNK)
            def _():
                fire(c + _NBUF, p)
        return carry

    lax.fori_loop(0, _NCHUNK // _NBUF, lambda i, cr: outer(i * _NBUF, cr), 0)
    pltpu.sync_copy(outbuf_v, out_hbm.at[pl.ds(base_row, _ROWS_PER_W)])


def kernel(x, emb_table, lin_weight, out_bias):
    tflat = emb_table.reshape(-1)
    wpad = jnp.concatenate(
        [lin_weight.reshape(-1), jnp.zeros((_PAT - _ROW_ELEMS,), jnp.float32)])
    bias_v = jnp.zeros((_LANES,), jnp.float32).at[0].set(out_bias)
    rowpat = jnp.asarray(_ROWPAT)
    colpat = jnp.asarray(_COLPAT)

    mesh = plsc.VectorSubcoreMesh(core_axis_name="c", subcore_axis_name="s")
    fmt = pl.kernel(
        _fmt_body,
        mesh=mesh,
        compiler_params=pltpu.CompilerParams(needs_layout_passes=False,
                                             use_tc_tiling_on_sc=False),
        out_type=pltpu.HBM((_VOCAB, _EMB_DIM), jnp.float32),
        scratch_types=[
            pltpu.VMEM((_FEL,), jnp.float32),
            pltpu.VMEM((_FROW, _EMB_DIM), jnp.float32),
        ],
    )
    table_lin = fmt(tflat)
    xfmt = pl.kernel(
        _xfmt_body,
        mesh=mesh,
        compiler_params=pltpu.CompilerParams(needs_layout_passes=False,
                                             use_tc_tiling_on_sc=True),
        out_type=pltpu.HBM((_BATCH * _NUM_TREES,), jnp.int32),
        scratch_types=[
            pltpu.VMEM((32, _NUM_TREES), jnp.int32),
            pltpu.VMEM((32 * _NUM_TREES,), jnp.int32),
        ],
    )
    run = pl.kernel(
        _body,
        mesh=mesh,
        compiler_params=pltpu.CompilerParams(needs_layout_passes=False,
                                             use_tc_tiling_on_sc=False),
        out_type=jax.ShapeDtypeStruct((_BATCH,), jnp.float32),
        scratch_types=[
            pltpu.VMEM((_NBUF, _CB * _NUM_TREES), jnp.int32),
            pltpu.VMEM((_NBUF, _CB * _NUM_TREES, _EMB_DIM), jnp.float32),
            pltpu.VMEM((_PAT,), jnp.int32),
            pltpu.VMEM((_PAT,), jnp.int32),
            pltpu.VMEM((_PAT,), jnp.float32),
            pltpu.VMEM((_LANES,), jnp.float32),
            pltpu.VMEM((_ROWS_PER_W,), jnp.float32),
            pltpu.SemaphoreType.DMA,
            pltpu.SemaphoreType.DMA,
        ],
    )
    return run(xfmt(x), table_lin, rowpat, colpat, wpad, bias_v)

# --- scband reference (transcript-rebuilt; emitter-appended) ---
"""Pipeline reference for scband-nn-lr-31997506355227 (READ-ONLY COPY).

The authoritative reference and input builder live on the scoring server;
editing this copy changes nothing except your own understanding.
"""

import jax, jax.numpy as jnp
import numpy as np

NUM_TREES = 600
NUM_LEAVES = 1024
VOCAB = NUM_TREES * NUM_LEAVES  # 614400
EMB_DIM = 3
BATCH = 16384


def setup_inputs(seed: int = 0) -> dict:
    key = jax.random.key(seed)
    k1, k2, k3 = jax.random.split(key, 3)
    # leaf indices per tree, values in [0, VOCAB)
    x = jax.random.randint(k1, (BATCH, NUM_TREES), 0, VOCAB, dtype=jnp.int32)
    # embedding table = embedding_linear.weight.t() : [VOCAB, 3], xavier-uniform init
    lim = float(np.sqrt(6.0 / (VOCAB + EMB_DIM)))
    emb_table = jax.random.uniform(k2, (VOCAB, EMB_DIM), minval=-lim, maxval=lim, dtype=jnp.float32)
    # FM/linear head weight: Linear(NUM_TREES*3 -> 1, bias=False), stored as [in, out]
    lin_weight = jax.random.normal(k3, (NUM_TREES * EMB_DIM, 1), dtype=jnp.float32) * 0.02
    out_bias = jnp.asarray(100.0, dtype=jnp.float32)
    return {"x": x, "emb_table": emb_table, "lin_weight": lin_weight, "out_bias": out_bias}


def reference(x, emb_table, lin_weight, out_bias):
    # nn.functional.embedding(x, weight.t()) -> gather rows
    e = jnp.take(emb_table, x, axis=0)            # [B, NUM_TREES, 3]
    # dropout is identity in eval/reference mode
    flat = e.reshape(e.shape[0], -1)               # [B, NUM_TREES*3]
    lin = flat @ lin_weight                        # [B, 1]
    out = (lin + out_bias).reshape(-1)             # [B]
    return out

if __name__ == "__main__":
    import jax
    _d = setup_inputs()
    print(jax.jit(kernel)(*tuple(_d.values())))

</pallas_src>

<mosaic_0001>
#map = affine_map<(d0, d1) -> (0)>
#map1 = affine_map<(d0, d1) -> (0, 0)>
module attributes {stable_mosaic.version = 14 : i64} {
  func.func @_fmt_body(%arg0: i32, %arg1: i32, %arg2: memref<1843200xf32, #tpu.memory_space<hbm>>, %arg3: memref<614400x3xf32, #tpu.memory_space<hbm>>, %arg4: memref<14400xf32, #tpu.memory_space<vmem>>, %arg5: memref<4800x3xf32, #tpu.memory_space<vmem>>) attributes {dimension_semantics = [#tpu.dimension_semantics<core_parallel>, #tpu.dimension_semantics<subcore_parallel>], iteration_bounds = array<i64: 2, 16>, scalar_prefetch = 0 : i64, scratch_operands = 2 : i64, tpu.core_type = #tpu.core_type<sc_vector_subcore>, window_params = [{transform_indices = #map}, {transform_indices = #map1}]} {
    %mul3A = arith.constant 2 : i32
    %mul3A_0 = arith.muli %arg1, %mul3A : i32
    %add3A = arith.addi %mul3A_0, %arg0 : i32
    %iota3A = tpu.iota {dimensions = array<i32: 0>} : vector<16xi32>
    %add3A_1 = arith.constant 0 : i32
    %add3A_2 = vector.broadcast %add3A_1 : i32 to vector<16xi32>
    %add3A_3 = arith.addi %add3A_2, %iota3A : vector<16xi32>
    %jit3A = arith.constant 3 : i32
    %div3A = vector.broadcast %jit3A : i32 to vector<16xi32>
    %div3A_4 = arith.divsi %add3A_3, %div3A : vector<16xi32>
    %sign3A = arith.constant 0 : i32
    %sign3A_5 = vector.broadcast %sign3A : i32 to vector<16xi32>
    %sign3A_6 = arith.cmpi sgt, %add3A_3, %sign3A_5 : vector<16xi32>
    %sign3A_7 = arith.extui %sign3A_6 : vector<16xi1> to vector<16xi32>
    %sign3A_8 = arith.constant 0 : i32
    %sign3A_9 = vector.broadcast %sign3A_8 : i32 to vector<16xi32>
    %sign3A_10 = arith.cmpi slt, %add3A_3, %sign3A_9 : vector<16xi32>
    %sign3A_11 = arith.extui %sign3A_10 : vector<16xi1> to vector<16xi32>
    %sign3A_12 = arith.subi %sign3A_7, %sign3A_11 : vector<16xi32>
    %sign3A_13 = arith.constant 0 : i32
    %sign3A_14 = arith.cmpi sgt, %jit3A, %sign3A_13 : i32
    %sign3A_15 = arith.extui %sign3A_14 : i1 to i32
    %sign3A_16 = arith.constant 0 : i32
    %sign3A_17 = arith.cmpi slt, %jit3A, %sign3A_16 : i32
    %sign3A_18 = arith.extui %sign3A_17 : i1 to i32
    %sign3A_19 = arith.subi %sign3A_15, %sign3A_18 : i32
    %ne3A = vector.broadcast %sign3A_19 : i32 to vector<16xi32>
    %ne3A_20 = arith.cmpi ne, %sign3A_12, %ne3A : vector<16xi32>
    %rem3A = vector.broadcast %jit3A : i32 to vector<16xi32>
    %rem3A_21 = arith.remsi %add3A_3, %rem3A : vector<16xi32>
    %ne3A_22 = arith.constant 0 : i32
    %ne3A_23 = vector.broadcast %ne3A_22 : i32 to vector<16xi32>
    %ne3A_24 = arith.cmpi ne, %rem3A_21, %ne3A_23 : vector<16xi32>
    %and3A = arith.andi %ne3A_20, %ne3A_24 : vector<16xi1>
    %sub3A = arith.constant 1 : i32
    %sub3A_25 = vector.broadcast %sub3A : i32 to vector<16xi32>
    %sub3A_26 = arith.subi %div3A_4, %sub3A_25 : vector<16xi32>
    %select_n3A = arith.select %and3A, %sub3A_26, %div3A_4 : vector<16xi1>, vector<16xi32>
    %add3A_27 = arith.constant 16 : i32
    %add3A_28 = vector.broadcast %add3A_27 : i32 to vector<16xi32>
    %add3A_29 = arith.addi %add3A_28, %iota3A : vector<16xi32>
    %jit3A_30 = arith.constant 3 : i32
    %div3A_31 = vector.broadcast %jit3A_30 : i32 to vector<16xi32>
    %div3A_32 = arith.divsi %add3A_29, %div3A_31 : vector<16xi32>
    %sign3A_33 = arith.constant 0 : i32
    %sign3A_34 = vector.broadcast %sign3A_33 : i32 to vector<16xi32>
    %sign3A_35 = arith.cmpi sgt, %add3A_29, %sign3A_34 : vector<16xi32>
    %sign3A_36 = arith.extui %sign3A_35 : vector<16xi1> to vector<16xi32>
    %sign3A_37 = arith.constant 0 : i32
    %sign3A_38 = vector.broadcast %sign3A_37 : i32 to vector<16xi32>
    %sign3A_39 = arith.cmpi slt, %add3A_29, %sign3A_38 : vector<16xi32>
    %sign3A_40 = arith.extui %sign3A_39 : vector<16xi1> to vector<16xi32>
    %sign3A_41 = arith.subi %sign3A_36, %sign3A_40 : vector<16xi32>
    %sign3A_42 = arith.constant 0 : i32
    %sign3A_43 = arith.cmpi sgt, %jit3A_30, %sign3A_42 : i32
    %sign3A_44 = arith.extui %sign3A_43 : i1 to i32
    %sign3A_45 = arith.constant 0 : i32
    %sign3A_46 = arith.cmpi slt, %jit3A_30, %sign3A_45 : i32
    %sign3A_47 = arith.extui %sign3A_46 : i1 to i32
    %sign3A_48 = arith.subi %sign3A_44, %sign3A_47 : i32
    %ne3A_49 = vector.broadcast %sign3A_48 : i32 to vector<16xi32>
    %ne3A_50 = arith.cmpi ne, %sign3A_41, %ne3A_49 : vector<16xi32>
    %rem3A_51 = vector.broadcast %jit3A_30 : i32 to vector<16xi32>
    %rem3A_52 = arith.remsi %add3A_29, %rem3A_51 : vector<16xi32>
    %ne3A_53 = arith.constant 0 : i32
    %ne3A_54 = vector.broadcast %ne3A_53 : i32 to vector<16xi32>
    %ne3A_55 = arith.cmpi ne, %rem3A_52, %ne3A_54 : vector<16xi32>
    %and3A_56 = arith.andi %ne3A_50, %ne3A_55 : vector<16xi1>
    %sub3A_57 = arith.constant 1 : i32
    %sub3A_58 = vector.broadcast %sub3A_57 : i32 to vector<16xi32>
    %sub3A_59 = arith.subi %div3A_32, %sub3A_58 : vector<16xi32>
    %select_n3A_60 = arith.select %and3A_56, %sub3A_59, %div3A_32 : vector<16xi1>, vector<16xi32>
    %add3A_61 = arith.constant 32 : i32
    %add3A_62 = vector.broadcast %add3A_61 : i32 to vector<16xi32>
    %add3A_63 = arith.addi %add3A_62, %iota3A : vector<16xi32>
    %jit3A_64 = arith.constant 3 : i32
    %div3A_65 = vector.broadcast %jit3A_64 : i32 to vector<16xi32>
    %div3A_66 = arith.divsi %add3A_63, %div3A_65 : vector<16xi32>
    %sign3A_67 = arith.constant 0 : i32
    %sign3A_68 = vector.broadcast %sign3A_67 : i32 to vector<16xi32>
    %sign3A_69 = arith.cmpi sgt, %add3A_63, %sign3A_68 : vector<16xi32>
    %sign3A_70 = arith.extui %sign3A_69 : vector<16xi1> to vector<16xi32>
    %sign3A_71 = arith.constant 0 : i32
    %sign3A_72 = vector.broadcast %sign3A_71 : i32 to vector<16xi32>
    %sign3A_73 = arith.cmpi slt, %add3A_63, %sign3A_72 : vector<16xi32>
    %sign3A_74 = arith.extui %sign3A_73 : vector<16xi1> to vector<16xi32>
    %sign3A_75 = arith.subi %sign3A_70, %sign3A_74 : vector<16xi32>
    %sign3A_76 = arith.constant 0 : i32
    %sign3A_77 = arith.cmpi sgt, %jit3A_64, %sign3A_76 : i32
    %sign3A_78 = arith.extui %sign3A_77 : i1 to i32
    %sign3A_79 = arith.constant 0 : i32
    %sign3A_80 = arith.cmpi slt, %jit3A_64, %sign3A_79 : i32
    %sign3A_81 = arith.extui %sign3A_80 : i1 to i32
    %sign3A_82 = arith.subi %sign3A_78, %sign3A_81 : i32
    %ne3A_83 = vector.broadcast %sign3A_82 : i32 to vector<16xi32>
    %ne3A_84 = arith.cmpi ne, %sign3A_75, %ne3A_83 : vector<16xi32>
    %rem3A_85 = vector.broadcast %jit3A_64 : i32 to vector<16xi32>
    %rem3A_86 = arith.remsi %add3A_63, %rem3A_85 : vector<16xi32>
    %ne3A_87 = arith.constant 0 : i32
    %ne3A_88 = vector.broadcast %ne3A_87 : i32 to vector<16xi32>
    %ne3A_89 = arith.cmpi ne, %rem3A_86, %ne3A_88 : vector<16xi32>
    %and3A_90 = arith.andi %ne3A_84, %ne3A_89 : vector<16xi1>
    %sub3A_91 = arith.constant 1 : i32
    %sub3A_92 = vector.broadcast %sub3A_91 : i32 to vector<16xi32>
    %sub3A_93 = arith.subi %div3A_66, %sub3A_92 : vector<16xi32>
    %select_n3A_94 = arith.select %and3A_90, %sub3A_93, %div3A_66 : vector<16xi1>, vector<16xi32>
    %add3A_95 = arith.constant 0 : i32
    %add3A_96 = vector.broadcast %add3A_95 : i32 to vector<16xi32>
    %add3A_97 = arith.addi %add3A_96, %iota3A : vector<16xi32>
    %jit3A_98 = arith.constant 3 : i32
    %eq3A = arith.constant 0 : i32
    %eq3A_99 = arith.cmpi eq, %jit3A_98, %eq3A : i32
    %jit3A_100 = arith.constant 1 : i32
    %select_n3A_101 = arith.select %eq3A_99, %jit3A_100, %jit3A_98 : i32
    %rem3A_102 = vector.broadcast %select_n3A_101 : i32 to vector<16xi32>
    %rem3A_103 = arith.remsi %add3A_97, %rem3A_102 : vector<16xi32>
    %ne3A_104 = arith.constant 0 : i32
    %ne3A_105 = vector.broadcast %ne3A_104 : i32 to vector<16xi32>
    %ne3A_106 = arith.cmpi ne, %rem3A_103, %ne3A_105 : vector<16xi32>
    %lt3A = arith.constant 0 : i32
    %lt3A_107 = vector.broadcast %lt3A : i32 to vector<16xi32>
    %lt3A_108 = arith.cmpi slt, %rem3A_103, %lt3A_107 : vector<16xi32>
    %lt3A_109 = arith.constant 0 : i32
    %lt3A_110 = arith.cmpi slt, %select_n3A_101, %lt3A_109 : i32
    %ne3A_111 = vector.broadcast %lt3A_110 : i1 to vector<16xi1>
    %ne3A_112 = vector.broadcast %ne3A_111 : vector<16xi1> to vector<16xi1>
    %ne3A_113 = arith.xori %lt3A_108, %ne3A_112 : vector<16xi1>
    %and3A_114 = arith.andi %ne3A_113, %ne3A_106 : vector<16xi1>
    %add3A_115 = vector.broadcast %select_n3A_101 : i32 to vector<16xi32>
    %add3A_116 = arith.addi %rem3A_103, %add3A_115 : vector<16xi32>
    %select_n3A_117 = arith.select %and3A_114, %add3A_116, %rem3A_103 : vector<16xi1>, vector<16xi32>
    %add3A_118 = arith.constant 16 : i32
    %add3A_119 = vector.broadcast %add3A_118 : i32 to vector<16xi32>
    %add3A_120 = arith.addi %add3A_119, %iota3A : vector<16xi32>
    %jit3A_121 = arith.constant 3 : i32
    %eq3A_122 = arith.constant 0 : i32
    %eq3A_123 = arith.cmpi eq, %jit3A_121, %eq3A_122 : i32
    %jit3A_124 = arith.constant 1 : i32
    %select_n3A_125 = arith.select %eq3A_123, %jit3A_124, %jit3A_121 : i32
    %rem3A_126 = vector.broadcast %select_n3A_125 : i32 to vector<16xi32>
    %rem3A_127 = arith.remsi %add3A_120, %rem3A_126 : vector<16xi32>
    %ne3A_128 = arith.constant 0 : i32
    %ne3A_129 = vector.broadcast %ne3A_128 : i32 to vector<16xi32>
    %ne3A_130 = arith.cmpi ne, %rem3A_127, %ne3A_129 : vector<16xi32>
    %lt3A_131 = arith.constant 0 : i32
    %lt3A_132 = vector.broadcast %lt3A_131 : i32 to vector<16xi32>
    %lt3A_133 = arith.cmpi slt, %rem3A_127, %lt3A_132 : vector<16xi32>
    %lt3A_134 = arith.constant 0 : i32
    %lt3A_135 = arith.cmpi slt, %select_n3A_125, %lt3A_134 : i32
    %ne3A_136 = vector.broadcast %lt3A_135 : i1 to vector<16xi1>
    %ne3A_137 = vector.broadcast %ne3A_136 : vector<16xi1> to vector<16xi1>
    %ne3A_138 = arith.xori %lt3A_133, %ne3A_137 : vector<16xi1>
    %and3A_139 = arith.andi %ne3A_138, %ne3A_130 : vector<16xi1>
    %add3A_140 = vector.broadcast %select_n3A_125 : i32 to vector<16xi32>
    %add3A_141 = arith.addi %rem3A_127, %add3A_140 : vector<16xi32>
    %select_n3A_142 = arith.select %and3A_139, %add3A_141, %rem3A_127 : vector<16xi1>, vector<16xi32>
    %add3A_143 = arith.constant 32 : i32
    %add3A_144 = vector.broadcast %add3A_143 : i32 to vector<16xi32>
    %add3A_145 = arith.addi %add3A_144, %iota3A : vector<16xi32>
    %jit3A_146 = arith.constant 3 : i32
    %eq3A_147 = arith.constant 0 : i32
    %eq3A_148 = arith.cmpi eq, %jit3A_146, %eq3A_147 : i32
    %jit3A_149 = arith.constant 1 : i32
    %select_n3A_150 = arith.select %eq3A_148, %jit3A_149, %jit3A_146 : i32
    %rem3A_151 = vector.broadcast %select_n3A_150 : i32 to vector<16xi32>
    %rem3A_152 = arith.remsi %add3A_145, %rem3A_151 : vector<16xi32>
    %ne3A_153 = arith.constant 0 : i32
    %ne3A_154 = vector.broadcast %ne3A_153 : i32 to vector<16xi32>
    %ne3A_155 = arith.cmpi ne, %rem3A_152, %ne3A_154 : vector<16xi32>
    %lt3A_156 = arith.constant 0 : i32
    %lt3A_157 = vector.broadcast %lt3A_156 : i32 to vector<16xi32>
    %lt3A_158 = arith.cmpi slt, %rem3A_152, %lt3A_157 : vector<16xi32>
    %lt3A_159 = arith.constant 0 : i32
    %lt3A_160 = arith.cmpi slt, %select_n3A_150, %lt3A_159 : i32
    %ne3A_161 = vector.broadcast %lt3A_160 : i1 to vector<16xi1>
    %ne3A_162 = vector.broadcast %ne3A_161 : vector<16xi1> to vector<16xi1>
    %ne3A_163 = arith.xori %lt3A_158, %ne3A_162 : vector<16xi1>
    %and3A_164 = arith.andi %ne3A_163, %ne3A_155 : vector<16xi1>
    %add3A_165 = vector.broadcast %select_n3A_150 : i32 to vector<16xi32>
    %add3A_166 = arith.addi %rem3A_152, %add3A_165 : vector<16xi32>
    %select_n3A_167 = arith.select %and3A_164, %add3A_166, %rem3A_152 : vector<16xi1>, vector<16xi32>
    %mul3A_168 = arith.constant 4 : i32
    %mul3A_169 = arith.muli %add3A, %mul3A_168 : i32
    %add3A_170 = arith.constant 0 : i32
    %add3A_171 = arith.addi %mul3A_169, %add3A_170 : i32
    %mul3A_172 = arith.constant 14400 : i32
    %mul3A_173 = arith.muli %add3A_171, %mul3A_172 : i32
    "tpu.region"() ({
      %run_scoped3A = tpu.sem_alloc : memref<!tpu.dma_semaphore, #tpu.memory_space<semaphore_mem>>
      %dma_start3A = tpu.memref_slice %arg2[%mul3A_173] : memref<1843200xf32, #tpu.memory_space<hbm>> -> memref<14400xf32, #tpu.memory_space<hbm>>
      %dma_start3A_223 = tpu.memref_slice %arg2[%mul3A_173] : memref<1843200xf32, #tpu.memory_space<hbm>> -> memref<14400xf32, #tpu.memory_space<hbm>>
      tpu.enqueue_dma source(%dma_start3A_223 : memref<14400xf32, #tpu.memory_space<hbm>>) target(%arg4 : memref<14400xf32, #tpu.memory_space<vmem>>) target_semaphore(%run_scoped3A : memref<!tpu.dma_semaphore, #tpu.memory_space<semaphore_mem>>)
      %dma_wait3A = tpu.memref_slice %arg2[%mul3A_173] : memref<1843200xf32, #tpu.memory_space<hbm>> -> memref<14400xf32, #tpu.memory_space<hbm>>
      %dma_wait3A_224 = tpu.memref_slice %arg2[%mul3A_173] : memref<1843200xf32, #tpu.memory_space<hbm>> -> memref<14400xf32, #tpu.memory_space<hbm>>
      tpu.wait_dma2 semaphore(%run_scoped3A : memref<!tpu.dma_semaphore, #tpu.memory_space<semaphore_mem>>) src(%dma_wait3A_224 : memref<14400xf32, #tpu.memory_space<hbm>>) dst(%arg4 : memref<14400xf32, #tpu.memory_space<vmem>>)
      tpu.yield
    }) : () -> ()
    %scan3A = arith.constant 0 : i32
    %scan3A_174 = arith.constant 0 : i32
    %scan3A_175 = arith.constant 300 : i32
    %scan3A_176 = arith.addi %scan3A_174, %scan3A_175 : i32
    %scan3A_177 = arith.constant 1 : i32
    scf.for %scan3A_223 = %scan3A_174 to %scan3A_176 step %scan3A_177  : i32 {
      %mul3A_224 = arith.constant 3 : i32
      %mul3A_225 = arith.muli %scan3A_223, %mul3A_224 : i32
      %add3A_226 = arith.constant 0 : i32
      %add3A_227 = arith.addi %mul3A_225, %add3A_226 : i32
      %mul3A_228 = arith.constant 16 : i32
      %mul3A_229 = arith.muli %add3A_227, %mul3A_228 : i32
      %get3A = arith.index_cast %mul3A_229 : i32 to index
      %get3A_230 = tpu.vector_load %arg4[%get3A] {strides = array<i32>} : memref<14400xf32, #tpu.memory_space<vmem>>, vector<16xf32>,
      %mul3A_231 = arith.constant 16 : i32
      %mul3A_232 = arith.muli %scan3A_223, %mul3A_231 : i32
      %add3A_233 = vector.broadcast %mul3A_232 : i32 to vector<16xi32>
      %add3A_234 = arith.addi %add3A_233, %select_n3A : vector<16xi32>
      tpu.vector_store_idx %arg5[%add3A_234, %select_n3A_117], %get3A_230 : memref<4800x3xf32, #tpu.memory_space<vmem>>[vector<16xi32>, vector<16xi32>], vector<16xf32>,
      %mul3A_235 = arith.constant 3 : i32
      %mul3A_236 = arith.muli %scan3A_223, %mul3A_235 : i32
      %add3A_237 = arith.constant 1 : i32
      %add3A_238 = arith.addi %mul3A_236, %add3A_237 : i32
      %mul3A_239 = arith.constant 16 : i32
      %mul3A_240 = arith.muli %add3A_238, %mul3A_239 : i32
      %get3A_241 = arith.index_cast %mul3A_240 : i32 to index
      %get3A_242 = tpu.vector_load %arg4[%get3A_241] {strides = array<i32>} : memref<14400xf32, #tpu.memory_space<vmem>>, vector<16xf32>,
      %mul3A_243 = arith.constant 16 : i32
      %mul3A_244 = arith.muli %scan3A_223, %mul3A_243 : i32
      %add3A_245 = vector.broadcast %mul3A_244 : i32 to vector<16xi32>
      %add3A_246 = arith.addi %add3A_245, %select_n3A_60 : vector<16xi32>
      tpu.vector_store_idx %arg5[%add3A_246, %select_n3A_142], %get3A_242 : memref<4800x3xf32, #tpu.memory_space<vmem>>[vector<16xi32>, vector<16xi32>], vector<16xf32>,
      %mul3A_247 = arith.constant 3 : i32
      %mul3A_248 = arith.muli %scan3A_223, %mul3A_247 : i32
      %add3A_249 = arith.constant 2 : i32
      %add3A_250 = arith.addi %mul3A_248, %add3A_249 : i32
      %mul3A_251 = arith.constant 16 : i32
      %mul3A_252 = arith.muli %add3A_250, %mul3A_251 : i32
      %get3A_253 = arith.index_cast %mul3A_252 : i32 to index
      %get3A_254 = tpu.vector_load %arg4[%get3A_253] {strides = array<i32>} : memref<14400xf32, #tpu.memory_space<vmem>>, vector<16xf32>,
      %mul3A_255 = arith.constant 16 : i32
      %mul3A_256 = arith.muli %scan3A_223, %mul3A_255 : i32
      %add3A_257 = vector.broadcast %mul3A_256 : i32 to vector<16xi32>
      %add3A_258 = arith.addi %add3A_257, %select_n3A_94 : vector<16xi32>
      tpu.vector_store_idx %arg5[%add3A_258, %select_n3A_167], %get3A_254 : memref<4800x3xf32, #tpu.memory_space<vmem>>[vector<16xi32>, vector<16xi32>], vector<16xf32>,
    }
    %scan3A_178 = arith.constant 300 : i32
    %mul3A_179 = arith.constant 4800 : i32
    %mul3A_180 = arith.muli %add3A_171, %mul3A_179 : i32
    "tpu.region"() ({
      %run_scoped3A = tpu.sem_alloc : memref<!tpu.dma_semaphore, #tpu.memory_space<semaphore_mem>>
      %dma_start3A = arith.constant 0 : i32
      %dma_start3A_223 = tpu.memref_slice %arg3[%mul3A_180, %dma_start3A] : memref<614400x3xf32, #tpu.memory_space<hbm>> -> memref<4800x3xf32, #tpu.memory_space<hbm>>
      %dma_start3A_224 = arith.constant 0 : i32
      %dma_start3A_225 = tpu.memref_slice %arg3[%mul3A_180, %dma_start3A_224] : memref<614400x3xf32, #tpu.memory_space<hbm>> -> memref<4800x3xf32, #tpu.memory_space<hbm>>
      tpu.enqueue_dma source(%arg5 : memref<4800x3xf32, #tpu.memory_space<vmem>>) target(%dma_start3A_225 : memref<4800x3xf32, #tpu.memory_space<hbm>>) target_semaphore(%run_scoped3A : memref<!tpu.dma_semaphore, #tpu.memory_space<semaphore_mem>>)
      %dma_wait3A = arith.constant 0 : i32
      %dma_wait3A_226 = tpu.memref_slice %arg3[%mul3A_180, %dma_wait3A] : memref<614400x3xf32, #tpu.memory_space<hbm>> -> memref<4800x3xf32, #tpu.memory_space<hbm>>
      %dma_wait3A_227 = arith.constant 0 : i32
      %dma_wait3A_228 = tpu.memref_slice %arg3[%mul3A_180, %dma_wait3A_227] : memref<614400x3xf32, #tpu.memory_space<hbm>> -> memref<4800x3xf32, #tpu.memory_space<hbm>>
      tpu.wait_dma2 semaphore(%run_scoped3A : memref<!tpu.dma_semaphore, #tpu.memory_space<semaphore_mem>>) src(%arg5 : memref<4800x3xf32, #tpu.memory_space<vmem>>) dst(%dma_wait3A_228 : memref<4800x3xf32, #tpu.memory_space<hbm>>)
      tpu.yield
    }) : () -> ()
    %mul3A_181 = arith.constant 4 : i32
    %mul3A_182 = arith.muli %add3A, %mul3A_181 : i32
    %add3A_183 = arith.constant 1 : i32
    %add3A_184 = arith.addi %mul3A_182, %add3A_183 : i32
    %mul3A_185 = arith.constant 14400 : i32
    %mul3A_186 = arith.muli %add3A_184, %mul3A_185 : i32
    "tpu.region"() ({
      %run_scoped3A = tpu.sem_alloc : memref<!tpu.dma_semaphore, #tpu.memory_space<semaphore_mem>>
      %dma_start3A = tpu.memref_slice %arg2[%mul3A_186] : memref<1843200xf32, #tpu.memory_space<hbm>> -> memref<14400xf32, #tpu.memory_space<hbm>>
      %dma_start3A_223 = tpu.memref_slice %arg2[%mul3A_186] : memref<1843200xf32, #tpu.memory_space<hbm>> -> memref<14400xf32, #tpu.memory_space<hbm>>
      tpu.enqueue_dma source(%dma_start3A_223 : memref<14400xf32, #tpu.memory_space<hbm>>) target(%arg4 : memref<14400xf32, #tpu.memory_space<vmem>>) target_semaphore(%run_scoped3A : memref<!tpu.dma_semaphore, #tpu.memory_space<semaphore_mem>>)
      %dma_wait3A = tpu.memref_slice %arg2[%mul3A_186] : memref<1843200xf32, #tpu.memory_space<hbm>> -> memref<14400xf32, #tpu.memory_space<hbm>>
      %dma_wait3A_224 = tpu.memref_slice %arg2[%mul3A_186] : memref<1843200xf32, #tpu.memory_space<hbm>> -> memref<14400xf32, #tpu.memory_space<hbm>>
      tpu.wait_dma2 semaphore(%run_scoped3A : memref<!tpu.dma_semaphore, #tpu.memory_space<semaphore_mem>>) src(%dma_wait3A_224 : memref<14400xf32, #tpu.memory_space<hbm>>) dst(%arg4 : memref<14400xf32, #tpu.memory_space<vmem>>)
      tpu.yield
    }) : () -> ()
    %scan3A_187 = arith.constant 0 : i32
    %scan3A_188 = arith.constant 0 : i32
    %scan3A_189 = arith.constant 300 : i32
    %scan3A_190 = arith.addi %scan3A_188, %scan3A_189 : i32
    %scan3A_191 = arith.constant 1 : i32
    scf.for %scan3A_223 = %scan3A_188 to %scan3A_190 step %scan3A_191  : i32 {
      %mul3A_224 = arith.constant 3 : i32
      %mul3A_225 = arith.muli %scan3A_223, %mul3A_224 : i32
      %add3A_226 = arith.constant 0 : i32
      %add3A_227 = arith.addi %mul3A_225, %add3A_226 : i32
      %mul3A_228 = arith.constant 16 : i32
      %mul3A_229 = arith.muli %add3A_227, %mul3A_228 : i32
      %get3A = arith.index_cast %mul3A_229 : i32 to index
      %get3A_230 = tpu.vector_load %arg4[%get3A] {strides = array<i32>} : memref<14400xf32, #tpu.memory_space<vmem>>, vector<16xf32>,
      %mul3A_231 = arith.constant 16 : i32
      %mul3A_232 = arith.muli %scan3A_223, %mul3A_231 : i32
      %add3A_233 = vector.broadcast %mul3A_232 : i32 to vector<16xi32>
      %add3A_234 = arith.addi %add3A_233, %select_n3A : vector<16xi32>
      tpu.vector_store_idx %arg5[%add3A_234, %select_n3A_117], %get3A_230 : memref<4800x3xf32, #tpu.memory_space<vmem>>[vector<16xi32>, vector<16xi32>], vector<16xf32>,
      %mul3A_235 = arith.constant 3 : i32
      %mul3A_236 = arith.muli %scan3A_223, %mul3A_235 : i32
      %add3A_237 = arith.constant 1 : i32
      %add3A_238 = arith.addi %mul3A_236, %add3A_237 : i32
      %mul3A_239 = arith.constant 16 : i32
      %mul3A_240 = arith.muli %add3A_238, %mul3A_239 : i32
      %get3A_241 = arith.index_cast %mul3A_240 : i32 to index
      %get3A_242 = tpu.vector_load %arg4[%get3A_241] {strides = array<i32>} : memref<14400xf32, #tpu.memory_space<vmem>>, vector<16xf32>,
      %mul3A_243 = arith.constant 16 : i32
      %mul3A_244 = arith.muli %scan3A_223, %mul3A_243 : i32
      %add3A_245 = vector.broadcast %mul3A_244 : i32 to vector<16xi32>
      %add3A_246 = arith.addi %add3A_245, %select_n3A_60 : vector<16xi32>
      tpu.vector_store_idx %arg5[%add3A_246, %select_n3A_142], %get3A_242 : memref<4800x3xf32, #tpu.memory_space<vmem>>[vector<16xi32>, vector<16xi32>], vector<16xf32>,
      %mul3A_247 = arith.constant 3 : i32
      %mul3A_248 = arith.muli %scan3A_223, %mul3A_247 : i32
      %add3A_249 = arith.constant 2 : i32
      %add3A_250 = arith.addi %mul3A_248, %add3A_249 : i32
      %mul3A_251 = arith.constant 16 : i32
      %mul3A_252 = arith.muli %add3A_250, %mul3A_251 : i32
      %get3A_253 = arith.index_cast %mul3A_252 : i32 to index
      %get3A_254 = tpu.vector_load %arg4[%get3A_253] {strides = array<i32>} : memref<14400xf32, #tpu.memory_space<vmem>>, vector<16xf32>,
      %mul3A_255 = arith.constant 16 : i32
      %mul3A_256 = arith.muli %scan3A_223, %mul3A_255 : i32
      %add3A_257 = vector.broadcast %mul3A_256 : i32 to vector<16xi32>
      %add3A_258 = arith.addi %add3A_257, %select_n3A_94 : vector<16xi32>
      tpu.vector_store_idx %arg5[%add3A_258, %select_n3A_167], %get3A_254 : memref<4800x3xf32, #tpu.memory_space<vmem>>[vector<16xi32>, vector<16xi32>], vector<16xf32>,
    }
    %scan3A_192 = arith.constant 300 : i32
    %mul3A_193 = arith.constant 4800 : i32
    %mul3A_194 = arith.muli %add3A_184, %mul3A_193 : i32
    "tpu.region"() ({
      %run_scoped3A = tpu.sem_alloc : memref<!tpu.dma_semaphore, #tpu.memory_space<semaphore_mem>>
      %dma_start3A = arith.constant 0 : i32
      %dma_start3A_223 = tpu.memref_slice %arg3[%mul3A_194, %dma_start3A] : memref<614400x3xf32, #tpu.memory_space<hbm>> -> memref<4800x3xf32, #tpu.memory_space<hbm>>
      %dma_start3A_224 = arith.constant 0 : i32
      %dma_start3A_225 = tpu.memref_slice %arg3[%mul3A_194, %dma_start3A_224] : memref<614400x3xf32, #tpu.memory_space<hbm>> -> memref<4800x3xf32, #tpu.memory_space<hbm>>
      tpu.enqueue_dma source(%arg5 : memref<4800x3xf32, #tpu.memory_space<vmem>>) target(%dma_start3A_225 : memref<4800x3xf32, #tpu.memory_space<hbm>>) target_semaphore(%run_scoped3A : memref<!tpu.dma_semaphore, #tpu.memory_space<semaphore_mem>>)
      %dma_wait3A = arith.constant 0 : i32
      %dma_wait3A_226 = tpu.memref_slice %arg3[%mul3A_194, %dma_wait3A] : memref<614400x3xf32, #tpu.memory_space<hbm>> -> memref<4800x3xf32, #tpu.memory_space<hbm>>
      %dma_wait3A_227 = arith.constant 0 : i32
      %dma_wait3A_228 = tpu.memref_slice %arg3[%mul3A_194, %dma_wait3A_227] : memref<614400x3xf32, #tpu.memory_space<hbm>> -> memref<4800x3xf32, #tpu.memory_space<hbm>>
      tpu.wait_dma2 semaphore(%run_scoped3A : memref<!tpu.dma_semaphore, #tpu.memory_space<semaphore_mem>>) src(%arg5 : memref<4800x3xf32, #tpu.memory_space<vmem>>) dst(%dma_wait3A_228 : memref<4800x3xf32, #tpu.memory_space<hbm>>)
      tpu.yield
    }) : () -> ()
    %mul3A_195 = arith.constant 4 : i32
    %mul3A_196 = arith.muli %add3A, %mul3A_195 : i32
    %add3A_197 = arith.constant 2 : i32
    %add3A_198 = arith.addi %mul3A_196, %add3A_197 : i32
    %mul3A_199 = arith.constant 14400 : i32
    %mul3A_200 = arith.muli %add3A_198, %mul3A_199 : i32
    "tpu.region"() ({
      %run_scoped3A = tpu.sem_alloc : memref<!tpu.dma_semaphore, #tpu.memory_space<semaphore_mem>>
      %dma_start3A = tpu.memref_slice %arg2[%mul3A_200] : memref<1843200xf32, #tpu.memory_space<hbm>> -> memref<14400xf32, #tpu.memory_space<hbm>>
      %dma_start3A_223 = tpu.memref_slice %arg2[%mul3A_200] : memref<1843200xf32, #tpu.memory_space<hbm>> -> memref<14400xf32, #tpu.memory_space<hbm>>
      tpu.enqueue_dma source(%dma_start3A_223 : memref<14400xf32, #tpu.memory_space<hbm>>) target(%arg4 : memref<14400xf32, #tpu.memory_space<vmem>>) target_semaphore(%run_scoped3A : memref<!tpu.dma_semaphore, #tpu.memory_space<semaphore_mem>>)
      %dma_wait3A = tpu.memref_slice %arg2[%mul3A_200] : memref<1843200xf32, #tpu.memory_space<hbm>> -> memref<14400xf32, #tpu.memory_space<hbm>>
      %dma_wait3A_224 = tpu.memref_slice %arg2[%mul3A_200] : memref<1843200xf32, #tpu.memory_space<hbm>> -> memref<14400xf32, #tpu.memory_space<hbm>>
      tpu.wait_dma2 semaphore(%run_scoped3A : memref<!tpu.dma_semaphore, #tpu.memory_space<semaphore_mem>>) src(%dma_wait3A_224 : memref<14400xf32, #tpu.memory_space<hbm>>) dst(%arg4 : memref<14400xf32, #tpu.memory_space<vmem>>)
      tpu.yield
    }) : () -> ()
    %scan3A_201 = arith.constant 0 : i32
    %scan3A_202 = arith.constant 0 : i32
    %scan3A_203 = arith.constant 300 : i32
    %scan3A_204 = arith.addi %scan3A_202, %scan3A_203 : i32
    %scan3A_205 = arith.constant 1 : i32
    scf.for %scan3A_223 = %scan3A_202 to %scan3A_204 step %scan3A_205  : i32 {
      %mul3A_224 = arith.constant 3 : i32
      %mul3A_225 = arith.muli %scan3A_223, %mul3A_224 : i32
      %add3A_226 = arith.constant 0 : i32
      %add3A_227 = arith.addi %mul3A_225, %add3A_226 : i32
      %mul3A_228 = arith.constant 16 : i32
      %mul3A_229 = arith.muli %add3A_227, %mul3A_228 : i32
      %get3A = arith.index_cast %mul3A_229 : i32 to index
      %get3A_230 = tpu.vector_load %arg4[%get3A] {strides = array<i32>} : memref<14400xf32, #tpu.memory_space<vmem>>, vector<16xf32>,
      %mul3A_231 = arith.constant 16 : i32
      %mul3A_232 = arith.muli %scan3A_223, %mul3A_231 : i32
      %add3A_233 = vector.broadcast %mul3A_232 : i32 to vector<16xi32>
      %add3A_234 = arith.addi %add3A_233, %select_n3A : vector<16xi32>
      tpu.vector_store_idx %arg5[%add3A_234, %select_n3A_117], %get3A_230 : memref<4800x3xf32, #tpu.memory_space<vmem>>[vector<16xi32>, vector<16xi32>], vector<16xf32>,
      %mul3A_235 = arith.constant 3 : i32
      %mul3A_236 = arith.muli %scan3A_223, %mul3A_235 : i32
      %add3A_237 = arith.constant 1 : i32
      %add3A_238 = arith.addi %mul3A_236, %add3A_237 : i32
      %mul3A_239 = arith.constant 16 : i32
      %mul3A_240 = arith.muli %add3A_238, %mul3A_239 : i32
      %get3A_241 = arith.index_cast %mul3A_240 : i32 to index
      %get3A_242 = tpu.vector_load %arg4[%get3A_241] {strides = array<i32>} : memref<14400xf32, #tpu.memory_space<vmem>>, vector<16xf32>,
      %mul3A_243 = arith.constant 16 : i32
      %mul3A_244 = arith.muli %scan3A_223, %mul3A_243 : i32
      %add3A_245 = vector.broadcast %mul3A_244 : i32 to vector<16xi32>
      %add3A_246 = arith.addi %add3A_245, %select_n3A_60 : vector<16xi32>
      tpu.vector_store_idx %arg5[%add3A_246, %select_n3A_142], %get3A_242 : memref<4800x3xf32, #tpu.memory_space<vmem>>[vector<16xi32>, vector<16xi32>], vector<16xf32>,
      %mul3A_247 = arith.constant 3 : i32
      %mul3A_248 = arith.muli %scan3A_223, %mul3A_247 : i32
      %add3A_249 = arith.constant 2 : i32
      %add3A_250 = arith.addi %mul3A_248, %add3A_249 : i32
      %mul3A_251 = arith.constant 16 : i32
      %mul3A_252 = arith.muli %add3A_250, %mul3A_251 : i32
      %get3A_253 = arith.index_cast %mul3A_252 : i32 to index
      %get3A_254 = tpu.vector_load %arg4[%get3A_253] {strides = array<i32>} : memref<14400xf32, #tpu.memory_space<vmem>>, vector<16xf32>,
      %mul3A_255 = arith.constant 16 : i32
      %mul3A_256 = arith.muli %scan3A_223, %mul3A_255 : i32
      %add3A_257 = vector.broadcast %mul3A_256 : i32 to vector<16xi32>
      %add3A_258 = arith.addi %add3A_257, %select_n3A_94 : vector<16xi32>
      tpu.vector_store_idx %arg5[%add3A_258, %select_n3A_167], %get3A_254 : memref<4800x3xf32, #tpu.memory_space<vmem>>[vector<16xi32>, vector<16xi32>], vector<16xf32>,
    }
    %scan3A_206 = arith.constant 300 : i32
    %mul3A_207 = arith.constant 4800 : i32
    %mul3A_208 = arith.muli %add3A_198, %mul3A_207 : i32
    "tpu.region"() ({
      %run_scoped3A = tpu.sem_alloc : memref<!tpu.dma_semaphore, #tpu.memory_space<semaphore_mem>>
      %dma_start3A = arith.constant 0 : i32
      %dma_start3A_223 = tpu.memref_slice %arg3[%mul3A_208, %dma_start3A] : memref<614400x3xf32, #tpu.memory_space<hbm>> -> memref<4800x3xf32, #tpu.memory_space<hbm>>
      %dma_start3A_224 = arith.constant 0 : i32
      %dma_start3A_225 = tpu.memref_slice %arg3[%mul3A_208, %dma_start3A_224] : memref<614400x3xf32, #tpu.memory_space<hbm>> -> memref<4800x3xf32, #tpu.memory_space<hbm>>
      tpu.enqueue_dma source(%arg5 : memref<4800x3xf32, #tpu.memory_space<vmem>>) target(%dma_start3A_225 : memref<4800x3xf32, #tpu.memory_space<hbm>>) target_semaphore(%run_scoped3A : memref<!tpu.dma_semaphore, #tpu.memory_space<semaphore_mem>>)
      %dma_wait3A = arith.constant 0 : i32
      %dma_wait3A_226 = tpu.memref_slice %arg3[%mul3A_208, %dma_wait3A] : memref<614400x3xf32, #tpu.memory_space<hbm>> -> memref<4800x3xf32, #tpu.memory_space<hbm>>
      %dma_wait3A_227 = arith.constant 0 : i32
      %dma_wait3A_228 = tpu.memref_slice %arg3[%mul3A_208, %dma_wait3A_227] : memref<614400x3xf32, #tpu.memory_space<hbm>> -> memref<4800x3xf32, #tpu.memory_space<hbm>>
      tpu.wait_dma2 semaphore(%run_scoped3A : memref<!tpu.dma_semaphore, #tpu.memory_space<semaphore_mem>>) src(%arg5 : memref<4800x3xf32, #tpu.memory_space<vmem>>) dst(%dma_wait3A_228 : memref<4800x3xf32, #tpu.memory_space<hbm>>)
      tpu.yield
    }) : () -> ()
    %mul3A_209 = arith.constant 4 : i32
    %mul3A_210 = arith.muli %add3A, %mul3A_209 : i32
    %add3A_211 = arith.constant 3 : i32
    %add3A_212 = arith.addi %mul3A_210, %add3A_211 : i32
    %mul3A_213 = arith.constant 14400 : i32
    %mul3A_214 = arith.muli %add3A_212, %mul3A_213 : i32
    "tpu.region"() ({
      %run_scoped3A = tpu.sem_alloc : memref<!tpu.dma_semaphore, #tpu.memory_space<semaphore_mem>>
      %dma_start3A = tpu.memref_slice %arg2[%mul3A_214] : memref<1843200xf32, #tpu.memory_space<hbm>> -> memref<14400xf32, #tpu.memory_space<hbm>>
      %dma_start3A_223 = tpu.memref_slice %arg2[%mul3A_214] : memref<1843200xf32, #tpu.memory_space<hbm>> -> memref<14400xf32, #tpu.memory_space<hbm>>
      tpu.enqueue_dma source(%dma_start3A_223 : memref<14400xf32, #tpu.memory_space<hbm>>) target(%arg4 : memref<14400xf32, #tpu.memory_space<vmem>>) target_semaphore(%run_scoped3A : memref<!tpu.dma_semaphore, #tpu.memory_space<semaphore_mem>>)
      %dma_wait3A = tpu.memref_slice %arg2[%mul3A_214] : memref<1843200xf32, #tpu.memory_space<hbm>> -> memref<14400xf32, #tpu.memory_space<hbm>>
      %dma_wait3A_224 = tpu.memref_slice %arg2[%mul3A_214] : memref<1843200xf32, #tpu.memory_space<hbm>> -> memref<14400xf32, #tpu.memory_space<hbm>>
      tpu.wait_dma2 semaphore(%run_scoped3A : memref<!tpu.dma_semaphore, #tpu.memory_space<semaphore_mem>>) src(%dma_wait3A_224 : memref<14400xf32, #tpu.memory_space<hbm>>) dst(%arg4 : memref<14400xf32, #tpu.memory_space<vmem>>)
      tpu.yield
    }) : () -> ()
    %scan3A_215 = arith.constant 0 : i32
    %scan3A_216 = arith.constant 0 : i32
    %scan3A_217 = arith.constant 300 : i32
    %scan3A_218 = arith.addi %scan3A_216, %scan3A_217 : i32
    %scan3A_219 = arith.constant 1 : i32
    scf.for %scan3A_223 = %scan3A_216 to %scan3A_218 step %scan3A_219  : i32 {
      %mul3A_224 = arith.constant 3 : i32
      %mul3A_225 = arith.muli %scan3A_223, %mul3A_224 : i32
      %add3A_226 = arith.constant 0 : i32
      %add3A_227 = arith.addi %mul3A_225, %add3A_226 : i32
      %mul3A_228 = arith.constant 16 : i32
      %mul3A_229 = arith.muli %add3A_227, %mul3A_228 : i32
      %get3A = arith.index_cast %mul3A_229 : i32 to index
      %get3A_230 = tpu.vector_load %arg4[%get3A] {strides = array<i32>} : memref<14400xf32, #tpu.memory_space<vmem>>, vector<16xf32>,
      %mul3A_231 = arith.constant 16 : i32
      %mul3A_232 = arith.muli %scan3A_223, %mul3A_231 : i32
      %add3A_233 = vector.broadcast %mul3A_232 : i32 to vector<16xi32>
      %add3A_234 = arith.addi %add3A_233, %select_n3A : vector<16xi32>
      tpu.vector_store_idx %arg5[%add3A_234, %select_n3A_117], %get3A_230 : memref<4800x3xf32, #tpu.memory_space<vmem>>[vector<16xi32>, vector<16xi32>], vector<16xf32>,
      %mul3A_235 = arith.constant 3 : i32
      %mul3A_236 = arith.muli %scan3A_223, %mul3A_235 : i32
      %add3A_237 = arith.constant 1 : i32
      %add3A_238 = arith.addi %mul3A_236, %add3A_237 : i32
      %mul3A_239 = arith.constant 16 : i32
      %mul3A_240 = arith.muli %add3A_238, %mul3A_239 : i32
      %get3A_241 = arith.index_cast %mul3A_240 : i32 to index
      %get3A_242 = tpu.vector_load %arg4[%get3A_241] {strides = array<i32>} : memref<14400xf32, #tpu.memory_space<vmem>>, vector<16xf32>,
      %mul3A_243 = arith.constant 16 : i32
      %mul3A_244 = arith.muli %scan3A_223, %mul3A_243 : i32
      %add3A_245 = vector.broadcast %mul3A_244 : i32 to vector<16xi32>
      %add3A_246 = arith.addi %add3A_245, %select_n3A_60 : vector<16xi32>
      tpu.vector_store_idx %arg5[%add3A_246, %select_n3A_142], %get3A_242 : memref<4800x3xf32, #tpu.memory_space<vmem>>[vector<16xi32>, vector<16xi32>], vector<16xf32>,
      %mul3A_247 = arith.constant 3 : i32
      %mul3A_248 = arith.muli %scan3A_223, %mul3A_247 : i32
      %add3A_249 = arith.constant 2 : i32
      %add3A_250 = arith.addi %mul3A_248, %add3A_249 : i32
      %mul3A_251 = arith.constant 16 : i32
      %mul3A_252 = arith.muli %add3A_250, %mul3A_251 : i32
      %get3A_253 = arith.index_cast %mul3A_252 : i32 to index
      %get3A_254 = tpu.vector_load %arg4[%get3A_253] {strides = array<i32>} : memref<14400xf32, #tpu.memory_space<vmem>>, vector<16xf32>,
      %mul3A_255 = arith.constant 16 : i32
      %mul3A_256 = arith.muli %scan3A_223, %mul3A_255 : i32
      %add3A_257 = vector.broadcast %mul3A_256 : i32 to vector<16xi32>
      %add3A_258 = arith.addi %add3A_257, %select_n3A_94 : vector<16xi32>
      tpu.vector_store_idx %arg5[%add3A_258, %select_n3A_167], %get3A_254 : memref<4800x3xf32, #tpu.memory_space<vmem>>[vector<16xi32>, vector<16xi32>], vector<16xf32>,
    }
    %scan3A_220 = arith.constant 300 : i32
    %mul3A_221 = arith.constant 4800 : i32
    %mul3A_222 = arith.muli %add3A_212, %mul3A_221 : i32
    "tpu.region"() ({
      %run_scoped3A = tpu.sem_alloc : memref<!tpu.dma_semaphore, #tpu.memory_space<semaphore_mem>>
      %dma_start3A = arith.constant 0 : i32
      %dma_start3A_223 = tpu.memref_slice %arg3[%mul3A_222, %dma_start3A] : memref<614400x3xf32, #tpu.memory_space<hbm>> -> memref<4800x3xf32, #tpu.memory_space<hbm>>
      %dma_start3A_224 = arith.constant 0 : i32
      %dma_start3A_225 = tpu.memref_slice %arg3[%mul3A_222, %dma_start3A_224] : memref<614400x3xf32, #tpu.memory_space<hbm>> -> memref<4800x3xf32, #tpu.memory_space<hbm>>
      tpu.enqueue_dma source(%arg5 : memref<4800x3xf32, #tpu.memory_space<vmem>>) target(%dma_start3A_225 : memref<4800x3xf32, #tpu.memory_space<hbm>>) target_semaphore(%run_scoped3A : memref<!tpu.dma_semaphore, #tpu.memory_space<semaphore_mem>>)
      %dma_wait3A = arith.constant 0 : i32
      %dma_wait3A_226 = tpu.memref_slice %arg3[%mul3A_222, %dma_wait3A] : memref<614400x3xf32, #tpu.memory_space<hbm>> -> memref<4800x3xf32, #tpu.memory_space<hbm>>
      %dma_wait3A_227 = arith.constant 0 : i32
      %dma_wait3A_228 = tpu.memref_slice %arg3[%mul3A_222, %dma_wait3A_227] : memref<614400x3xf32, #tpu.memory_space<hbm>> -> memref<4800x3xf32, #tpu.memory_space<hbm>>
      tpu.wait_dma2 semaphore(%run_scoped3A : memref<!tpu.dma_semaphore, #tpu.memory_space<semaphore_mem>>) src(%arg5 : memref<4800x3xf32, #tpu.memory_space<vmem>>) dst(%dma_wait3A_228 : memref<4800x3xf32, #tpu.memory_space<hbm>>)
      tpu.yield
    }) : () -> ()
    return
  }
}

#map = affine_map<(d0, d1) -> (0)>
#map1 = affine_map<(d0, d1) -> (0, 0)>
module attributes {stable_mosaic.version = 14 : i64} {
  func.func @_body(%arg0: i32, %arg1: i32, %arg2: memref<9830400xi32, #tpu.memory_space<hbm>>, %arg3: memref<614400x3xf32, #tpu.memory_space<hbm>>, %arg4: memref<1808xi32, #tpu.memory_space<hbm>>, %arg5: memref<1808xi32, #tpu.memory_space<hbm>>, %arg6: memref<1808xf32, #tpu.memory_space<hbm>>, %arg7: memref<16xf32, #tpu.memory_space<hbm>>, %arg8: memref<16384xf32, #tpu.memory_space<hbm>>, %arg9: memref<1x4800xi32, #tpu.memory_space<vmem>>, %arg10: memref<1x4800x3xf32, #tpu.memory_space<vmem>>, %arg11: memref<1808xi32, #tpu.memory_space<vmem>>, %arg12: memref<1808xi32, #tpu.memory_space<vmem>>, %arg13: memref<1808xf32, #tpu.memory_space<vmem>>, %arg14: memref<16xf32, #tpu.memory_space<vmem>>, %arg15: memref<512xf32, #tpu.memory_space<vmem>>, %arg16: memref<!tpu.dma_semaphore, #tpu.memory_space<semaphore_mem>>, %arg17: memref<!tpu.dma_semaphore, #tpu.memory_space<semaphore_mem>>) attributes {dimension_semantics = [#tpu.dimension_semantics<core_parallel>, #tpu.dimension_semantics<subcore_parallel>], iteration_bounds = array<i64: 2, 16>, scalar_prefetch = 0 : i64, scratch_operands = 9 : i64, tpu.core_type = #tpu.core_type<sc_vector_subcore>, window_params = [{transform_indices = #map}, {transform_indices = #map1}, {transform_indices = #map}, {transform_indices = #map}, {transform_indices = #map}, {transform_indices = #map}, {transform_indices = #map}]} {
    %mul3A = arith.constant 2 : i32
    %mul3A_0 = arith.muli %arg1, %mul3A : i32
    %add3A = arith.addi %mul3A_0, %arg0 : i32
    %iota3A = tpu.iota {dimensions = array<i32: 0>} : vector<16xi32>
    %eq3A = arith.constant 0 : i32
    %eq3A_1 = vector.broadcast %eq3A : i32 to vector<16xi32>
    %eq3A_2 = arith.cmpi eq, %iota3A, %eq3A_1 : vector<16xi32>
    "tpu.region"() ({
      %run_scoped3A_25 = tpu.sem_alloc : memref<!tpu.dma_semaphore, #tpu.memory_space<semaphore_mem>>
      tpu.enqueue_dma source(%arg4 : memref<1808xi32, #tpu.memory_space<hbm>>) target(%arg11 : memref<1808xi32, #tpu.memory_space<vmem>>) target_semaphore(%run_scoped3A_25 : memref<!tpu.dma_semaphore, #tpu.memory_space<semaphore_mem>>)
      tpu.wait_dma2 semaphore(%run_scoped3A_25 : memref<!tpu.dma_semaphore, #tpu.memory_space<semaphore_mem>>) src(%arg4 : memref<1808xi32, #tpu.memory_space<hbm>>) dst(%arg11 : memref<1808xi32, #tpu.memory_space<vmem>>)
      tpu.yield
    }) : () -> ()
    "tpu.region"() ({
      %run_scoped3A_25 = tpu.sem_alloc : memref<!tpu.dma_semaphore, #tpu.memory_space<semaphore_mem>>
      tpu.enqueue_dma source(%arg5 : memref<1808xi32, #tpu.memory_space<hbm>>) target(%arg12 : memref<1808xi32, #tpu.memory_space<vmem>>) target_semaphore(%run_scoped3A_25 : memref<!tpu.dma_semaphore, #tpu.memory_space<semaphore_mem>>)
      tpu.wait_dma2 semaphore(%run_scoped3A_25 : memref<!tpu.dma_semaphore, #tpu.memory_space<semaphore_mem>>) src(%arg5 : memref<1808xi32, #tpu.memory_space<hbm>>) dst(%arg12 : memref<1808xi32, #tpu.memory_space<vmem>>)
      tpu.yield
    }) : () -> ()
    "tpu.region"() ({
      %run_scoped3A_25 = tpu.sem_alloc : memref<!tpu.dma_semaphore, #tpu.memory_space<semaphore_mem>>
      tpu.enqueue_dma source(%arg6 : memref<1808xf32, #tpu.memory_space<hbm>>) target(%arg13 : memref<1808xf32, #tpu.memory_space<vmem>>) target_semaphore(%run_scoped3A_25 : memref<!tpu.dma_semaphore, #tpu.memory_space<semaphore_mem>>)
      tpu.wait_dma2 semaphore(%run_scoped3A_25 : memref<!tpu.dma_semaphore, #tpu.memory_space<semaphore_mem>>) src(%arg6 : memref<1808xf32, #tpu.memory_space<hbm>>) dst(%arg13 : memref<1808xf32, #tpu.memory_space<vmem>>)
      tpu.yield
    }) : () -> ()
    "tpu.region"() ({
      %run_scoped3A_25 = tpu.sem_alloc : memref<!tpu.dma_semaphore, #tpu.memory_space<semaphore_mem>>
      tpu.enqueue_dma source(%arg7 : memref<16xf32, #tpu.memory_space<hbm>>) target(%arg14 : memref<16xf32, #tpu.memory_space<vmem>>) target_semaphore(%run_scoped3A_25 : memref<!tpu.dma_semaphore, #tpu.memory_space<semaphore_mem>>)
      tpu.wait_dma2 semaphore(%run_scoped3A_25 : memref<!tpu.dma_semaphore, #tpu.memory_space<semaphore_mem>>) src(%arg7 : memref<16xf32, #tpu.memory_space<hbm>>) dst(%arg14 : memref<16xf32, #tpu.memory_space<vmem>>)
      tpu.yield
    }) : () -> ()
    %mul3A_3 = arith.constant 512 : i32
    %mul3A_4 = arith.muli %add3A, %mul3A_3 : i32
    %add3A_5 = arith.constant 0 : i32
    %add3A_6 = arith.addi %mul3A_4, %add3A_5 : i32
    %mul3A_7 = arith.constant 600 : i32
    %mul3A_8 = arith.muli %add3A_6, %mul3A_7 : i32
    %run_scoped3A = arith.constant 0 : i32
    "tpu.region"() ({
      %run_scoped3A_25 = tpu.sem_alloc : memref<!tpu.dma_semaphore, #tpu.memory_space<semaphore_mem>>
      %dma_start3A_26 = arith.constant 0 : i32
      %dma_start3A_27 = tpu.memref_slice %arg9[%run_scoped3A, %dma_start3A_26] : memref<1x4800xi32, #tpu.memory_space<vmem>> -> memref<1x4800xi32, #tpu.memory_space<vmem>>
      %dma_start3A_28 = tpu.memref_squeeze %dma_start3A_27 : memref<1x4800xi32, #tpu.memory_space<vmem>> -> memref<4800xi32, #tpu.memory_space<vmem>>
      %dma_start3A_29 = tpu.memref_slice %arg2[%mul3A_8] : memref<9830400xi32, #tpu.memory_space<hbm>> -> memref<4800xi32, #tpu.memory_space<hbm>>
      %dma_start3A_30 = arith.constant 0 : i32
      %dma_start3A_31 = tpu.memref_slice %arg9[%run_scoped3A, %dma_start3A_30] : memref<1x4800xi32, #tpu.memory_space<vmem>> -> memref<1x4800xi32, #tpu.memory_space<vmem>>
      %dma_start3A_32 = tpu.memref_squeeze %dma_start3A_31 : memref<1x4800xi32, #tpu.memory_space<vmem>> -> memref<4800xi32, #tpu.memory_space<vmem>>
      %dma_start3A_33 = tpu.memref_slice %arg2[%mul3A_8] : memref<9830400xi32, #tpu.memory_space<hbm>> -> memref<4800xi32, #tpu.memory_space<hbm>>
      tpu.enqueue_dma source(%dma_start3A_33 : memref<4800xi32, #tpu.memory_space<hbm>>) target(%dma_start3A_32 : memref<4800xi32, #tpu.memory_space<vmem>>) target_semaphore(%run_scoped3A_25 : memref<!tpu.dma_semaphore, #tpu.memory_space<semaphore_mem>>)
      %dma_wait3A = arith.constant 0 : i32
      %dma_wait3A_34 = tpu.memref_slice %arg9[%run_scoped3A, %dma_wait3A] : memref<1x4800xi32, #tpu.memory_space<vmem>> -> memref<1x4800xi32, #tpu.memory_space<vmem>>
      %dma_wait3A_35 = tpu.memref_squeeze %dma_wait3A_34 : memref<1x4800xi32, #tpu.memory_space<vmem>> -> memref<4800xi32, #tpu.memory_space<vmem>>
      %dma_wait3A_36 = tpu.memref_slice %arg2[%mul3A_8] : memref<9830400xi32, #tpu.memory_space<hbm>> -> memref<4800xi32, #tpu.memory_space<hbm>>
      %dma_wait3A_37 = arith.constant 0 : i32
      %dma_wait3A_38 = tpu.memref_slice %arg9[%run_scoped3A, %dma_wait3A_37] : memref<1x4800xi32, #tpu.memory_space<vmem>> -> memref<1x4800xi32, #tpu.memory_space<vmem>>
      %dma_wait3A_39 = tpu.memref_squeeze %dma_wait3A_38 : memref<1x4800xi32, #tpu.memory_space<vmem>> -> memref<4800xi32, #tpu.memory_space<vmem>>
      %dma_wait3A_40 = tpu.memref_slice %arg2[%mul3A_8] : memref<9830400xi32, #tpu.memory_space<hbm>> -> memref<4800xi32, #tpu.memory_space<hbm>>
      tpu.wait_dma2 semaphore(%run_scoped3A_25 : memref<!tpu.dma_semaphore, #tpu.memory_space<semaphore_mem>>) src(%dma_wait3A_40 : memref<4800xi32, #tpu.memory_space<hbm>>) dst(%dma_wait3A_39 : memref<4800xi32, #tpu.memory_space<vmem>>)
      tpu.yield
    }) : () -> ()
    %dma_start3A = arith.constant 0 : i32
    %dma_start3A_9 = arith.constant 0 : i32
    %dma_start3A_10 = arith.constant 0 : i32
    %dma_start3A_11 = arith.constant 0 : i32
    %dma_start3A_12 = tpu.memref_slice %arg10[%dma_start3A_9, %dma_start3A_10, %dma_start3A_11] : memref<1x4800x3xf32, #tpu.memory_space<vmem>> -> memref<1x4800x3xf32, #tpu.memory_space<vmem>>
    %dma_start3A_13 = tpu.memref_squeeze %dma_start3A_12 : memref<1x4800x3xf32, #tpu.memory_space<vmem>> -> memref<4800x3xf32, #tpu.memory_space<vmem>>
    %dma_start3A_14 = arith.constant 0 : i32
    %dma_start3A_15 = tpu.memref_slice %arg9[%dma_start3A, %dma_start3A_14] : memref<1x4800xi32, #tpu.memory_space<vmem>> -> memref<1x4800xi32, #tpu.memory_space<vmem>>
    %dma_start3A_16 = tpu.memref_squeeze %dma_start3A_15 : memref<1x4800xi32, #tpu.memory_space<vmem>> -> memref<4800xi32, #tpu.memory_space<vmem>>
    %dma_start3A_17 = arith.constant 0 : i32
    %dma_start3A_18 = arith.constant 0 : i32
    %dma_start3A_19 = tpu.memref_slice %arg3[%dma_start3A_17, %dma_start3A_18] : memref<614400x3xf32, #tpu.memory_space<hbm>> -> memref<614400x3xf32, #tpu.memory_space<hbm>>
    tpu.enqueue_indirect_dma source(%dma_start3A_19 : memref<614400x3xf32, #tpu.memory_space<hbm>>) target(%dma_start3A_13 : memref<4800x3xf32, #tpu.memory_space<vmem>>) offsets(%dma_start3A_16 : memref<4800xi32, #tpu.memory_space<vmem>>) semaphore(%arg16 : memref<!tpu.dma_semaphore, #tpu.memory_space<semaphore_mem>>)
    %scan3A = arith.constant 0 : i32
    %scan3A_20 = arith.constant 0 : i32
    %scan3A_21 = arith.constant 64 : i32
    %scan3A_22 = arith.addi %scan3A_20, %scan3A_21 : i32
    %scan3A_23 = arith.constant 1 : i32
    scf.for %scan3A_25 = %scan3A_20 to %scan3A_22 step %scan3A_23  : i32 {
      %mul3A_26 = arith.constant 1 : i32
      %mul3A_27 = arith.muli %scan3A_25, %mul3A_26 : i32
      %add3A_28 = arith.constant 0 : i32
      %add3A_29 = arith.addi %mul3A_27, %add3A_28 : i32
      %dma_wait3A = arith.constant 0 : i32
      %dma_wait3A_30 = arith.constant 0 : i32
      %dma_wait3A_31 = arith.constant 0 : i32
      %dma_wait3A_32 = arith.constant 0 : i32
      %dma_wait3A_33 = tpu.memref_slice %arg10[%dma_wait3A_30, %dma_wait3A_31, %dma_wait3A_32] : memref<1x4800x3xf32, #tpu.memory_space<vmem>> -> memref<1x4800x3xf32, #tpu.memory_space<vmem>>
      %dma_wait3A_34 = tpu.memref_squeeze %dma_wait3A_33 : memref<1x4800x3xf32, #tpu.memory_space<vmem>> -> memref<4800x3xf32, #tpu.memory_space<vmem>>
      %dma_wait3A_35 = arith.constant 0 : i32
      %dma_wait3A_36 = tpu.memref_slice %arg9[%dma_wait3A, %dma_wait3A_35] : memref<1x4800xi32, #tpu.memory_space<vmem>> -> memref<1x4800xi32, #tpu.memory_space<vmem>>
      %dma_wait3A_37 = tpu.memref_squeeze %dma_wait3A_36 : memref<1x4800xi32, #tpu.memory_space<vmem>> -> memref<4800xi32, #tpu.memory_space<vmem>>
      %dma_wait3A_38 = arith.constant 0 : i32
      %dma_wait3A_39 = arith.constant 0 : i32
      %dma_wait3A_40 = tpu.memref_slice %arg3[%dma_wait3A_38, %dma_wait3A_39] : memref<614400x3xf32, #tpu.memory_space<hbm>> -> memref<614400x3xf32, #tpu.memory_space<hbm>>
      tpu.wait_indirect_dma semaphore(%arg16 : memref<!tpu.dma_semaphore, #tpu.memory_space<semaphore_mem>>) src(%dma_wait3A_40 : memref<614400x3xf32, #tpu.memory_space<hbm>>) dst(%dma_wait3A_34 : memref<4800x3xf32, #tpu.memory_space<vmem>>)
      %get3A = arith.constant 0 : index
      %get3A_41 = tpu.vector_load %arg14[%get3A] {strides = array<i32>} : memref<16xf32, #tpu.memory_space<vmem>>, vector<16xf32>,
      %scan3A_42 = arith.constant 0 : i32
      %scan3A_43 = arith.constant 0 : i32
      %scan3A_44 = arith.constant 113 : i32
      %scan3A_45 = arith.addi %scan3A_43, %scan3A_44 : i32
      %scan3A_46 = arith.constant 1 : i32
      %scan3A_47:8 = scf.for %scan3A_131 = %scan3A_43 to %scan3A_45 step %scan3A_46 iter_args(%scan3A_132 = %get3A_41, %scan3A_133 = %get3A_41, %scan3A_134 = %get3A_41, %scan3A_135 = %get3A_41, %scan3A_136 = %get3A_41, %scan3A_137 = %get3A_41, %scan3A_138 = %get3A_41, %scan3A_139 = %get3A_41) -> (vector<16xf32>, vector<16xf32>, vector<16xf32>, vector<16xf32>, vector<16xf32>, vector<16xf32>, vector<16xf32>, vector<16xf32>)  : i32 {
        %mul3A_140 = arith.constant 16 : i32
        %mul3A_141 = arith.muli %scan3A_131, %mul3A_140 : i32
        %get3A_142 = arith.index_cast %mul3A_141 : i32 to index
        %get3A_143 = tpu.vector_load %arg11[%get3A_142] {strides = array<i32>} : memref<1808xi32, #tpu.memory_space<vmem>>, vector<16xi32>,
        %get3A_144 = arith.index_cast %mul3A_141 : i32 to index
        %get3A_145 = tpu.vector_load %arg12[%get3A_144] {strides = array<i32>} : memref<1808xi32, #tpu.memory_space<vmem>>, vector<16xi32>,
        %get3A_146 = arith.index_cast %mul3A_141 : i32 to index
        %get3A_147 = tpu.vector_load %arg13[%get3A_146] {strides = array<i32>} : memref<1808xf32, #tpu.memory_space<vmem>>, vector<16xf32>,
        %add3A_148 = arith.constant 0 : i32
        %add3A_149 = vector.broadcast %add3A_148 : i32 to vector<16xi32>
        %add3A_150 = arith.addi %get3A_143, %add3A_149 : vector<16xi32>
        %gather3A = arith.constant 0 : i32
        %gather3A_151 = arith.constant 0 : i32
        %gather3A_152 = tpu.memref_slice %arg10[%scan3A_42, %gather3A, %gather3A_151] : memref<1x4800x3xf32, #tpu.memory_space<vmem>> -> memref<1x4800x3xf32, #tpu.memory_space<vmem>>
        %gather3A_153 = tpu.memref_squeeze %gather3A_152 : memref<1x4800x3xf32, #tpu.memory_space<vmem>> -> memref<4800x3xf32, #tpu.memory_space<vmem>>
        %gather3A_154 = tpu.vector_load_idx %gather3A_153[%add3A_150, %get3A_145] : memref<4800x3xf32, #tpu.memory_space<vmem>>[vector<16xi32>, vector<16xi32>], vector<16xf32>,
        %mul3A_155 = arith.mulf %gather3A_154, %get3A_147 : vector<16xf32>
        %add3A_156 = arith.addf %scan3A_132, %mul3A_155 : vector<16xf32>
        %add3A_157 = arith.constant 600 : i32
        %add3A_158 = vector.broadcast %add3A_157 : i32 to vector<16xi32>
        %add3A_159 = arith.addi %get3A_143, %add3A_158 : vector<16xi32>
        %gather3A_160 = arith.constant 0 : i32
        %gather3A_161 = arith.constant 0 : i32
        %gather3A_162 = tpu.memref_slice %arg10[%scan3A_42, %gather3A_160, %gather3A_161] : memref<1x4800x3xf32, #tpu.memory_space<vmem>> -> memref<1x4800x3xf32, #tpu.memory_space<vmem>>
        %gather3A_163 = tpu.memref_squeeze %gather3A_162 : memref<1x4800x3xf32, #tpu.memory_space<vmem>> -> memref<4800x3xf32, #tpu.memory_space<vmem>>
        %gather3A_164 = tpu.vector_load_idx %gather3A_163[%add3A_159, %get3A_145] : memref<4800x3xf32, #tpu.memory_space<vmem>>[vector<16xi32>, vector<16xi32>], vector<16xf32>,
        %mul3A_165 = arith.mulf %gather3A_164, %get3A_147 : vector<16xf32>
        %add3A_166 = arith.addf %scan3A_133, %mul3A_165 : vector<16xf32>
        %add3A_167 = arith.constant 1200 : i32
        %add3A_168 = vector.broadcast %add3A_167 : i32 to vector<16xi32>
        %add3A_169 = arith.addi %get3A_143, %add3A_168 : vector<16xi32>
        %gather3A_170 = arith.constant 0 : i32
        %gather3A_171 = arith.constant 0 : i32
        %gather3A_172 = tpu.memref_slice %arg10[%scan3A_42, %gather3A_170, %gather3A_171] : memref<1x4800x3xf32, #tpu.memory_space<vmem>> -> memref<1x4800x3xf32, #tpu.memory_space<vmem>>
        %gather3A_173 = tpu.memref_squeeze %gather3A_172 : memref<1x4800x3xf32, #tpu.memory_space<vmem>> -> memref<4800x3xf32, #tpu.memory_space<vmem>>
        %gather3A_174 = tpu.vector_load_idx %gather3A_173[%add3A_169, %get3A_145] : memref<4800x3xf32, #tpu.memory_space<vmem>>[vector<16xi32>, vector<16xi32>], vector<16xf32>,
        %mul3A_175 = arith.mulf %gather3A_174, %get3A_147 : vector<16xf32>
        %add3A_176 = arith.addf %scan3A_134, %mul3A_175 : vector<16xf32>
        %add3A_177 = arith.constant 1800 : i32
        %add3A_178 = vector.broadcast %add3A_177 : i32 to vector<16xi32>
        %add3A_179 = arith.addi %get3A_143, %add3A_178 : vector<16xi32>
        %gather3A_180 = arith.constant 0 : i32
        %gather3A_181 = arith.constant 0 : i32
        %gather3A_182 = tpu.memref_slice %arg10[%scan3A_42, %gather3A_180, %gather3A_181] : memref<1x4800x3xf32, #tpu.memory_space<vmem>> -> memref<1x4800x3xf32, #tpu.memory_space<vmem>>
        %gather3A_183 = tpu.memref_squeeze %gather3A_182 : memref<1x4800x3xf32, #tpu.memory_space<vmem>> -> memref<4800x3xf32, #tpu.memory_space<vmem>>
        %gather3A_184 = tpu.vector_load_idx %gather3A_183[%add3A_179, %get3A_145] : memref<4800x3xf32, #tpu.memory_space<vmem>>[vector<16xi32>, vector<16xi32>], vector<16xf32>,
        %mul3A_185 = arith.mulf %gather3A_184, %get3A_147 : vector<16xf32>
        %add3A_186 = arith.addf %scan3A_135, %mul3A_185 : vector<16xf32>
        %add3A_187 = arith.constant 2400 : i32
        %add3A_188 = vector.broadcast %add3A_187 : i32 to vector<16xi32>
        %add3A_189 = arith.addi %get3A_143, %add3A_188 : vector<16xi32>
        %gather3A_190 = arith.constant 0 : i32
        %gather3A_191 = arith.constant 0 : i32
        %gather3A_192 = tpu.memref_slice %arg10[%scan3A_42, %gather3A_190, %gather3A_191] : memref<1x4800x3xf32, #tpu.memory_space<vmem>> -> memref<1x4800x3xf32, #tpu.memory_space<vmem>>
        %gather3A_193 = tpu.memref_squeeze %gather3A_192 : memref<1x4800x3xf32, #tpu.memory_space<vmem>> -> memref<4800x3xf32, #tpu.memory_space<vmem>>
        %gather3A_194 = tpu.vector_load_idx %gather3A_193[%add3A_189, %get3A_145] : memref<4800x3xf32, #tpu.memory_space<vmem>>[vector<16xi32>, vector<16xi32>], vector<16xf32>,
        %mul3A_195 = arith.mulf %gather3A_194, %get3A_147 : vector<16xf32>
        %add3A_196 = arith.addf %scan3A_136, %mul3A_195 : vector<16xf32>
        %add3A_197 = arith.constant 3000 : i32
        %add3A_198 = vector.broadcast %add3A_197 : i32 to vector<16xi32>
        %add3A_199 = arith.addi %get3A_143, %add3A_198 : vector<16xi32>
        %gather3A_200 = arith.constant 0 : i32
        %gather3A_201 = arith.constant 0 : i32
        %gather3A_202 = tpu.memref_slice %arg10[%scan3A_42, %gather3A_200, %gather3A_201] : memref<1x4800x3xf32, #tpu.memory_space<vmem>> -> memref<1x4800x3xf32, #tpu.memory_space<vmem>>
        %gather3A_203 = tpu.memref_squeeze %gather3A_202 : memref<1x4800x3xf32, #tpu.memory_space<vmem>> -> memref<4800x3xf32, #tpu.memory_space<vmem>>
        %gather3A_204 = tpu.vector_load_idx %gather3A_203[%add3A_199, %get3A_145] : memref<4800x3xf32, #tpu.memory_space<vmem>>[vector<16xi32>, vector<16xi32>], vector<16xf32>,
        %mul3A_205 = arith.mulf %gather3A_204, %get3A_147 : vector<16xf32>
        %add3A_206 = arith.addf %scan3A_137, %mul3A_205 : vector<16xf32>
        %add3A_207 = arith.constant 3600 : i32
        %add3A_208 = vector.broadcast %add3A_207 : i32 to vector<16xi32>
        %add3A_209 = arith.addi %get3A_143, %add3A_208 : vector<16xi32>
        %gather3A_210 = arith.constant 0 : i32
        %gather3A_211 = arith.constant 0 : i32
        %gather3A_212 = tpu.memref_slice %arg10[%scan3A_42, %gather3A_210, %gather3A_211] : memref<1x4800x3xf32, #tpu.memory_space<vmem>> -> memref<1x4800x3xf32, #tpu.memory_space<vmem>>
        %gather3A_213 = tpu.memref_squeeze %gather3A_212 : memref<1x4800x3xf32, #tpu.memory_space<vmem>> -> memref<4800x3xf32, #tpu.memory_space<vmem>>
        %gather3A_214 = tpu.vector_load_idx %gather3A_213[%add3A_209, %get3A_145] : memref<4800x3xf32, #tpu.memory_space<vmem>>[vector<16xi32>, vector<16xi32>], vector<16xf32>,
        %mul3A_215 = arith.mulf %gather3A_214, %get3A_147 : vector<16xf32>
        %add3A_216 = arith.addf %scan3A_138, %mul3A_215 : vector<16xf32>
        %add3A_217 = arith.constant 4200 : i32
        %add3A_218 = vector.broadcast %add3A_217 : i32 to vector<16xi32>
        %add3A_219 = arith.addi %get3A_143, %add3A_218 : vector<16xi32>
        %gather3A_220 = arith.constant 0 : i32
        %gather3A_221 = arith.constant 0 : i32
        %gather3A_222 = tpu.memref_slice %arg10[%scan3A_42, %gather3A_220, %gather3A_221] : memref<1x4800x3xf32, #tpu.memory_space<vmem>> -> memref<1x4800x3xf32, #tpu.memory_space<vmem>>
        %gather3A_223 = tpu.memref_squeeze %gather3A_222 : memref<1x4800x3xf32, #tpu.memory_space<vmem>> -> memref<4800x3xf32, #tpu.memory_space<vmem>>
        %gather3A_224 = tpu.vector_load_idx %gather3A_223[%add3A_219, %get3A_145] : memref<4800x3xf32, #tpu.memory_space<vmem>>[vector<16xi32>, vector<16xi32>], vector<16xf32>,
        %mul3A_225 = arith.mulf %gather3A_224, %get3A_147 : vector<16xf32>
        %add3A_226 = arith.addf %scan3A_139, %mul3A_225 : vector<16xf32>
        scf.yield %add3A_156, %add3A_166, %add3A_176, %add3A_186, %add3A_196, %add3A_206, %add3A_216, %add3A_226 : vector<16xf32>, vector<16xf32>, vector<16xf32>, vector<16xf32>, vector<16xf32>, vector<16xf32>, vector<16xf32>, vector<16xf32>
      }
      %scan3A_48 = arith.constant 113 : i32
      %reduce_sum3A = arith.constant true
      %reduce_sum3A_49 = vector.broadcast %reduce_sum3A : i1 to vector<16xi1>
      %reduce_sum3A_50 = tpu.scan <sum>, %scan3A_47#0 masked %reduce_sum3A_49 : vector<16xf32>, vector<16xi1> -> vector<16xf32>
      %reduce_sum3A_51 = vector.extract %reduce_sum3A_50[15] : f32 from vector<16xf32>
      %mul3A_52 = arith.constant 8 : i32
      %mul3A_53 = arith.muli %add3A_29, %mul3A_52 : i32
      %add3A_54 = arith.constant 0 : i32
      %add3A_55 = arith.addi %mul3A_53, %add3A_54 : i32
      %broadcast_in_dim3A = vector.broadcast %add3A_55 : i32 to vector<16xi32>
      %broadcast_in_dim3A_56 = vector.broadcast %reduce_sum3A_51 : f32 to vector<16xf32>
      tpu.vector_store_idx %arg15[%broadcast_in_dim3A], %broadcast_in_dim3A_56 masked %eq3A_2 : memref<512xf32, #tpu.memory_space<vmem>>[vector<16xi32>], vector<16xf32>, vector<16xi1>
      %reduce_sum3A_57 = arith.constant true
      %reduce_sum3A_58 = vector.broadcast %reduce_sum3A_57 : i1 to vector<16xi1>
      %reduce_sum3A_59 = tpu.scan <sum>, %scan3A_47#1 masked %reduce_sum3A_58 : vector<16xf32>, vector<16xi1> -> vector<16xf32>
      %reduce_sum3A_60 = vector.extract %reduce_sum3A_59[15] : f32 from vector<16xf32>
      %mul3A_61 = arith.constant 8 : i32
      %mul3A_62 = arith.muli %add3A_29, %mul3A_61 : i32
      %add3A_63 = arith.constant 1 : i32
      %add3A_64 = arith.addi %mul3A_62, %add3A_63 : i32
      %broadcast_in_dim3A_65 = vector.broadcast %add3A_64 : i32 to vector<16xi32>
      %broadcast_in_dim3A_66 = vector.broadcast %reduce_sum3A_60 : f32 to vector<16xf32>
      tpu.vector_store_idx %arg15[%broadcast_in_dim3A_65], %broadcast_in_dim3A_66 masked %eq3A_2 : memref<512xf32, #tpu.memory_space<vmem>>[vector<16xi32>], vector<16xf32>, vector<16xi1>
      %reduce_sum3A_67 = arith.constant true
      %reduce_sum3A_68 = vector.broadcast %reduce_sum3A_67 : i1 to vector<16xi1>
      %reduce_sum3A_69 = tpu.scan <sum>, %scan3A_47#2 masked %reduce_sum3A_68 : vector<16xf32>, vector<16xi1> -> vector<16xf32>
      %reduce_sum3A_70 = vector.extract %reduce_sum3A_69[15] : f32 from vector<16xf32>
      %mul3A_71 = arith.constant 8 : i32
      %mul3A_72 = arith.muli %add3A_29, %mul3A_71 : i32
      %add3A_73 = arith.constant 2 : i32
      %add3A_74 = arith.addi %mul3A_72, %add3A_73 : i32
      %broadcast_in_dim3A_75 = vector.broadcast %add3A_74 : i32 to vector<16xi32>
      %broadcast_in_dim3A_76 = vector.broadcast %reduce_sum3A_70 : f32 to vector<16xf32>
      tpu.vector_store_idx %arg15[%broadcast_in_dim3A_75], %broadcast_in_dim3A_76 masked %eq3A_2 : memref<512xf32, #tpu.memory_space<vmem>>[vector<16xi32>], vector<16xf32>, vector<16xi1>
      %reduce_sum3A_77 = arith.constant true
      %reduce_sum3A_78 = vector.broadcast %reduce_sum3A_77 : i1 to vector<16xi1>
      %reduce_sum3A_79 = tpu.scan <sum>, %scan3A_47#3 masked %reduce_sum3A_78 : vector<16xf32>, vector<16xi1> -> vector<16xf32>
      %reduce_sum3A_80 = vector.extract %reduce_sum3A_79[15] : f32 from vector<16xf32>
      %mul3A_81 = arith.constant 8 : i32
      %mul3A_82 = arith.muli %add3A_29, %mul3A_81 : i32
      %add3A_83 = arith.constant 3 : i32
      %add3A_84 = arith.addi %mul3A_82, %add3A_83 : i32
      %broadcast_in_dim3A_85 = vector.broadcast %add3A_84 : i32 to vector<16xi32>
      %broadcast_in_dim3A_86 = vector.broadcast %reduce_sum3A_80 : f32 to vector<16xf32>
      tpu.vector_store_idx %arg15[%broadcast_in_dim3A_85], %broadcast_in_dim3A_86 masked %eq3A_2 : memref<512xf32, #tpu.memory_space<vmem>>[vector<16xi32>], vector<16xf32>, vector<16xi1>
      %reduce_sum3A_87 = arith.constant true
      %reduce_sum3A_88 = vector.broadcast %reduce_sum3A_87 : i1 to vector<16xi1>
      %reduce_sum3A_89 = tpu.scan <sum>, %scan3A_47#4 masked %reduce_sum3A_88 : vector<16xf32>, vector<16xi1> -> vector<16xf32>
      %reduce_sum3A_90 = vector.extract %reduce_sum3A_89[15] : f32 from vector<16xf32>
      %mul3A_91 = arith.constant 8 : i32
      %mul3A_92 = arith.muli %add3A_29, %mul3A_91 : i32
      %add3A_93 = arith.constant 4 : i32
      %add3A_94 = arith.addi %mul3A_92, %add3A_93 : i32
      %broadcast_in_dim3A_95 = vector.broadcast %add3A_94 : i32 to vector<16xi32>
      %broadcast_in_dim3A_96 = vector.broadcast %reduce_sum3A_90 : f32 to vector<16xf32>
      tpu.vector_store_idx %arg15[%broadcast_in_dim3A_95], %broadcast_in_dim3A_96 masked %eq3A_2 : memref<512xf32, #tpu.memory_space<vmem>>[vector<16xi32>], vector<16xf32>, vector<16xi1>
      %reduce_sum3A_97 = arith.constant true
      %reduce_sum3A_98 = vector.broadcast %reduce_sum3A_97 : i1 to vector<16xi1>
      %reduce_sum3A_99 = tpu.scan <sum>, %scan3A_47#5 masked %reduce_sum3A_98 : vector<16xf32>, vector<16xi1> -> vector<16xf32>
      %reduce_sum3A_100 = vector.extract %reduce_sum3A_99[15] : f32 from vector<16xf32>
      %mul3A_101 = arith.constant 8 : i32
      %mul3A_102 = arith.muli %add3A_29, %mul3A_101 : i32
      %add3A_103 = arith.constant 5 : i32
      %add3A_104 = arith.addi %mul3A_102, %add3A_103 : i32
      %broadcast_in_dim3A_105 = vector.broadcast %add3A_104 : i32 to vector<16xi32>
      %broadcast_in_dim3A_106 = vector.broadcast %reduce_sum3A_100 : f32 to vector<16xf32>
      tpu.vector_store_idx %arg15[%broadcast_in_dim3A_105], %broadcast_in_dim3A_106 masked %eq3A_2 : memref<512xf32, #tpu.memory_space<vmem>>[vector<16xi32>], vector<16xf32>, vector<16xi1>
      %reduce_sum3A_107 = arith.constant true
      %reduce_sum3A_108 = vector.broadcast %reduce_sum3A_107 : i1 to vector<16xi1>
      %reduce_sum3A_109 = tpu.scan <sum>, %scan3A_47#6 masked %reduce_sum3A_108 : vector<16xf32>, vector<16xi1> -> vector<16xf32>
      %reduce_sum3A_110 = vector.extract %reduce_sum3A_109[15] : f32 from vector<16xf32>
      %mul3A_111 = arith.constant 8 : i32
      %mul3A_112 = arith.muli %add3A_29, %mul3A_111 : i32
      %add3A_113 = arith.constant 6 : i32
      %add3A_114 = arith.addi %mul3A_112, %add3A_113 : i32
      %broadcast_in_dim3A_115 = vector.broadcast %add3A_114 : i32 to vector<16xi32>
      %broadcast_in_dim3A_116 = vector.broadcast %reduce_sum3A_110 : f32 to vector<16xf32>
      tpu.vector_store_idx %arg15[%broadcast_in_dim3A_115], %broadcast_in_dim3A_116 masked %eq3A_2 : memref<512xf32, #tpu.memory_space<vmem>>[vector<16xi32>], vector<16xf32>, vector<16xi1>
      %reduce_sum3A_117 = arith.constant true
      %reduce_sum3A_118 = vector.broadcast %reduce_sum3A_117 : i1 to vector<16xi1>
      %reduce_sum3A_119 = tpu.scan <sum>, %scan3A_47#7 masked %reduce_sum3A_118 : vector<16xf32>, vector<16xi1> -> vector<16xf32>
      %reduce_sum3A_120 = vector.extract %reduce_sum3A_119[15] : f32 from vector<16xf32>
      %mul3A_121 = arith.constant 8 : i32
      %mul3A_122 = arith.muli %add3A_29, %mul3A_121 : i32
      %add3A_123 = arith.constant 7 : i32
      %add3A_124 = arith.addi %mul3A_122, %add3A_123 : i32
      %broadcast_in_dim3A_125 = vector.broadcast %add3A_124 : i32 to vector<16xi32>
      %broadcast_in_dim3A_126 = vector.broadcast %reduce_sum3A_120 : f32 to vector<16xf32>
      tpu.vector_store_idx %arg15[%broadcast_in_dim3A_125], %broadcast_in_dim3A_126 masked %eq3A_2 : memref<512xf32, #tpu.memory_space<vmem>>[vector<16xi32>], vector<16xf32>, vector<16xi1>
      %add3A_127 = arith.constant 1 : i32
      %add3A_128 = arith.addi %add3A_29, %add3A_127 : i32
      %lt3A = arith.constant 64 : i32
      %lt3A_129 = arith.cmpi slt, %add3A_128, %lt3A : i32
      %convert_element_type3A = arith.extui %lt3A_129 : i1 to i32
      %cond3A = arith.constant 0 : i32
      %cond3A_130 = arith.cmpi ne, %convert_element_type3A, %cond3A : i32
      scf.if %cond3A_130 {
        %add3A_131 = arith.constant 1 : i32
        %add3A_132 = arith.addi %add3A_29, %add3A_131 : i32
        %mul3A_133 = arith.constant 8 : i32
        %mul3A_134 = arith.muli %add3A_132, %mul3A_133 : i32
        %add3A_135 = arith.addi %mul3A_4, %mul3A_134 : i32
        %mul3A_136 = arith.constant 600 : i32
        %mul3A_137 = arith.muli %add3A_135, %mul3A_136 : i32
        %run_scoped3A_138 = arith.constant 0 : i32
        "tpu.region"() ({
          %run_scoped3A_151 = tpu.sem_alloc : memref<!tpu.dma_semaphore, #tpu.memory_space<semaphore_mem>>
          %dma_start3A_152 = arith.constant 0 : i32
          %dma_start3A_153 = tpu.memref_slice %arg9[%run_scoped3A_138, %dma_start3A_152] : memref<1x4800xi32, #tpu.memory_space<vmem>> -> memref<1x4800xi32, #tpu.memory_space<vmem>>
          %dma_start3A_154 = tpu.memref_squeeze %dma_start3A_153 : memref<1x4800xi32, #tpu.memory_space<vmem>> -> memref<4800xi32, #tpu.memory_space<vmem>>
          %dma_start3A_155 = tpu.memref_slice %arg2[%mul3A_137] : memref<9830400xi32, #tpu.memory_space<hbm>> -> memref<4800xi32, #tpu.memory_space<hbm>>
          %dma_start3A_156 = arith.constant 0 : i32
          %dma_start3A_157 = tpu.memref_slice %arg9[%run_scoped3A_138, %dma_start3A_156] : memref<1x4800xi32, #tpu.memory_space<vmem>> -> memref<1x4800xi32, #tpu.memory_space<vmem>>
          %dma_start3A_158 = tpu.memref_squeeze %dma_start3A_157 : memref<1x4800xi32, #tpu.memory_space<vmem>> -> memref<4800xi32, #tpu.memory_space<vmem>>
          %dma_start3A_159 = tpu.memref_slice %arg2[%mul3A_137] : memref<9830400xi32, #tpu.memory_space<hbm>> -> memref<4800xi32, #tpu.memory_space<hbm>>
          tpu.enqueue_dma source(%dma_start3A_159 : memref<4800xi32, #tpu.memory_space<hbm>>) target(%dma_start3A_158 : memref<4800xi32, #tpu.memory_space<vmem>>) target_semaphore(%run_scoped3A_151 : memref<!tpu.dma_semaphore, #tpu.memory_space<semaphore_mem>>)
          %dma_wait3A_160 = arith.constant 0 : i32
          %dma_wait3A_161 = tpu.memref_slice %arg9[%run_scoped3A_138, %dma_wait3A_160] : memref<1x4800xi32, #tpu.memory_space<vmem>> -> memref<1x4800xi32, #tpu.memory_space<vmem>>
          %dma_wait3A_162 = tpu.memref_squeeze %dma_wait3A_161 : memref<1x4800xi32, #tpu.memory_space<vmem>> -> memref<4800xi32, #tpu.memory_space<vmem>>
          %dma_wait3A_163 = tpu.memref_slice %arg2[%mul3A_137] : memref<9830400xi32, #tpu.memory_space<hbm>> -> memref<4800xi32, #tpu.memory_space<hbm>>
          %dma_wait3A_164 = arith.constant 0 : i32
          %dma_wait3A_165 = tpu.memref_slice %arg9[%run_scoped3A_138, %dma_wait3A_164] : memref<1x4800xi32, #tpu.memory_space<vmem>> -> memref<1x4800xi32, #tpu.memory_space<vmem>>
          %dma_wait3A_166 = tpu.memref_squeeze %dma_wait3A_165 : memref<1x4800xi32, #tpu.memory_space<vmem>> -> memref<4800xi32, #tpu.memory_space<vmem>>
          %dma_wait3A_167 = tpu.memref_slice %arg2[%mul3A_137] : memref<9830400xi32, #tpu.memory_space<hbm>> -> memref<4800xi32, #tpu.memory_space<hbm>>
          tpu.wait_dma2 semaphore(%run_scoped3A_151 : memref<!tpu.dma_semaphore, #tpu.memory_space<semaphore_mem>>) src(%dma_wait3A_167 : memref<4800xi32, #tpu.memory_space<hbm>>) dst(%dma_wait3A_166 : memref<4800xi32, #tpu.memory_space<vmem>>)
          tpu.yield
        }) : () -> ()
        %dma_start3A_139 = arith.constant 0 : i32
        %dma_start3A_140 = arith.constant 0 : i32
        %dma_start3A_141 = arith.constant 0 : i32
        %dma_start3A_142 = arith.constant 0 : i32
        %dma_start3A_143 = tpu.memref_slice %arg10[%dma_start3A_140, %dma_start3A_141, %dma_start3A_142] : memref<1x4800x3xf32, #tpu.memory_space<vmem>> -> memref<1x4800x3xf32, #tpu.memory_space<vmem>>
        %dma_start3A_144 = tpu.memref_squeeze %dma_start3A_143 : memref<1x4800x3xf32, #tpu.memory_space<vmem>> -> memref<4800x3xf32, #tpu.memory_space<vmem>>
        %dma_start3A_145 = arith.constant 0 : i32
        %dma_start3A_146 = tpu.memref_slice %arg9[%dma_start3A_139, %dma_start3A_145] : memref<1x4800xi32, #tpu.memory_space<vmem>> -> memref<1x4800xi32, #tpu.memory_space<vmem>>
        %dma_start3A_147 = tpu.memref_squeeze %dma_start3A_146 : memref<1x4800xi32, #tpu.memory_space<vmem>> -> memref<4800xi32, #tpu.memory_space<vmem>>
        %dma_start3A_148 = arith.constant 0 : i32
        %dma_start3A_149 = arith.constant 0 : i32
        %dma_start3A_150 = tpu.memref_slice %arg3[%dma_start3A_148, %dma_start3A_149] : memref<614400x3xf32, #tpu.memory_space<hbm>> -> memref<614400x3xf32, #tpu.memory_space<hbm>>
        tpu.enqueue_indirect_dma source(%dma_start3A_150 : memref<614400x3xf32, #tpu.memory_space<hbm>>) target(%dma_start3A_144 : memref<4800x3xf32, #tpu.memory_space<vmem>>) offsets(%dma_start3A_147 : memref<4800xi32, #tpu.memory_space<vmem>>) semaphore(%arg16 : memref<!tpu.dma_semaphore, #tpu.memory_space<semaphore_mem>>)
      } else {
      }
    }
    %scan3A_24 = arith.constant 64 : i32
    "tpu.region"() ({
      %run_scoped3A_25 = tpu.sem_alloc : memref<!tpu.dma_semaphore, #tpu.memory_space<semaphore_mem>>
      %dma_start3A_26 = tpu.memref_slice %arg8[%mul3A_4] : memref<16384xf32, #tpu.memory_space<hbm>> -> memref<512xf32, #tpu.memory_space<hbm>>
      %dma_start3A_27 = tpu.memref_slice %arg8[%mul3A_4] : memref<16384xf32, #tpu.memory_space<hbm>> -> memref<512xf32, #tpu.memory_space<hbm>>
      tpu.enqueue_dma source(%arg15 : memref<512xf32, #tpu.memory_space<vmem>>) target(%dma_start3A_27 : memref<512xf32, #tpu.memory_space<hbm>>) target_semaphore(%run_scoped3A_25 : memref<!tpu.dma_semaphore, #tpu.memory_space<semaphore_mem>>)
      %dma_wait3A = tpu.memref_slice %arg8[%mul3A_4] : memref<16384xf32, #tpu.memory_space<hbm>> -> memref<512xf32, #tpu.memory_space<hbm>>
      %dma_wait3A_28 = tpu.memref_slice %arg8[%mul3A_4] : memref<16384xf32, #tpu.memory_space<hbm>> -> memref<512xf32, #tpu.memory_space<hbm>>
      tpu.wait_dma2 semaphore(%run_scoped3A_25 : memref<!tpu.dma_semaphore, #tpu.memory_space<semaphore_mem>>) src(%arg15 : memref<512xf32, #tpu.memory_space<vmem>>) dst(%dma_wait3A_28 : memref<512xf32, #tpu.memory_space<hbm>>)
      tpu.yield
    }) : () -> ()
    return
  }
}

#map = affine_map<(d0, d1) -> (0, 0)>
#map1 = affine_map<(d0, d1) -> (0)>
module attributes {stable_mosaic.version = 14 : i64} {
  func.func @_xfmt_body(%arg0: i32, %arg1: i32, %arg2: memref<16384x600xi32, #tpu.memory_space<hbm>>, %arg3: memref<9830400xi32, #tpu.memory_space<hbm>>, %arg4: memref<32x600xi32, #tpu.memory_space<vmem>>, %arg5: memref<19200xi32, #tpu.memory_space<vmem>>) attributes {dimension_semantics = [#tpu.dimension_semantics<core_parallel>, #tpu.dimension_semantics<subcore_parallel>], iteration_bounds = array<i64: 2, 16>, scalar_prefetch = 0 : i64, scratch_operands = 2 : i64, tpu.core_type = #tpu.core_type<sc_vector_subcore>, window_params = [{transform_indices = #map}, {transform_indices = #map1}]} {
    %mul3A = arith.constant 2 : i32
    %mul3A_0 = arith.muli %arg1, %mul3A : i32
    %add3A = arith.addi %mul3A_0, %arg0 : i32
    %iota3A = tpu.iota {dimensions = array<i32: 0>} : vector<16xi32>
    %ge3A = arith.constant 8 : i32
    %ge3A_1 = vector.broadcast %ge3A : i32 to vector<16xi32>
    %ge3A_2 = arith.cmpi sge, %iota3A, %ge3A_1 : vector<16xi32>
    %mul3A_3 = arith.constant 512 : i32
    %mul3A_4 = arith.muli %add3A, %mul3A_3 : i32
    %scan3A = arith.constant 0 : i32
    %scan3A_5 = arith.constant 0 : i32
    %scan3A_6 = arith.constant 16 : i32
    %scan3A_7 = arith.addi %scan3A_5, %scan3A_6 : i32
    %scan3A_8 = arith.constant 1 : i32
    scf.for %scan3A_10 = %scan3A_5 to %scan3A_7 step %scan3A_8  : i32 {
      %mul3A_11 = arith.constant 32 : i32
      %mul3A_12 = arith.muli %scan3A_10, %mul3A_11 : i32
      %add3A_13 = arith.addi %mul3A_4, %mul3A_12 : i32
      "tpu.region"() ({
        %run_scoped3A = tpu.sem_alloc : memref<!tpu.dma_semaphore, #tpu.memory_space<semaphore_mem>>
        %dma_start3A = arith.constant 0 : i32
        %dma_start3A_22 = tpu.memref_slice %arg2[%add3A_13, %dma_start3A] : memref<16384x600xi32, #tpu.memory_space<hbm>> -> memref<32x600xi32, #tpu.memory_space<hbm>>
        %dma_start3A_23 = arith.constant 0 : i32
        %dma_start3A_24 = tpu.memref_slice %arg2[%add3A_13, %dma_start3A_23] : memref<16384x600xi32, #tpu.memory_space<hbm>> -> memref<32x600xi32, #tpu.memory_space<hbm>>
        tpu.enqueue_dma source(%dma_start3A_24 : memref<32x600xi32, #tpu.memory_space<hbm>>) target(%arg4 : memref<32x600xi32, #tpu.memory_space<vmem>>) target_semaphore(%run_scoped3A : memref<!tpu.dma_semaphore, #tpu.memory_space<semaphore_mem>>)
        %dma_wait3A = arith.constant 0 : i32
        %dma_wait3A_25 = tpu.memref_slice %arg2[%add3A_13, %dma_wait3A] : memref<16384x600xi32, #tpu.memory_space<hbm>> -> memref<32x600xi32, #tpu.memory_space<hbm>>
        %dma_wait3A_26 = arith.constant 0 : i32
        %dma_wait3A_27 = tpu.memref_slice %arg2[%add3A_13, %dma_wait3A_26] : memref<16384x600xi32, #tpu.memory_space<hbm>> -> memref<32x600xi32, #tpu.memory_space<hbm>>
        tpu.wait_dma2 semaphore(%run_scoped3A : memref<!tpu.dma_semaphore, #tpu.memory_space<semaphore_mem>>) src(%dma_wait3A_27 : memref<32x600xi32, #tpu.memory_space<hbm>>) dst(%arg4 : memref<32x600xi32, #tpu.memory_space<vmem>>)
        tpu.yield
      }) : () -> ()
      %scan3A_14 = arith.constant 0 : i32
      %scan3A_15 = arith.constant 0 : i32
      %scan3A_16 = arith.constant 32 : i32
      %scan3A_17 = arith.addi %scan3A_15, %scan3A_16 : i32
      %scan3A_18 = arith.constant 1 : i32
      scf.for %scan3A_22 = %scan3A_15 to %scan3A_17 step %scan3A_18  : i32 {
        %mul3A_23 = arith.constant 600 : i32
        %mul3A_24 = arith.muli %scan3A_22, %mul3A_23 : i32
        %broadcast_in_dim3A = vector.broadcast %scan3A_22 : i32 to vector<16xi32>
        %add3A_25 = arith.constant 0 : i32
        %add3A_26 = vector.broadcast %add3A_25 : i32 to vector<16xi32>
        %add3A_27 = arith.addi %add3A_26, %iota3A : vector<16xi32>
        %gather3A = tpu.vector_load_idx %arg4[%broadcast_in_dim3A, %add3A_27] : memref<32x600xi32, #tpu.memory_space<vmem>>[vector<16xi32>, vector<16xi32>], vector<16xi32>,
        %add3A_28 = arith.constant 0 : i32
        %add3A_29 = arith.addi %mul3A_24, %add3A_28 : i32
        %add3A_30 = vector.broadcast %add3A_29 : i32 to vector<16xi32>
        %add3A_31 = arith.addi %add3A_30, %iota3A : vector<16xi32>
        tpu.vector_store_idx %arg5[%add3A_31], %gather3A : memref<19200xi32, #tpu.memory_space<vmem>>[vector<16xi32>], vector<16xi32>,
        %add3A_32 = arith.constant 16 : i32
        %add3A_33 = vector.broadcast %add3A_32 : i32 to vector<16xi32>
        %add3A_34 = arith.addi %add3A_33, %iota3A : vector<16xi32>
        %gather3A_35 = tpu.vector_load_idx %arg4[%broadcast_in_dim3A, %add3A_34] : memref<32x600xi32, #tpu.memory_space<vmem>>[vector<16xi32>, vector<16xi32>], vector<16xi32>,
        %add3A_36 = arith.constant 16 : i32
        %add3A_37 = arith.addi %mul3A_24, %add3A_36 : i32
        %add3A_38 = vector.broadcast %add3A_37 : i32 to vector<16xi32>
        %add3A_39 = arith.addi %add3A_38, %iota3A : vector<16xi32>
        tpu.vector_store_idx %arg5[%add3A_39], %gather3A_35 : memref<19200xi32, #tpu.memory_space<vmem>>[vector<16xi32>], vector<16xi32>,
        %add3A_40 = arith.constant 32 : i32
        %add3A_41 = vector.broadcast %add3A_40 : i32 to vector<16xi32>
        %add3A_42 = arith.addi %add3A_41, %iota3A : vector<16xi32>
        %gather3A_43 = tpu.vector_load_idx %arg4[%broadcast_in_dim3A, %add3A_42] : memref<32x600xi32, #tpu.memory_space<vmem>>[vector<16xi32>, vector<16xi32>], vector<16xi32>,
        %add3A_44 = arith.constant 32 : i32
        %add3A_45 = arith.addi %mul3A_24, %add3A_44 : i32
        %add3A_46 = vector.broadcast %add3A_45 : i32 to vector<16xi32>
        %add3A_47 = arith.addi %add3A_46, %iota3A : vector<16xi32>
        tpu.vector_store_idx %arg5[%add3A_47], %gather3A_43 : memref<19200xi32, #tpu.memory_space<vmem>>[vector<16xi32>], vector<16xi32>,
        %add3A_48 = arith.constant 48 : i32
        %add3A_49 = vector.broadcast %add3A_48 : i32 to vector<16xi32>
        %add3A_50 = arith.addi %add3A_49, %iota3A : vector<16xi32>
        %gather3A_51 = tpu.vector_load_idx %arg4[%broadcast_in_dim3A, %add3A_50] : memref<32x600xi32, #tpu.memory_space<vmem>>[vector<16xi32>, vector<16xi32>], vector<16xi32>,
        %add3A_52 = arith.constant 48 : i32
        %add3A_53 = arith.addi %mul3A_24, %add3A_52 : i32
        %add3A_54 = vector.broadcast %add3A_53 : i32 to vector<16xi32>
        %add3A_55 = arith.addi %add3A_54, %iota3A : vector<16xi32>
        tpu.vector_store_idx %arg5[%add3A_55], %gather3A_51 : memref<19200xi32, #tpu.memory_space<vmem>>[vector<16xi32>], vector<16xi32>,
        %add3A_56 = arith.constant 64 : i32
        %add3A_57 = vector.broadcast %add3A_56 : i32 to vector<16xi32>
        %add3A_58 = arith.addi %add3A_57, %iota3A : vector<16xi32>
        %gather3A_59 = tpu.vector_load_idx %arg4[%broadcast_in_dim3A, %add3A_58] : memref<32x600xi32, #tpu.memory_space<vmem>>[vector<16xi32>, vector<16xi32>], vector<16xi32>,
        %add3A_60 = arith.constant 64 : i32
        %add3A_61 = arith.addi %mul3A_24, %add3A_60 : i32
        %add3A_62 = vector.broadcast %add3A_61 : i32 to vector<16xi32>
        %add3A_63 = arith.addi %add3A_62, %iota3A : vector<16xi32>
        tpu.vector_store_idx %arg5[%add3A_63], %gather3A_59 : memref<19200xi32, #tpu.memory_space<vmem>>[vector<16xi32>], vector<16xi32>,
        %add3A_64 = arith.constant 80 : i32
        %add3A_65 = vector.broadcast %add3A_64 : i32 to vector<16xi32>
        %add3A_66 = arith.addi %add3A_65, %iota3A : vector<16xi32>
        %gather3A_67 = tpu.vector_load_idx %arg4[%broadcast_in_dim3A, %add3A_66] : memref<32x600xi32, #tpu.memory_space<vmem>>[vector<16xi32>, vector<16xi32>], vector<16xi32>,
        %add3A_68 = arith.constant 80 : i32
        %add3A_69 = arith.addi %mul3A_24, %add3A_68 : i32
        %add3A_70 = vector.broadcast %add3A_69 : i32 to vector<16xi32>
        %add3A_71 = arith.addi %add3A_70, %iota3A : vector<16xi32>
        tpu.vector_store_idx %arg5[%add3A_71], %gather3A_67 : memref<19200xi32, #tpu.memory_space<vmem>>[vector<16xi32>], vector<16xi32>,
        %add3A_72 = arith.constant 96 : i32
        %add3A_73 = vector.broadcast %add3A_72 : i32 to vector<16xi32>
        %add3A_74 = arith.addi %add3A_73, %iota3A : vector<16xi32>
        %gather3A_75 = tpu.vector_load_idx %arg4[%broadcast_in_dim3A, %add3A_74] : memref<32x600xi32, #tpu.memory_space<vmem>>[vector<16xi32>, vector<16xi32>], vector<16xi32>,
        %add3A_76 = arith.constant 96 : i32
        %add3A_77 = arith.addi %mul3A_24, %add3A_76 : i32
        %add3A_78 = vector.broadcast %add3A_77 : i32 to vector<16xi32>
        %add3A_79 = arith.addi %add3A_78, %iota3A : vector<16xi32>
        tpu.vector_store_idx %arg5[%add3A_79], %gather3A_75 : memref<19200xi32, #tpu.memory_space<vmem>>[vector<16xi32>], vector<16xi32>,
        %add3A_80 = arith.constant 112 : i32
        %add3A_81 = vector.broadcast %add3A_80 : i32 to vector<16xi32>
        %add3A_82 = arith.addi %add3A_81, %iota3A : vector<16xi32>
        %gather3A_83 = tpu.vector_load_idx %arg4[%broadcast_in_dim3A, %add3A_82] : memref<32x600xi32, #tpu.memory_space<vmem>>[vector<16xi32>, vector<16xi32>], vector<16xi32>,
        %add3A_84 = arith.constant 112 : i32
        %add3A_85 = arith.addi %mul3A_24, %add3A_84 : i32
        %add3A_86 = vector.broadcast %add3A_85 : i32 to vector<16xi32>
        %add3A_87 = arith.addi %add3A_86, %iota3A : vector<16xi32>
        tpu.vector_store_idx %arg5[%add3A_87], %gather3A_83 : memref<19200xi32, #tpu.memory_space<vmem>>[vector<16xi32>], vector<16xi32>,
        %add3A_88 = arith.constant 128 : i32
        %add3A_89 = vector.broadcast %add3A_88 : i32 to vector<16xi32>
        %add3A_90 = arith.addi %add3A_89, %iota3A : vector<16xi32>
        %gather3A_91 = tpu.vector_load_idx %arg4[%broadcast_in_dim3A, %add3A_90] : memref<32x600xi32, #tpu.memory_space<vmem>>[vector<16xi32>, vector<16xi32>], vector<16xi32>,
        %add3A_92 = arith.constant 128 : i32
        %add3A_93 = arith.addi %mul3A_24, %add3A_92 : i32
        %add3A_94 = vector.broadcast %add3A_93 : i32 to vector<16xi32>
        %add3A_95 = arith.addi %add3A_94, %iota3A : vector<16xi32>
        tpu.vector_store_idx %arg5[%add3A_95], %gather3A_91 : memref<19200xi32, #tpu.memory_space<vmem>>[vector<16xi32>], vector<16xi32>,
        %add3A_96 = arith.constant 144 : i32
        %add3A_97 = vector.broadcast %add3A_96 : i32 to vector<16xi32>
        %add3A_98 = arith.addi %add3A_97, %iota3A : vector<16xi32>
        %gather3A_99 = tpu.vector_load_idx %arg4[%broadcast_in_dim3A, %add3A_98] : memref<32x600xi32, #tpu.memory_space<vmem>>[vector<16xi32>, vector<16xi32>], vector<16xi32>,
        %add3A_100 = arith.constant 144 : i32
        %add3A_101 = arith.addi %mul3A_24, %add3A_100 : i32
        %add3A_102 = vector.broadcast %add3A_101 : i32 to vector<16xi32>
        %add3A_103 = arith.addi %add3A_102, %iota3A : vector<16xi32>
        tpu.vector_store_idx %arg5[%add3A_103], %gather3A_99 : memref<19200xi32, #tpu.memory_space<vmem>>[vector<16xi32>], vector<16xi32>,
        %add3A_104 = arith.constant 160 : i32
        %add3A_105 = vector.broadcast %add3A_104 : i32 to vector<16xi32>
        %add3A_106 = arith.addi %add3A_105, %iota3A : vector<16xi32>
        %gather3A_107 = tpu.vector_load_idx %arg4[%broadcast_in_dim3A, %add3A_106] : memref<32x600xi32, #tpu.memory_space<vmem>>[vector<16xi32>, vector<16xi32>], vector<16xi32>,
        %add3A_108 = arith.constant 160 : i32
        %add3A_109 = arith.addi %mul3A_24, %add3A_108 : i32
        %add3A_110 = vector.broadcast %add3A_109 : i32 to vector<16xi32>
        %add3A_111 = arith.addi %add3A_110, %iota3A : vector<16xi32>
        tpu.vector_store_idx %arg5[%add3A_111], %gather3A_107 : memref<19200xi32, #tpu.memory_space<vmem>>[vector<16xi32>], vector<16xi32>,
        %add3A_112 = arith.constant 176 : i32
        %add3A_113 = vector.broadcast %add3A_112 : i32 to vector<16xi32>
        %add3A_114 = arith.addi %add3A_113, %iota3A : vector<16xi32>
        %gather3A_115 = tpu.vector_load_idx %arg4[%broadcast_in_dim3A, %add3A_114] : memref<32x600xi32, #tpu.memory_space<vmem>>[vector<16xi32>, vector<16xi32>], vector<16xi32>,
        %add3A_116 = arith.constant 176 : i32
        %add3A_117 = arith.addi %mul3A_24, %add3A_116 : i32
        %add3A_118 = vector.broadcast %add3A_117 : i32 to vector<16xi32>
        %add3A_119 = arith.addi %add3A_118, %iota3A : vector<16xi32>
        tpu.vector_store_idx %arg5[%add3A_119], %gather3A_115 : memref<19200xi32, #tpu.memory_space<vmem>>[vector<16xi32>], vector<16xi32>,
        %add3A_120 = arith.constant 192 : i32
        %add3A_121 = vector.broadcast %add3A_120 : i32 to vector<16xi32>
        %add3A_122 = arith.addi %add3A_121, %iota3A : vector<16xi32>
        %gather3A_123 = tpu.vector_load_idx %arg4[%broadcast_in_dim3A, %add3A_122] : memref<32x600xi32, #tpu.memory_space<vmem>>[vector<16xi32>, vector<16xi32>], vector<16xi32>,
        %add3A_124 = arith.constant 192 : i32
        %add3A_125 = arith.addi %mul3A_24, %add3A_124 : i32
        %add3A_126 = vector.broadcast %add3A_125 : i32 to vector<16xi32>
        %add3A_127 = arith.addi %add3A_126, %iota3A : vector<16xi32>
        tpu.vector_store_idx %arg5[%add3A_127], %gather3A_123 : memref<19200xi32, #tpu.memory_space<vmem>>[vector<16xi32>], vector<16xi32>,
        %add3A_128 = arith.constant 208 : i32
        %add3A_129 = vector.broadcast %add3A_128 : i32 to vector<16xi32>
        %add3A_130 = arith.addi %add3A_129, %iota3A : vector<16xi32>
        %gather3A_131 = tpu.vector_load_idx %arg4[%broadcast_in_dim3A, %add3A_130] : memref<32x600xi32, #tpu.memory_space<vmem>>[vector<16xi32>, vector<16xi32>], vector<16xi32>,
        %add3A_132 = arith.constant 208 : i32
        %add3A_133 = arith.addi %mul3A_24, %add3A_132 : i32
        %add3A_134 = vector.broadcast %add3A_133 : i32 to vector<16xi32>
        %add3A_135 = arith.addi %add3A_134, %iota3A : vector<16xi32>
        tpu.vector_store_idx %arg5[%add3A_135], %gather3A_131 : memref<19200xi32, #tpu.memory_space<vmem>>[vector<16xi32>], vector<16xi32>,
        %add3A_136 = arith.constant 224 : i32
        %add3A_137 = vector.broadcast %add3A_136 : i32 to vector<16xi32>
        %add3A_138 = arith.addi %add3A_137, %iota3A : vector<16xi32>
        %gather3A_139 = tpu.vector_load_idx %arg4[%broadcast_in_dim3A, %add3A_138] : memref<32x600xi32, #tpu.memory_space<vmem>>[vector<16xi32>, vector<16xi32>], vector<16xi32>,
        %add3A_140 = arith.constant 224 : i32
        %add3A_141 = arith.addi %mul3A_24, %add3A_140 : i32
        %add3A_142 = vector.broadcast %add3A_141 : i32 to vector<16xi32>
        %add3A_143 = arith.addi %add3A_142, %iota3A : vector<16xi32>
        tpu.vector_store_idx %arg5[%add3A_143], %gather3A_139 : memref<19200xi32, #tpu.memory_space<vmem>>[vector<16xi32>], vector<16xi32>,
        %add3A_144 = arith.constant 240 : i32
        %add3A_145 = vector.broadcast %add3A_144 : i32 to vector<16xi32>
        %add3A_146 = arith.addi %add3A_145, %iota3A : vector<16xi32>
        %gather3A_147 = tpu.vector_load_idx %arg4[%broadcast_in_dim3A, %add3A_146] : memref<32x600xi32, #tpu.memory_space<vmem>>[vector<16xi32>, vector<16xi32>], vector<16xi32>,
        %add3A_148 = arith.constant 240 : i32
        %add3A_149 = arith.addi %mul3A_24, %add3A_148 : i32
        %add3A_150 = vector.broadcast %add3A_149 : i32 to vector<16xi32>
        %add3A_151 = arith.addi %add3A_150, %iota3A : vector<16xi32>
        tpu.vector_store_idx %arg5[%add3A_151], %gather3A_147 : memref<19200xi32, #tpu.memory_space<vmem>>[vector<16xi32>], vector<16xi32>,
        %add3A_152 = arith.constant 256 : i32
        %add3A_153 = vector.broadcast %add3A_152 : i32 to vector<16xi32>
        %add3A_154 = arith.addi %add3A_153, %iota3A : vector<16xi32>
        %gather3A_155 = tpu.vector_load_idx %arg4[%broadcast_in_dim3A, %add3A_154] : memref<32x600xi32, #tpu.memory_space<vmem>>[vector<16xi32>, vector<16xi32>], vector<16xi32>,
        %add3A_156 = arith.constant 256 : i32
        %add3A_157 = arith.addi %mul3A_24, %add3A_156 : i32
        %add3A_158 = vector.broadcast %add3A_157 : i32 to vector<16xi32>
        %add3A_159 = arith.addi %add3A_158, %iota3A : vector<16xi32>
        tpu.vector_store_idx %arg5[%add3A_159], %gather3A_155 : memref<19200xi32, #tpu.memory_space<vmem>>[vector<16xi32>], vector<16xi32>,
        %add3A_160 = arith.constant 272 : i32
        %add3A_161 = vector.broadcast %add3A_160 : i32 to vector<16xi32>
        %add3A_162 = arith.addi %add3A_161, %iota3A : vector<16xi32>
        %gather3A_163 = tpu.vector_load_idx %arg4[%broadcast_in_dim3A, %add3A_162] : memref<32x600xi32, #tpu.memory_space<vmem>>[vector<16xi32>, vector<16xi32>], vector<16xi32>,
        %add3A_164 = arith.constant 272 : i32
        %add3A_165 = arith.addi %mul3A_24, %add3A_164 : i32
        %add3A_166 = vector.broadcast %add3A_165 : i32 to vector<16xi32>
        %add3A_167 = arith.addi %add3A_166, %iota3A : vector<16xi32>
        tpu.vector_store_idx %arg5[%add3A_167], %gather3A_163 : memref<19200xi32, #tpu.memory_space<vmem>>[vector<16xi32>], vector<16xi32>,
        %add3A_168 = arith.constant 288 : i32
        %add3A_169 = vector.broadcast %add3A_168 : i32 to vector<16xi32>
        %add3A_170 = arith.addi %add3A_169, %iota3A : vector<16xi32>
        %gather3A_171 = tpu.vector_load_idx %arg4[%broadcast_in_dim3A, %add3A_170] : memref<32x600xi32, #tpu.memory_space<vmem>>[vector<16xi32>, vector<16xi32>], vector<16xi32>,
        %add3A_172 = arith.constant 288 : i32
        %add3A_173 = arith.addi %mul3A_24, %add3A_172 : i32
        %add3A_174 = vector.broadcast %add3A_173 : i32 to vector<16xi32>
        %add3A_175 = arith.addi %add3A_174, %iota3A : vector<16xi32>
        tpu.vector_store_idx %arg5[%add3A_175], %gather3A_171 : memref<19200xi32, #tpu.memory_space<vmem>>[vector<16xi32>], vector<16xi32>,
        %add3A_176 = arith.constant 304 : i32
        %add3A_177 = vector.broadcast %add3A_176 : i32 to vector<16xi32>
        %add3A_178 = arith.addi %add3A_177, %iota3A : vector<16xi32>
        %gather3A_179 = tpu.vector_load_idx %arg4[%broadcast_in_dim3A, %add3A_178] : memref<32x600xi32, #tpu.memory_space<vmem>>[vector<16xi32>, vector<16xi32>], vector<16xi32>,
        %add3A_180 = arith.constant 304 : i32
        %add3A_181 = arith.addi %mul3A_24, %add3A_180 : i32
        %add3A_182 = vector.broadcast %add3A_181 : i32 to vector<16xi32>
        %add3A_183 = arith.addi %add3A_182, %iota3A : vector<16xi32>
        tpu.vector_store_idx %arg5[%add3A_183], %gather3A_179 : memref<19200xi32, #tpu.memory_space<vmem>>[vector<16xi32>], vector<16xi32>,
        %add3A_184 = arith.constant 320 : i32
        %add3A_185 = vector.broadcast %add3A_184 : i32 to vector<16xi32>
        %add3A_186 = arith.addi %add3A_185, %iota3A : vector<16xi32>
        %gather3A_187 = tpu.vector_load_idx %arg4[%broadcast_in_dim3A, %add3A_186] : memref<32x600xi32, #tpu.memory_space<vmem>>[vector<16xi32>, vector<16xi32>], vector<16xi32>,
        %add3A_188 = arith.constant 320 : i32
        %add3A_189 = arith.addi %mul3A_24, %add3A_188 : i32
        %add3A_190 = vector.broadcast %add3A_189 : i32 to vector<16xi32>
        %add3A_191 = arith.addi %add3A_190, %iota3A : vector<16xi32>
        tpu.vector_store_idx %arg5[%add3A_191], %gather3A_187 : memref<19200xi32, #tpu.memory_space<vmem>>[vector<16xi32>], vector<16xi32>,
        %add3A_192 = arith.constant 336 : i32
        %add3A_193 = vector.broadcast %add3A_192 : i32 to vector<16xi32>
        %add3A_194 = arith.addi %add3A_193, %iota3A : vector<16xi32>
        %gather3A_195 = tpu.vector_load_idx %arg4[%broadcast_in_dim3A, %add3A_194] : memref<32x600xi32, #tpu.memory_space<vmem>>[vector<16xi32>, vector<16xi32>], vector<16xi32>,
        %add3A_196 = arith.constant 336 : i32
        %add3A_197 = arith.addi %mul3A_24, %add3A_196 : i32
        %add3A_198 = vector.broadcast %add3A_197 : i32 to vector<16xi32>
        %add3A_199 = arith.addi %add3A_198, %iota3A : vector<16xi32>
        tpu.vector_store_idx %arg5[%add3A_199], %gather3A_195 : memref<19200xi32, #tpu.memory_space<vmem>>[vector<16xi32>], vector<16xi32>,
        %add3A_200 = arith.constant 352 : i32
        %add3A_201 = vector.broadcast %add3A_200 : i32 to vector<16xi32>
        %add3A_202 = arith.addi %add3A_201, %iota3A : vector<16xi32>
        %gather3A_203 = tpu.vector_load_idx %arg4[%broadcast_in_dim3A, %add3A_202] : memref<32x600xi32, #tpu.memory_space<vmem>>[vector<16xi32>, vector<16xi32>], vector<16xi32>,
        %add3A_204 = arith.constant 352 : i32
        %add3A_205 = arith.addi %mul3A_24, %add3A_204 : i32
        %add3A_206 = vector.broadcast %add3A_205 : i32 to vector<16xi32>
        %add3A_207 = arith.addi %add3A_206, %iota3A : vector<16xi32>
        tpu.vector_store_idx %arg5[%add3A_207], %gather3A_203 : memref<19200xi32, #tpu.memory_space<vmem>>[vector<16xi32>], vector<16xi32>,
        %add3A_208 = arith.constant 368 : i32
        %add3A_209 = vector.broadcast %add3A_208 : i32 to vector<16xi32>
        %add3A_210 = arith.addi %add3A_209, %iota3A : vector<16xi32>
        %gather3A_211 = tpu.vector_load_idx %arg4[%broadcast_in_dim3A, %add3A_210] : memref<32x600xi32, #tpu.memory_space<vmem>>[vector<16xi32>, vector<16xi32>], vector<16xi32>,
        %add3A_212 = arith.constant 368 : i32
        %add3A_213 = arith.addi %mul3A_24, %add3A_212 : i32
        %add3A_214 = vector.broadcast %add3A_213 : i32 to vector<16xi32>
        %add3A_215 = arith.addi %add3A_214, %iota3A : vector<16xi32>
        tpu.vector_store_idx %arg5[%add3A_215], %gather3A_211 : memref<19200xi32, #tpu.memory_space<vmem>>[vector<16xi32>], vector<16xi32>,
        %add3A_216 = arith.constant 384 : i32
        %add3A_217 = vector.broadcast %add3A_216 : i32 to vector<16xi32>
        %add3A_218 = arith.addi %add3A_217, %iota3A : vector<16xi32>
        %gather3A_219 = tpu.vector_load_idx %arg4[%broadcast_in_dim3A, %add3A_218] : memref<32x600xi32, #tpu.memory_space<vmem>>[vector<16xi32>, vector<16xi32>], vector<16xi32>,
        %add3A_220 = arith.constant 384 : i32
        %add3A_221 = arith.addi %mul3A_24, %add3A_220 : i32
        %add3A_222 = vector.broadcast %add3A_221 : i32 to vector<16xi32>
        %add3A_223 = arith.addi %add3A_222, %iota3A : vector<16xi32>
        tpu.vector_store_idx %arg5[%add3A_223], %gather3A_219 : memref<19200xi32, #tpu.memory_space<vmem>>[vector<16xi32>], vector<16xi32>,
        %add3A_224 = arith.constant 400 : i32
        %add3A_225 = vector.broadcast %add3A_224 : i32 to vector<16xi32>
        %add3A_226 = arith.addi %add3A_225, %iota3A : vector<16xi32>
        %gather3A_227 = tpu.vector_load_idx %arg4[%broadcast_in_dim3A, %add3A_226] : memref<32x600xi32, #tpu.memory_space<vmem>>[vector<16xi32>, vector<16xi32>], vector<16xi32>,
        %add3A_228 = arith.constant 400 : i32
        %add3A_229 = arith.addi %mul3A_24, %add3A_228 : i32
        %add3A_230 = vector.broadcast %add3A_229 : i32 to vector<16xi32>
        %add3A_231 = arith.addi %add3A_230, %iota3A : vector<16xi32>
        tpu.vector_store_idx %arg5[%add3A_231], %gather3A_227 : memref<19200xi32, #tpu.memory_space<vmem>>[vector<16xi32>], vector<16xi32>,
        %add3A_232 = arith.constant 416 : i32
        %add3A_233 = vector.broadcast %add3A_232 : i32 to vector<16xi32>
        %add3A_234 = arith.addi %add3A_233, %iota3A : vector<16xi32>
        %gather3A_235 = tpu.vector_load_idx %arg4[%broadcast_in_dim3A, %add3A_234] : memref<32x600xi32, #tpu.memory_space<vmem>>[vector<16xi32>, vector<16xi32>], vector<16xi32>,
        %add3A_236 = arith.constant 416 : i32
        %add3A_237 = arith.addi %mul3A_24, %add3A_236 : i32
        %add3A_238 = vector.broadcast %add3A_237 : i32 to vector<16xi32>
        %add3A_239 = arith.addi %add3A_238, %iota3A : vector<16xi32>
        tpu.vector_store_idx %arg5[%add3A_239], %gather3A_235 : memref<19200xi32, #tpu.memory_space<vmem>>[vector<16xi32>], vector<16xi32>,
        %add3A_240 = arith.constant 432 : i32
        %add3A_241 = vector.broadcast %add3A_240 : i32 to vector<16xi32>
        %add3A_242 = arith.addi %add3A_241, %iota3A : vector<16xi32>
        %gather3A_243 = tpu.vector_load_idx %arg4[%broadcast_in_dim3A, %add3A_242] : memref<32x600xi32, #tpu.memory_space<vmem>>[vector<16xi32>, vector<16xi32>], vector<16xi32>,
        %add3A_244 = arith.constant 432 : i32
        %add3A_245 = arith.addi %mul3A_24, %add3A_244 : i32
        %add3A_246 = vector.broadcast %add3A_245 : i32 to vector<16xi32>
        %add3A_247 = arith.addi %add3A_246, %iota3A : vector<16xi32>
        tpu.vector_store_idx %arg5[%add3A_247], %gather3A_243 : memref<19200xi32, #tpu.memory_space<vmem>>[vector<16xi32>], vector<16xi32>,
        %add3A_248 = arith.constant 448 : i32
        %add3A_249 = vector.broadcast %add3A_248 : i32 to vector<16xi32>
        %add3A_250 = arith.addi %add3A_249, %iota3A : vector<16xi32>
        %gather3A_251 = tpu.vector_load_idx %arg4[%broadcast_in_dim3A, %add3A_250] : memref<32x600xi32, #tpu.memory_space<vmem>>[vector<16xi32>, vector<16xi32>], vector<16xi32>,
        %add3A_252 = arith.constant 448 : i32
        %add3A_253 = arith.addi %mul3A_24, %add3A_252 : i32
        %add3A_254 = vector.broadcast %add3A_253 : i32 to vector<16xi32>
        %add3A_255 = arith.addi %add3A_254, %iota3A : vector<16xi32>
        tpu.vector_store_idx %arg5[%add3A_255], %gather3A_251 : memref<19200xi32, #tpu.memory_space<vmem>>[vector<16xi32>], vector<16xi32>,
        %add3A_256 = arith.constant 464 : i32
        %add3A_257 = vector.broadcast %add3A_256 : i32 to vector<16xi32>
        %add3A_258 = arith.addi %add3A_257, %iota3A : vector<16xi32>
        %gather3A_259 = tpu.vector_load_idx %arg4[%broadcast_in_dim3A, %add3A_258] : memref<32x600xi32, #tpu.memory_space<vmem>>[vector<16xi32>, vector<16xi32>], vector<16xi32>,
        %add3A_260 = arith.constant 464 : i32
        %add3A_261 = arith.addi %mul3A_24, %add3A_260 : i32
        %add3A_262 = vector.broadcast %add3A_261 : i32 to vector<16xi32>
        %add3A_263 = arith.addi %add3A_262, %iota3A : vector<16xi32>
        tpu.vector_store_idx %arg5[%add3A_263], %gather3A_259 : memref<19200xi32, #tpu.memory_space<vmem>>[vector<16xi32>], vector<16xi32>,
        %add3A_264 = arith.constant 480 : i32
        %add3A_265 = vector.broadcast %add3A_264 : i32 to vector<16xi32>
        %add3A_266 = arith.addi %add3A_265, %iota3A : vector<16xi32>
        %gather3A_267 = tpu.vector_load_idx %arg4[%broadcast_in_dim3A, %add3A_266] : memref<32x600xi32, #tpu.memory_space<vmem>>[vector<16xi32>, vector<16xi32>], vector<16xi32>,
        %add3A_268 = arith.constant 480 : i32
        %add3A_269 = arith.addi %mul3A_24, %add3A_268 : i32
        %add3A_270 = vector.broadcast %add3A_269 : i32 to vector<16xi32>
        %add3A_271 = arith.addi %add3A_270, %iota3A : vector<16xi32>
        tpu.vector_store_idx %arg5[%add3A_271], %gather3A_267 : memref<19200xi32, #tpu.memory_space<vmem>>[vector<16xi32>], vector<16xi32>,
        %add3A_272 = arith.constant 496 : i32
        %add3A_273 = vector.broadcast %add3A_272 : i32 to vector<16xi32>
        %add3A_274 = arith.addi %add3A_273, %iota3A : vector<16xi32>
        %gather3A_275 = tpu.vector_load_idx %arg4[%broadcast_in_dim3A, %add3A_274] : memref<32x600xi32, #tpu.memory_space<vmem>>[vector<16xi32>, vector<16xi32>], vector<16xi32>,
        %add3A_276 = arith.constant 496 : i32
        %add3A_277 = arith.addi %mul3A_24, %add3A_276 : i32
        %add3A_278 = vector.broadcast %add3A_277 : i32 to vector<16xi32>
        %add3A_279 = arith.addi %add3A_278, %iota3A : vector<16xi32>
        tpu.vector_store_idx %arg5[%add3A_279], %gather3A_275 : memref<19200xi32, #tpu.memory_space<vmem>>[vector<16xi32>], vector<16xi32>,
        %add3A_280 = arith.constant 512 : i32
        %add3A_281 = vector.broadcast %add3A_280 : i32 to vector<16xi32>
        %add3A_282 = arith.addi %add3A_281, %iota3A : vector<16xi32>
        %gather3A_283 = tpu.vector_load_idx %arg4[%broadcast_in_dim3A, %add3A_282] : memref<32x600xi32, #tpu.memory_space<vmem>>[vector<16xi32>, vector<16xi32>], vector<16xi32>,
        %add3A_284 = arith.constant 512 : i32
        %add3A_285 = arith.addi %mul3A_24, %add3A_284 : i32
        %add3A_286 = vector.broadcast %add3A_285 : i32 to vector<16xi32>
        %add3A_287 = arith.addi %add3A_286, %iota3A : vector<16xi32>
        tpu.vector_store_idx %arg5[%add3A_287], %gather3A_283 : memref<19200xi32, #tpu.memory_space<vmem>>[vector<16xi32>], vector<16xi32>,
        %add3A_288 = arith.constant 528 : i32
        %add3A_289 = vector.broadcast %add3A_288 : i32 to vector<16xi32>
        %add3A_290 = arith.addi %add3A_289, %iota3A : vector<16xi32>
        %gather3A_291 = tpu.vector_load_idx %arg4[%broadcast_in_dim3A, %add3A_290] : memref<32x600xi32, #tpu.memory_space<vmem>>[vector<16xi32>, vector<16xi32>], vector<16xi32>,
        %add3A_292 = arith.constant 528 : i32
        %add3A_293 = arith.addi %mul3A_24, %add3A_292 : i32
        %add3A_294 = vector.broadcast %add3A_293 : i32 to vector<16xi32>
        %add3A_295 = arith.addi %add3A_294, %iota3A : vector<16xi32>
        tpu.vector_store_idx %arg5[%add3A_295], %gather3A_291 : memref<19200xi32, #tpu.memory_space<vmem>>[vector<16xi32>], vector<16xi32>,
        %add3A_296 = arith.constant 544 : i32
        %add3A_297 = vector.broadcast %add3A_296 : i32 to vector<16xi32>
        %add3A_298 = arith.addi %add3A_297, %iota3A : vector<16xi32>
        %gather3A_299 = tpu.vector_load_idx %arg4[%broadcast_in_dim3A, %add3A_298] : memref<32x600xi32, #tpu.memory_space<vmem>>[vector<16xi32>, vector<16xi32>], vector<16xi32>,
        %add3A_300 = arith.constant 544 : i32
        %add3A_301 = arith.addi %mul3A_24, %add3A_300 : i32
        %add3A_302 = vector.broadcast %add3A_301 : i32 to vector<16xi32>
        %add3A_303 = arith.addi %add3A_302, %iota3A : vector<16xi32>
        tpu.vector_store_idx %arg5[%add3A_303], %gather3A_299 : memref<19200xi32, #tpu.memory_space<vmem>>[vector<16xi32>], vector<16xi32>,
        %add3A_304 = arith.constant 560 : i32
        %add3A_305 = vector.broadcast %add3A_304 : i32 to vector<16xi32>
        %add3A_306 = arith.addi %add3A_305, %iota3A : vector<16xi32>
        %gather3A_307 = tpu.vector_load_idx %arg4[%broadcast_in_dim3A, %add3A_306] : memref<32x600xi32, #tpu.memory_space<vmem>>[vector<16xi32>, vector<16xi32>], vector<16xi32>,
        %add3A_308 = arith.constant 560 : i32
        %add3A_309 = arith.addi %mul3A_24, %add3A_308 : i32
        %add3A_310 = vector.broadcast %add3A_309 : i32 to vector<16xi32>
        %add3A_311 = arith.addi %add3A_310, %iota3A : vector<16xi32>
        tpu.vector_store_idx %arg5[%add3A_311], %gather3A_307 : memref<19200xi32, #tpu.memory_space<vmem>>[vector<16xi32>], vector<16xi32>,
        %add3A_312 = arith.constant 576 : i32
        %add3A_313 = vector.broadcast %add3A_312 : i32 to vector<16xi32>
        %add3A_314 = arith.addi %add3A_313, %iota3A : vector<16xi32>
        %gather3A_315 = tpu.vector_load_idx %arg4[%broadcast_in_dim3A, %add3A_314] : memref<32x600xi32, #tpu.memory_space<vmem>>[vector<16xi32>, vector<16xi32>], vector<16xi32>,
        %add3A_316 = arith.constant 576 : i32
        %add3A_317 = arith.addi %mul3A_24, %add3A_316 : i32
        %add3A_318 = vector.broadcast %add3A_317 : i32 to vector<16xi32>
        %add3A_319 = arith.addi %add3A_318, %iota3A : vector<16xi32>
        tpu.vector_store_idx %arg5[%add3A_319], %gather3A_315 : memref<19200xi32, #tpu.memory_space<vmem>>[vector<16xi32>], vector<16xi32>,
        %add3A_320 = arith.constant 584 : i32
        %add3A_321 = vector.broadcast %add3A_320 : i32 to vector<16xi32>
        %add3A_322 = arith.addi %add3A_321, %iota3A : vector<16xi32>
        %gather3A_323 = tpu.vector_load_idx %arg4[%broadcast_in_dim3A, %add3A_322] : memref<32x600xi32, #tpu.memory_space<vmem>>[vector<16xi32>, vector<16xi32>], vector<16xi32>,
        %add3A_324 = arith.constant 584 : i32
        %add3A_325 = arith.addi %mul3A_24, %add3A_324 : i32
        %add3A_326 = vector.broadcast %add3A_325 : i32 to vector<16xi32>
        %add3A_327 = arith.addi %add3A_326, %iota3A : vector<16xi32>
        tpu.vector_store_idx %arg5[%add3A_327], %gather3A_323 masked %ge3A_2 : memref<19200xi32, #tpu.memory_space<vmem>>[vector<16xi32>], vector<16xi32>, vector<16xi1>
      }
      %scan3A_19 = arith.constant 32 : i32
      %mul3A_20 = arith.constant 600 : i32
      %mul3A_21 = arith.muli %add3A_13, %mul3A_20 : i32
      "tpu.region"() ({
        %run_scoped3A = tpu.sem_alloc : memref<!tpu.dma_semaphore, #tpu.memory_space<semaphore_mem>>
        %dma_start3A = tpu.memref_slice %arg3[%mul3A_21] : memref<9830400xi32, #tpu.memory_space<hbm>> -> memref<19200xi32, #tpu.memory_space<hbm>>
        %dma_start3A_22 = tpu.memref_slice %arg3[%mul3A_21] : memref<9830400xi32, #tpu.memory_space<hbm>> -> memref<19200xi32, #tpu.memory_space<hbm>>
        tpu.enqueue_dma source(%arg5 : memref<19200xi32, #tpu.memory_space<vmem>>) target(%dma_start3A_22 : memref<19200xi32, #tpu.memory_space<hbm>>) target_semaphore(%run_scoped3A : memref<!tpu.dma_semaphore, #tpu.memory_space<semaphore_mem>>)
        %dma_wait3A = tpu.memref_slice %arg3[%mul3A_21] : memref<9830400xi32, #tpu.memory_space<hbm>> -> memref<19200xi32, #tpu.memory_space<hbm>>
        %dma_wait3A_23 = tpu.memref_slice %arg3[%mul3A_21] : memref<9830400xi32, #tpu.memory_space<hbm>> -> memref<19200xi32, #tpu.memory_space<hbm>>
        tpu.wait_dma2 semaphore(%run_scoped3A : memref<!tpu.dma_semaphore, #tpu.memory_space<semaphore_mem>>) src(%arg5 : memref<19200xi32, #tpu.memory_space<vmem>>) dst(%dma_wait3A_23 : memref<19200xi32, #tpu.memory_space<hbm>>)
        tpu.yield
      }) : () -> ()
    }
    %scan3A_9 = arith.constant 16 : i32
    return
  }
}

</mosaic_0001>

<sc_bundles>
// kernel: kernel.11.cloned.1.call-start
scs
__scs_entry_jumppad:
0x0: {  	(pc) =	sbr.rel $0x88, $3  }
0x1: {  	(tag) =	ssettag $0x0;
	lr =	simm.s32 $0x1  }
0x2: {  	[smem:$0x3F9D] =	sst lr;
	_ =	strace $0xD0000000  }
0x3: {  	_ = 	snop  }
0x4: {  	_ = 	snop  }
0x5: {  	_ = 	snop  }
0x6: {  	_ = 	snop  }
0x7: {  	_ = 	snop  }
__scs_overlays_trampoline_lowered:
0x8: {  	[smem:$0x3FAC] =	sst s0  }
0x9: {  	[smem:$0x3FAD] =	sst s1  }
0xa: {  	[smem:$0x3FAE] =	sst s2  }
0xb: {  	[smem:$0x3FAF] =	sst s3  }
0xc: {  	[smem:$0x3FB0] =	sst s4  }
0xd: {  	[smem:$0x3FB1] =	sst s5  }
0xe: {  	[smem:$0x3FB2] =	sst s6  }
0xf: {  	[smem:$0x3FB3] =	sst s7  }
0x10: {  	[smem:$0x3FB4] =	sst s8  }
0x11: {  	[smem:$0x3FB5] =	sst s9;
	s0 =	simm.s32 @!p0 $0x0  }
0x12: {  	s1 =	sld [smem:$0x3F9B];
	s0 =	simm.s32 @p0 $0x1  }
0x13: {  	[smem:$0x3FB6] =	sst s0;
	s0 =	simm.s32 @!p1 $0x0  }
0x14: {  	s2 =	sld [smem:$0x3F9A];
	s0 =	simm.s32 @p1 $0x1  }
0x15: {  	[smem:$0x3FB7] =	sst s0;
	s0 =	simm.s32 @!p2 $0x0  }
0x16: {  	s3 =	sld [smem:$0x3FDB];
	s0 =	simm.s32 @p2 $0x1  }
0x17: {  	s4 =	simm.s32 $0x1BF5;
	[smem:$0x3FB9] =	sst s0  }
0x18: {  	s0 =	sld [smem:$0x3F9C];
	_ =	swait.ge [sflag:s4], $0x0  }
0x19: {  	s7 =	sld [smem:$0x3F9D]  }
0x1a: {  	s8 =	sadd.s32 $0xFFFFE003, lr  }
0x1b: {  	s9 =	sadd.s32 $0xFFFFFEF7, lr;
	s5 =	simm.s32 $0xFFFFFFFF;
	p2 =	slt.u32 s8, $0xFFFFF086  }
0x1c: {  	p1 =	slt.u32 s9, $0xF7A;
	s5 =	simm.s32 @!p2 $0x0  }
0x1d: {  	s5 =	simm.s32 @p1 $0x1;
	p0 =	seq.s32 s7, s2  }
0x1e: {  	s7 =	smul.u32 @!p0 $0xF7A, s2;
	p2 =	seq.s32 @!p0 s5, $0x0  }
0x1f: {  	s9 =	smul.u32 $0xF7A, s1;
	s8 =	simm.s32 @!p0 $0x1BF5;
	p2 =	por !p2, p0  }
0x20: {  	[sflag:s8] =	ssyncset.s32 @!p0 $0xFFFFF086;
	s6 =	sadd.s32 @!p0 s3, s7;
	s7 =	simm.s32 @!p0 $0x108  }
0x21: {  	s3 =	sadd.s32 s3, s9;
	s6 =	sadd.s32 @!p0 $0x88, s6;
	s7 =	simm.s32 @p2 $0x1082  }
0x22: {  	[simem:s7], [sflag:s8] =	dma.local @!p0 [hbm:s6], $0xF7A  }
0x23: {  	s9 =	sor.u32 $0xD0000000, s2;
	s6 =	simm.s32 $0x108;
	_ =	swait.ge @!p0 [sflag:s8], $0x0  }
0x24: {  	s3 =	sadd.s32 $0x88, s3;
	s6 =	simm.s32 @!p1 $0x1082;
	[sflag:s4] =	ssyncset.s32 $0xFFFFF086  }
0x25: {  	[simem:s6], [sflag:s4] =	dma.local [hbm:s3], $0xF7A  }
0x26: {  	[smem:$0x3F9D] =	sst s1;
	(tag) =	ssettag s2;
	_ =	strace s9  }
0x27: {  	s1 =	sld [smem:$0x3FAD]  }
0x28: {  	s2 =	sld [smem:$0x3FAE]  }
0x29: {  	s4 =	sld [smem:$0x3FB0]  }
0x2a: {  	p0 =	seq.s32 s5, $0x0;
	s5 =	sld [smem:$0x3FB1]  }
0x2b: {  	s6 =	sld [smem:$0x3FB2]  }
0x2c: {  	s7 =	sld [smem:$0x3FB3]  }
0x2d: {  	s3 =	simm.s32 $0x108;
	s8 =	sld [smem:$0x3FB4]  }
0x2e: {  	s3 =	simm.s32 @!p0 $0x1082;
	s9 =	sld [smem:$0x3FB5]  }
0x2f: {  	lr =	sadd.s32 s0, s3;
	s0 =	sld [smem:$0x3FAC]  }
0x30: {  	s3 =	sld [smem:$0x3FAF]  }
0x31: {  	[smem:$0x3FB8] =	sst s10  }
0x32: {  	s10 =	sld [smem:$0x3FB6];
	_ =	sdelay $0x3  }
0x33: {  	p0 =	seq.s32 s10, $0x1;
	s10 =	sld [smem:$0x3FB8];
	_ =	sdelay $0x3  }
0x34: {  	[smem:$0x3FB8] =	sst s10  }
0x35: {  	s10 =	sld [smem:$0x3FB7];
	_ =	sdelay $0x3  }
0x36: {  	p1 =	seq.s32 s10, $0x1;
	s10 =	sld [smem:$0x3FB8];
	_ =	sdelay $0x3  }
0x37: {  	[smem:$0x3FB8] =	sst s10  }
0x38: {  	s10 =	sld [smem:$0x3FB9]  }
0x39: {  	_ = 	snop;
	(pc) =	sbr.ind lr, $3  }
0x3a: {  	_ = 	snop  }
0x3b: {  	_ = 	snop  }
0x3c: {  	p2 =	seq.s32 s10, $0x1;
	s10 =	sld [smem:$0x3FB8]  }
0x3d: {  	_ =	shalt  }
0x3e: {  	_ =	shalt  }
0x3f: {  	_ =	shalt  }
0x40: {  	_ =	shalt  }
0x41: {  	_ =	shalt  }
0x42: {  	_ =	shalt  }
0x43: {  	_ =	shalt  }
0x44: {  	_ =	shalt  }
0x45: {  	_ =	shalt  }
0x46: {  	_ =	shalt  }
0x47: {  	_ =	shalt  }
0x48: {  	_ =	shalt  }
0x49: {  	_ =	shalt  }
0x4a: {  	_ =	shalt  }
0x4b: {  	_ =	shalt  }
0x4c: {  	_ =	shalt  }
0x4d: {  	_ =	shalt  }
0x4e: {  	_ =	shalt  }
0x4f: {  	_ =	shalt  }
0x50: {  	_ =	shalt  }
0x51: {  	_ =	shalt  }
0x52: {  	_ =	shalt  }
0x53: {  	_ =	shalt  }
0x54: {  	_ =	shalt  }
0x55: {  	_ =	shalt  }
0x56: {  	_ =	shalt  }
0x57: {  	_ =	shalt  }
0x58: {  	_ =	shalt  }
0x59: {  	_ =	shalt  }
0x5a: {  	_ =	shalt  }
0x5b: {  	_ =	shalt  }
0x5c: {  	_ =	shalt  }
0x5d: {  	_ =	shalt  }
0x5e: {  	_ =	shalt  }
0x5f: {  	_ =	shalt  }
0x60: {  	_ =	shalt  }
0x61: {  	_ =	shalt  }
0x62: {  	_ =	shalt  }
0x63: {  	_ =	shalt  }
0x64: {  	_ =	shalt  }
0x65: {  	_ =	shalt  }
0x66: {  	_ =	shalt  }
0x67: {  	_ =	shalt  }
0x68: {  	_ =	shalt  }
0x69: {  	_ =	shalt  }
0x6a: {  	_ =	shalt  }
0x6b: {  	_ =	shalt  }
0x6c: {  	_ =	shalt  }
0x6d: {  	_ =	shalt  }
0x6e: {  	_ =	shalt  }
0x6f: {  	_ =	shalt  }
0x70: {  	_ =	shalt  }
0x71: {  	_ =	shalt  }
0x72: {  	_ =	shalt  }
0x73: {  	_ =	shalt  }
0x74: {  	_ =	shalt  }
0x75: {  	_ =	shalt  }
0x76: {  	_ =	shalt  }
0x77: {  	_ =	shalt  }
0x78: {  	_ =	shalt  }
0x79: {  	_ =	shalt  }
0x7a: {  	_ =	shalt  }
0x7b: {  	_ =	shalt  }
0x7c: {  	_ =	shalt  }
0x7d: {  	_ =	shalt  }
0x7e: {  	_ =	shalt  }
0x7f: {  	_ =	shalt  }
0x80: {  	_ =	shalt  }
0x81: {  	_ =	shalt  }
0x82: {  	_ =	shalt  }
0x83: {  	_ =	shalt  }
0x84: {  	_ =	shalt  }
0x85: {  	_ =	shalt  }
0x86: {  	_ =	shalt  }
0x87: {  	_ =	shalt  }
.Lfunc_end0:
.L_simem_size_0:
called_computation.2_lowered:
.L_overlay_start_0:
0x88: {  	s2 =	sld [smem:$0x3FD9]  }
0x89: {  	s3 =	sld [smem:$0x3FFE];
	_ =	sdelay $0x1  }
0x8a: {  	s1 =	srdreg.scid  }
0x8b: {  	s0 =	sand.u32 $0x1, s1  }
0x8c: {  	s17 =	sshll.u32 s0, $0xA;
	s2 =	sadd.s32 s3, s2  }
0x8d: {  	s2 =	sadd.s32 s2, s17  }
0x8e: {  	[smem:$0x3FC4] =	sst s2  }
0x8f: {  	_ = 	snop  }
0x90: {  	s2 =	sld [smem:$0x3FD0];
	(tm) =	ssettm $0x1  }
0x91: {  	s18 =	sld [smem:$0x3FFB];
	_ =	sdelay $0x3  }
0x92: {  	_ =	strace s18  }
0x93: {  	s3 =	sld [smem:$0x3FFC];
	_ =	sdelay $0x3  }
0x94: {  	_ =	strace s3  }
0x95: {  	s3 =	sld [smem:$0x3FFD];
	_ =	sdelay $0x3  }
0x96: {  	_ =	strace s3  }
0x97: {  	_ =	strace $0x8FFFFFFF  }
0x98: {  	s19 =	sld [smem:$0x3FDB];
	_ =	sdelay $0x1  }
0x99: {  	s4 =	simm.s32 $_scs_section_size  }
0x9a: {  	s5 =	simm.s32 $_size__tile_overlayer_lowered;
	s6 =	simm.s32 $_tile_overlayer_lowered  }
0x9b: {  	s22 =	simm.s32 $0x1BFF;
	s21 =	sshll.u32 s6, $0x1;
	s3 =	sadd.s32 s4, s19  }
0x9c: {  	s7 =	simm.s32 $0x0;
	s20 =	sshll.u32 s5, $0x1;
	s5 =	sadd.s32 s21, s3  }
0x9d: {  	[timem:s7], [sflag:s22] =	dma.local [hbm:s5], s20  }
0x9e: {  	_ =	swait.ge [sflag:s22], s20  }
0x9f: {  	s4 =	ssub.s32 $0x0, s20;
	[sflag:s22] =	ssyncset.done $0x0  }
0xa0: {  	[sflag:s22] =	ssyncadd.s32 s4;
	_ =	sdelay $0x1  }
0xa1: {  	s23 =	simm.s32 $0x1B8B  }
0xa2: {  	_ =	swait.ge [sflag:s23], $0x1  }
0xa3: {  	[sflag:s23] =	ssyncset.done $0x0  }
0xa4: {  	s25 =	simm.s32 $0x1B8E;
	s24 =	sld [smem:$0x3FFE];
	[sflag:s23] =	ssyncadd.s32 $0xFFFFFFFF  }
0xa5: {  	s26 =	simm.s32 $execute0_lowered;
	[smem:$0x3FD2] =	sst s25  }
0xa6: {  	s5 =	sshll.u32 s26, $0x1;
	_ =	strace $0x8000004C;
	[dreg:$0x1] =	wrdreg $0xFFFFFFFF  }
0xa7: {  	s28 =	simm.s32 $_size_execute0_lowered;
	s3 =	sadd.s32 s3, s5;
	[dreg:$0x0] =	wrdreg $0x0  }
0xa8: {  	s5 =	sshll.u32 s28, $0x1;
	[dreg:$0x2] =	wrdreg s3  }
0xa9: {  	[dreg:$0x3] =	wrdreg s5  }
0xaa: {  	[dreg:$0x4] =	wrdreg $0xC0  }
0xab: {  	_ =	task [dreg:s7], $0x5FFFF  }
0xac: {  	[dreg:$0x1] =	wrdreg $0xFFFFFFFF  }
0xad: {  	[dreg:$0x0] =	wrdreg $0x60  }
0xae: {  	[dreg:$0x2] =	wrdreg s24  }
0xaf: {  	[dreg:$0x3] =	wrdreg s2  }
0xb0: {  	[dreg:$0x4] =	wrdreg $0x9  }
0xb1: {  	_ =	task.clear_ibuf [dreg:s7], $0x5FFFF;
	_ =	strace $0x9000004C  }
0xb2: {  	s29 =	simm.s32 $0x9;
	_ =	strace $0x8000004E  }
0xb3: {  	_ =	swait.ge [sflag:s29], $0x1  }
0xb4: {  	[sflag:s29] =	ssyncadd.s32 $0xFFFFFFFF  }
0xb5: {  	_ =	strace $0x9000004E  }
0xb6: {  	_ =	sfence  }
0xb7: {  	s30 =	sld [smem:$0x0];
	_ =	sdelay $0x2  }
0xb8: {  	s31 =	sshll.u32 s1, $0xD;
	s1 =	sshrl.u32 s1, $0x2  }
0xb9: {  	s3 =	sand.u32 $0x4000, s31;
	s1 =	sadd.s32 s1, s30  }
0xba: {  	s0 =	sor.u32 s3, s0;
	s1 =	sshll.u32 s1, $0x11  }
0xbb: {  	s0 =	sor.u32 s1, s0  }
0xbc: {  	s0 =	sadd.s32 $0x8F2B, s0  }
0xbd: {  	[sflag:s0] =	ssyncadd.remote.s32 $0x1  }
0xbe: {  	_ =	sfence.sel $0xFFFF  }
0xbf: {  	[dreg:$0x0] =	wrdreg $0xFFFFFFFF;
	(pc) =	sbr.abs _section_cstart, $3  }
0xc0: {  	[dreg:$0x1] =	wrdreg $0xFFFFFFFF  }
0xc1: {  	_ =	task.clear_ibuf [dreg:s7], $0x2FFFF;
	_ =	strace $0x9FFFFFFF  }
0xc2: {  	(tm) =	ssettm $0x7FFFFFFF  }
0xc3: {  	_ =	shalt  }
tec
execute0_lowered:
.L_overlay_start_1:
0x0: {  	(tag) =	ssettag $0x1  }
0x1: {  	s8 =	rddreg [dreg:$0x0]  }
0x2: {  	s11 =	rddreg [dreg:$0x1]  }
0x3: {  	s0 =	rddreg [dreg:$0x2];
	s1 =	simm.s32 $0x0;
	s7 =	srdreg.scid  }
0x4: {  	s2 =	stileid.u32;
	s15 =	simm.s32 $0xAFD0;
	s16 =	simm.s32 $0xB6E0  }
0x5: {  	s17 =	simm.s32 $0xBDF0;
	s18 =	simm.s32 $0x12C0;
	s19 =	simm.s32 $0x1  }
0x6: {  	s20 =	simm.s32 $0xBE00;
	s21 =	simm.s32 $0x0;
	[smem:$0x7FF] =	sst s1  }
0x7: {  	s3 =	sadd.s32 $0x1D6E00, s8;
	s4 =	sadd.s32 $0xE00, s8;
	s5 =	sadd.s32 $0x97000, s8  }
0x8: {  	s6 =	sadd.s32 $0x96E00, s8;
	s9 =	sand.u32 $0x1, s7;
	s10 =	sshll.u32 s2, $0x1  }
0x9: {  	s7 =	sadd.s32 $0x302E00, s8;
	s8 =	sadd.s32 $0x303000, s8;
	s12 =	ssub.s32 $0x2, s9  }
0xa: {  	_ =	strace $0x8000004D;
	s10 =	sor.u32 s9, s10;
	s31 =	sshrl.u32 s12, $0x1  }
0xb: {  	s13 =	smul.u32 $0x9600, s10;
	s9 =	sshll.u32 s10, $0x9;
	s14 =	sshll.u32 s10, $0x6  }
0xc: {  	v0 =	vimm.s32 $0x0;
	vm0 =	vcmask $0x300;
	s12 =	ssub.s32 s12, s31;
	s11 =	sadd.s32 s11, s14;
	s14 =	simm.s32 $0x2  }
0xd: {  	v0 =	vsel vm0, $0x3, v0;
	s10 =	sadd.s32 s3, s13;
	s12 =	smax.u32 s12, $0x1;
	s13 =	simm.s32 $0xA8C0  }
.LBB2_1:
0xe: {  	[tilespmem:s13], [sflag:$0x2] =	stream.linear.gather [hbm4b:s5+s1], $0x710, $0x38;
	[tilespmem:$0xC000] =	vst v63  }
0xf: {  	_ =	swait.ge [sflag:s14], $0x710  }
0x10: {  	[sflag:s14] =	ssyncset.done $0x0  }
0x11: {  	[sflag:s14] =	ssyncadd.s32 $0xFFFFF8F0  }
0x12: {  	[tilespmem:s15], [sflag:$0x2] =	stream.linear.gather [hbm4b:s6+s1], $0x710, $0x38;
	[tilespmem:$0xC000] =	vst v63  }
0x13: {  	_ =	swait.ge [sflag:s14], $0x710  }
0x14: {  	[sflag:s14] =	ssyncset.done $0x0  }
0x15: {  	[sflag:s14] =	ssyncadd.s32 $0xFFFFF8F0  }
0x16: {  	[tilespmem:s16], [sflag:$0x2] =	stream.linear.gather [hbm4b:s7+s1], $0x710, $0x38;
	[tilespmem:$0xC000] =	vst v63  }
0x17: {  	_ =	swait.ge [sflag:s14], $0x710  }
0x18: {  	[sflag:s14] =	ssyncset.done $0x0  }
0x19: {  	[sflag:s14] =	ssyncadd.s32 $0xFFFFF8F0  }
0x1a: {  	[tilespmem:s17], [sflag:$0x2] =	stream.linear.gather [hbm4b:s8+s1], $0x10, $0x38;
	[tilespmem:$0xC000] =	vst v63  }
0x1b: {  	_ =	swait.ge [sflag:s14], $0x10  }
0x1c: {  	[sflag:s14] =	ssyncset.done $0x0  }
0x1d: {  	[sflag:s14] =	ssyncadd.s32 $0xFFFFFFF0  }
0x1e: {  	[tilespmem:s1], [sflag:$0x2] =	stream.linear.gather [hbm4b:s10+s1], $0x12C0, $0x38;
	[tilespmem:$0xC000] =	vst v63  }
0x1f: {  	_ =	swait.ge [sflag:s14], $0x12C0  }
0x20: {  	[sflag:s14] =	ssyncset.done $0x0  }
0x21: {  	s22 =	simm.s32 $0x0;
	[sflag:s14] =	ssyncadd.s32 $0xFFFFED40  }
0x22: {  	[tilespmem:s18], [sflag:$0x1] =	stream.indirect.gather [hbm4b:s4+s18], $0x3, s1, s18, $0xb8;
	[tilespmem:$0xC000] =	vst v63  }
.LBB2_2:
0x23: {  	_ =	swait.ge [sflag:s19], $0x3840  }
0x24: {  	[sflag:s19] =	ssyncset.done $0x0  }
0x25: {  	s24 =	simm.s32 $0x0;
	[sflag:s19] =	ssyncadd.s32 $0xFFFFC7C0  }
0x26: {  	v1 =	vld [tilespmem:s24+$0xA8C0]  }
0x27: {  	v2 =	vld [tilespmem:s24+$0xAFD0];
	_ =	sdelay $0x4  }
0x28: {  	v3 =	vand.u32 $0xFFFFFFF8, v2;
	v1 =	vshll.u32 v1, $0x3  }
0x29: {  	v2 =	vand.u32 $0x7, v2;
	v1 =	vadd.s32 v1, v3  }
0x2a: {  	v1 =	vor.u32 v2, v1  }
0x2b: {  	v4 =	vadd.s32 $0x8340, v1;
	_ =	sdelay $0x1  }
0x2c: {  	s23 =	simm.s32 $0x10  }
0x2d: {  	v6 =	vld [tilespmem:s23+$0xA8C0]  }
0x2e: {  	v8 =	vld [tilespmem:s23+$0xAFD0];
	v5 =	vadd.s32 $0x12C0, v1  }
0x2f: {  	v7 =	vadd.s32 $0x2580, v1;
	v11 =	vld.idx.msk [tilespmem:v4+s18+$0x0], $0xffff  }
0x30: {  	v9 =	vadd.s32 $0x3840, v1;
	v4 =	vld [tilespmem:s24+$0xB6E0]  }
0x31: {  	v2 =	vld [tilespmem:$0xBDF0];
	v10 =	vadd.s32 $0x4B00, v1  }
0x32: {  	v12 =	vadd.s32 $0x5DC0, v1;
	v3 =	vld.idx.msk [tilespmem:v1+s18+$0x0], $0xffff  }
0x33: {  	v6 =	vshll.u32 v6, $0x3;
	v13 =	vld.idx.msk [tilespmem:v5+s18+$0x0], $0xffff;
	v5 =	vand.u32 $0xFFFFFFF8, v8  }
0x34: {  	v1 =	vadd.s32 $0x7080, v1;
	v16 =	vld.idx.msk [tilespmem:v7+s18+$0x0], $0xffff;
	v7 =	vand.u32 $0x7, v8;
	v5 =	vadd.s32 v6, v5  }
0x35: {  	v17 =	vld.idx.msk [tilespmem:v9+s18+$0x0], $0xffff;
	v23 =	vor.u32 v7, v5;
	v5 =	vmul.f32 v11, v4  }
0x36: {  	v14 =	vld.idx.msk [tilespmem:v10+s18+$0x0], $0xffff  }
0x37: {  	v12 =	vld.idx.msk [tilespmem:v12+s18+$0x0], $0xffff;
	s24 =	simm.s32 $0x20;
	v10 =	vmovc v2;
	v9 =	vmov v2;
	v21 =	vadd.s32 $0x12C0, v23;
	v24 =	vadd.s32 $0x8340, v23  }
0x38: {  	v8 =	vmovc v2;
	v25 =	vld [tilespmem:s24+$0xA8C0];
	v6 =	vmovc v2;
	v22 =	vadd.s32 $0x2580, v23;
	v20 =	vadd.s32 $0x3840, v23;
	v18 =	vadd.s32 $0x4B00, v23  }
0x39: {  	s25 =	simm.s32 $0xC0;
	v19 =	vadd.s32 $0x5DC0, v23;
	v7 =	vmovc v2;
	v15 =	vld.idx.msk [tilespmem:v1+s18+$0x0], $0xffff;
	v11 =	vadd.s32 $0x7080, v23;
	v1 =	vadd.f32 v5, v2;
	v5 =	vmovc v2  }
.LBB2_3:
0x3a: {  	p0 =	sne.s32 s25, $0x1C00;
	v26 =	vld [tilespmem:s24+$0xAFD0];
	v13 =	vmul.f32 v13, v4;
	v16 =	vmul.f32 v16, v4  }
0x3b: {  	v27 =	vmul.f32 v3, v4;
	v17 =	vmul.f32 v17, v4;
	v3 =	vld.idx.msk [tilespmem:v23+s18+$0x0], $0xffff  }
0x3c: {  	v14 =	vmul.f32 v14, v4;
	v28 =	vld.idx.msk [tilespmem:v24+s18+$0x0], $0xffff;
	v2 =	vadd.f32 v13, v2;
	v10 =	vadd.f32 v16, v10  }
0x3d: {  	v9 =	vadd.f32 v27, v9;
	v8 =	vadd.f32 v17, v8;
	v12 =	vmul.f32 v12, v4;
	v29 =	vld [tilespmem:s23+$0xB6E0];
	s23 =	smov.u32 s24  }
0x3e: {  	v7 =	vadd.f32 v14, v7;
	v4 =	vmul.f32 v15, v4;
	v13 =	vld.idx.msk [tilespmem:v21+s18+$0x0], $0xffff  }
0x3f: {  	v15 =	vshll.u32 v25, $0x3;
	v6 =	vadd.f32 v12, v6;
	v14 =	vand.u32 $0xFFFFFFF8, v26;
	v16 =	vld.idx.msk [tilespmem:v22+s18+$0x0], $0xffff  }
.Ltmp0:
0x40: {  	v12 =	vand.u32 $0x7, v26;
	v5 =	vadd.f32 v4, v5;
	v14 =	vadd.s32 v15, v14;
	v17 =	vld.idx.msk [tilespmem:v20+s18+$0x0], $0xffff;
	(pc) =	sbr.rel @p0 .LBB2_3-.Ltmp0, $4  }
0x41: {  	v23 =	vor.u32 v12, v14;
	v14 =	vld.idx.msk [tilespmem:v18+s18+$0x0], $0xffff  }
0x42: {  	v21 =	vadd.s32 $0x12C0, v23;
	v24 =	vadd.s32 $0x8340, v23;
	v12 =	vld.idx.msk [tilespmem:v19+s18+$0x0], $0xffff;
	v26 =	vmul.f32 v28, v29;
	v4 =	vmovc v29  }
0x43: {  	s24 =	sshra.s32 s25, $0x2;
	v22 =	vadd.s32 $0x2580, v23;
	v20 =	vadd.s32 $0x3840, v23;
	v18 =	vadd.s32 $0x4B00, v23;
	v15 =	vld.idx.msk [tilespmem:v11+s18+$0x0], $0xffff  }
0x44: {  	s25 =	sadd.s32 $0x40, s25;
	v19 =	vadd.s32 $0x5DC0, v23;
	v11 =	vadd.s32 $0x7080, v23;
	v25 =	vld [tilespmem:s24+$0xA8C0];
	v1 =	vadd.f32 v26, v1  }
0x45: {  	_ =	sdelay $0x1  }
0x46: {  	v26 =	vld [tilespmem:s24+$0xAFD0];
	_ =	sdelay $0x1  }
0x47: {  	v23 =	vld.idx.msk [tilespmem:v23+s18+$0x0], $0xffff  }
0x48: {  	v24 =	vld.idx.msk [tilespmem:v24+s18+$0x0], $0xffff  }
0x49: {  	v27 =	vld [tilespmem:s23+$0xB6E0]  }
0x4a: {  	v21 =	vld.idx.msk [tilespmem:v21+s18+$0x0], $0xffff;
	v25 =	vshll.u32 v25, $0x3;
	v28 =	vand.u32 $0xFFFFFFF8, v26  }
0x4b: {  	v22 =	vld.idx.msk [tilespmem:v22+s18+$0x0], $0xffff;
	v26 =	vand.u32 $0x7, v26;
	v25 =	vadd.s32 v25, v28  }
0x4c: {  	v20 =	vld.idx.msk [tilespmem:v20+s18+$0x0], $0xffff;
	v25 =	vor.u32 v26, v25  }
0x4d: {  	v13 =	vmul.f32 v13, v4;
	v16 =	vmul.f32 v16, v4;
	v18 =	vld.idx.msk [tilespmem:v18+s18+$0x0], $0xffff;
	v26 =	vadd.s32 $0x12C0, v25  }
0x4e: {  	v3 =	vmul.f32 v3, v4;
	v17 =	vmul.f32 v17, v4;
	v19 =	vld.idx.msk [tilespmem:v19+s18+$0x0], $0xffff;
	v59 =	vadd.s32 $0x2580, v25  }
0x4f: {  	v11 =	vld.idx.msk [tilespmem:v11+s18+$0x0], $0xffff;
	v14 =	vmul.f32 v14, v4;
	v2 =	vadd.f32 v13, v2;
	v60 =	vadd.s32 $0x3840, v25  }
0x50: {  	v29 =	vld [tilespmem:s24+$0xB6E0];
	v10 =	vadd.f32 v16, v10;
	v3 =	vadd.f32 v3, v9;
	v61 =	vadd.s32 $0x4B00, v25  }
0x51: {  	v8 =	vadd.f32 v17, v8;
	v12 =	vmul.f32 v12, v4;
	v63 =	vadd.s32 $0x5DC0, v25;
	v62 =	vld.idx.msk [tilespmem:v25+s18+$0x0], $0xffff  }
0x52: {  	v7 =	vadd.f32 v14, v7;
	v31 =	vmul.f32 v15, v4;
	v32 =	vadd.s32 $0x7080, v25;
	v33 =	vld.idx.msk [tilespmem:v26+s18+$0x0], $0xffff  }
0x53: {  	v21 =	vmul.f32 v21, v27;
	v36 =	vmul.f32 v22, v27;
	v34 =	vadd.s32 $0x8340, v25;
	v35 =	vld.idx.msk [tilespmem:v59+s18+$0x0], $0xffff  }
0x54: {  	v6 =	vadd.f32 v12, v6;
	v37 =	vmul.f32 v23, v27;
	v38 =	vmul.f32 v24, v27;
	v13 =	vld.idx.msk [tilespmem:v60+s18+$0x0], $0xffff  }
0x55: {  	v4 =	vadd.f32 v31, v5;
	v20 =	vmul.f32 v20, v27;
	v40 =	vmul.f32 v18, v27;
	v9 =	vld.idx.msk [tilespmem:v61+s18+$0x0], $0xffff  }
0x56: {  	v41 =	vmul.f32 v19, v27;
	v3 =	vadd.f32 v37, v3;
	v39 =	vld.idx.msk [tilespmem:v63+s18+$0x0], $0xffff;
	v16 =	vmul.f32 v62, v29  }
0x57: {  	v11 =	vmul.f32 v11, v27;
	v2 =	vadd.f32 v21, v2;
	v14 =	vld.idx.msk [tilespmem:v32+s18+$0x0], $0xffff;
	v15 =	vmul.f32 v33, v29  }
0x58: {  	v5 =	vadd.f32 v36, v10;
	v12 =	vld.idx.msk [tilespmem:v34+s18+$0x0], $0xffff;
	v42 =	vmul.f32 v35, v29;
	v3 =	vadd.f32 v16, v3  }
0x59: {  	v8 =	vadd.f32 v20, v8;
	v13 =	vmul.f32 v13, v29;
	v2 =	vadd.f32 v15, v2  }
0x5a: {  	v7 =	vadd.f32 v40, v7;
	v9 =	vmul.f32 v9, v29;
	v5 =	vadd.f32 v42, v5;
	(xrf2) =	vadd.scan.msk.f32 $0xffff, v3  }
0x5b: {  	v44 =	vmul.f32 v39, v29;
	v43 =	vadd.f32 v13, v8;
	v3 =	vadd.f32 v41, v6;
	(xrf2) =	vadd.scan.msk.f32 $0xffff, v2  }
0x5c: {  	v46 =	vmul.f32 v14, v29;
	v45 =	vadd.f32 v9, v7;
	v2 =	vadd.f32 v11, v4;
	(xrf2) =	vadd.scan.msk.f32 $0xffff, v5  }
0x5d: {  	s31 =	sshll.u32 s22, $0x3;
	v1 =	vadd.f32 v38, v1;
	v47 =	vmul.f32 v12, v29;
	v3 =	vadd.f32 v44, v3;
	(xrf2) =	vadd.scan.msk.f32 $0xffff, v43  }
0x5e: {  	v48 =	vmov s31;
	v2 =	vadd.f32 v46, v2;
	(xrf2) =	vadd.scan.msk.f32 $0xffff, v45  }
0x5f: {  	v49 =	vshrl.u32 v48, $0x3;
	v1 =	vadd.f32 v47, v1;
	(xrf2) =	vadd.scan.msk.f32 $0xffff, v3  }
0x60: {  	v3 =	vshll.u32 v49, v0;
	(xrf2) =	vadd.scan.msk.f32 $0xffff, v2  }
0x61: {  	v2 =	vbroadcast v3, $0x0;
	v4 =	vadd.s32 $0x1, v3;
	(xrf2) =	vadd.scan.msk.f32 $0xffff, v1  }
0x62: {  	v50 =	vadd.s32 $0x2, v3;
	v1 =	vbroadcast v4, $0x0  }
0x63: {  	v51 =	vadd.s32 $0x3, v3;
	v4 =	vbroadcast v50, $0x0  }
0x64: {  	v53 =	vadd.s32 $0x4, v3;
	v5 =	vbroadcast v51, $0x0;
	v52, _, _ =	vpop (xrf2)  }
0x65: {  	v55 =	vadd.s32 $0x5, v3;
	v7 =	vbroadcast v53, $0x0;
	v54, _, _ =	vpop (xrf2);
	v6 =	vbroadcast v52, $0xF  }
0x66: {  	v57 =	vadd.s32 $0x6, v3;
	v9 =	vbroadcast v55, $0x0;
	v56, _, _ =	vpop (xrf2);
	v8 =	vbroadcast v54, $0xF  }
0x67: {  	v3 =	vadd.s32 $0x7, v3;
	v59 =	vbroadcast v57, $0x0;
	v58, _, _ =	vpop (xrf2);
	[tilespmem:v2+s20+$0x0] =	vst.idx.msk $0x1, v6;
	v2 =	vbroadcast v56, $0xF  }
0x68: {  	p0 =	seq.s32 s22, $0x3F;
	v3 =	vbroadcast v3, $0x0;
	v60, _, _ =	vpop (xrf2);
	[tilespmem:v1+s20+$0x0] =	vst.idx.msk $0x1, v8;
	v1 =	vbroadcast v58, $0xF  }
0x69: {  	s22 =	sadd.s32 @!p0 $0x1, s22;
	v61, _, _ =	vpop (xrf2);
	[tilespmem:v4+s20+$0x0] =	vst.idx.msk $0x1, v2;
	v2 =	vbroadcast v60, $0xF  }
0x6a: {  	s23 =	sshll.u32 @!p0 s22, $0x3;
	v62, _, _ =	vpop (xrf2);
	[tilespmem:v5+s20+$0x0] =	vst.idx.msk $0x1, v1;
	v1 =	vbroadcast v61, $0xF  }
0x6b: {  	s23 =	sadd.s32 @!p0 s9, s23;
	[tilespmem:v7+s20+$0x0] =	vst.idx.msk $0x1, v2;
	v2 =	vbroadcast v62, $0xF;
	v63, _, _ =	vpop (xrf2)  }
0x6c: {  	s23 =	smul.u32 @!p0 $0x4B, s23;
	[tilespmem:v9+s20+$0x0] =	vst.idx.msk $0x1, v1;
	v1 =	vbroadcast v63, $0xF  }
0x6d: {  	[tilespmem:v59+s20+$0x0] =	vst.idx.msk $0x1, v2  }
0x6e: {  	s24 =	simm.s32 @!p0 $0x0;
	s23 =	sadd.s32 @!p0 s3, s23;
	[tilespmem:v3+s20+$0x0] =	vst.idx.msk $0x1, v1  }
0x6f: {  	[tilespmem:s24], [sflag:$0x2] =	stream.linear.gather @!p0 [hbm4b:s23+s24], $0x12C0, $0x38;
	[tilespmem:$0xC000] =	vst v63  }
0x70: {  	s23 =	simm.s32 @!p0 $0x2  }
0x71: {  	_ =	swait.ge @!p0 [sflag:s23], $0x12C0  }
0x72: {  	[sflag:s23] =	ssyncset.done @!p0 $0x0  }
0x73: {  	p1 =	sne.s32 @!p0 s22, $0x40;
	[sflag:s23] =	ssyncadd.s32 @!p0 $0xFFFFED40;
	s23 =	simm.s32 @!p0 $0x12C0  }
0x74: {  	[tilespmem:s23], [sflag:$0x1] =	stream.indirect.gather @!p0 [hbm4b:s4+s23], $0x3, s24, s23, $0xb8;
	[tilespmem:$0xC000] =	vst v63  }
0x75: {  	p0 =	por p0, !p1  }
.Ltmp1:
0x76: {  	_ = 	snop;
	(pc) =	sbr.rel @!p0 .LBB2_2-.Ltmp1, $1  }
0x77: {  	_ =	sdelay $0x3  }
0x78: {  	s21 =	sadd.s32 $0x1, s21  }
0x79: {  	p0 =	sne.s32 s21, s12  }
.Ltmp2:
0x7a: {  	_ = 	snop;
	(pc) =	sbr.rel @p0 .LBB2_1-.Ltmp2, $4  }
0x7b: {  	[hbm4b:s11+s1] =	stream.linear.scatter [tilespmem:s20], [sflag:$0x2], $0x200, $0x38;
	[tilespmem:$0xC000] =	vst v63  }
0x7c: {  	_ =	swait.ge [sflag:s14], $0x200  }
0x7d: {  	[sflag:s14] =	ssyncset.done $0x0  }
0x7e: {  	[sflag:s14] =	ssyncadd.s32 $0xFFFFFE00  }
0x7f: {  	_ =	sfence.sel $0x180000  }
0x80: {  	[bflag:$0x0] =	sbarrier.arrive $0xFFFF  }
0x81: {  	p0 =	sne.s32 s2, $0x0;
	_ =	strace $0x9000004D  }
0x82: {  	s0 =	sadd.s32 @!p0 $0x100000, s0;
	[bflag:$0x2] =	sbarrier.arrive $0xFFFF  }
0x83: {  	[sflag:s0] =	ssyncadd.tile.s32 @!p0 $0x1;
	_ =	shalt  }
.Lfunc_end2:
_tile_overlayer_lowered:
.L_overlay_start_2:
0x84: {  	(tag) =	ssettag $0x2  }
0x85: {  	s0 =	rddreg [dreg:$0x0];
	s2 =	stileid.u32  }
0x86: {  	s1 =	rddreg [dreg:$0x1];
	p0 =	sne.s32 s2, $0x0  }
0x87: {  	s3 =	rddreg [dreg:$0x2];
	[bflag:$0x3] =	sbarrier.arrive $0xFFFF;
	s2 =	simm.s32 @!p0 $0x1C02  }
0x88: {  	[timem:s3], [sflag:s2] =	dma.local @!p0 [hbm:s0], s1  }
0x89: {  	s0 =	simm.s32 @!p0 $0x2  }
0x8a: {  	_ =	swait.ge @!p0 [sflag:s0], s1  }
0x8b: {  	s1 =	ssub.s32 @!p0 $0x0, s1;
	[sflag:s0] =	ssyncset.done @!p0 $0x0  }
0x8c: {  	[sflag:s0] =	ssyncadd.s32 @!p0 s1  }
0x8d: {  	[bflag:$0x3] =	sbarrier.arrive $0xFFFF  }
0x8e: {  	_ =	shalt  }

// kernel: kernel.5.cloned.1.call-start
scs
__scs_entry_jumppad:
0x0: {  	(pc) =	sbr.rel $0x88, $3  }
0x1: {  	(tag) =	ssettag $0x0;
	lr =	simm.s32 $0x1  }
0x2: {  	[smem:$0x3F9D] =	sst lr;
	_ =	strace $0xD0000000  }
0x3: {  	_ = 	snop  }
0x4: {  	_ = 	snop  }
0x5: {  	_ = 	snop  }
0x6: {  	_ = 	snop  }
0x7: {  	_ = 	snop  }
__scs_overlays_trampoline_lowered:
0x8: {  	[smem:$0x3FAC] =	sst s0  }
0x9: {  	[smem:$0x3FAD] =	sst s1  }
0xa: {  	[smem:$0x3FAE] =	sst s2  }
0xb: {  	[smem:$0x3FAF] =	sst s3  }
0xc: {  	[smem:$0x3FB0] =	sst s4  }
0xd: {  	[smem:$0x3FB1] =	sst s5  }
0xe: {  	[smem:$0x3FB2] =	sst s6  }
0xf: {  	[smem:$0x3FB3] =	sst s7  }
0x10: {  	[smem:$0x3FB4] =	sst s8  }
0x11: {  	[smem:$0x3FB5] =	sst s9;
	s0 =	simm.s32 @!p0 $0x0  }
0x12: {  	s1 =	sld [smem:$0x3F9B];
	s0 =	simm.s32 @p0 $0x1  }
0x13: {  	[smem:$0x3FB6] =	sst s0;
	s0 =	simm.s32 @!p1 $0x0  }
0x14: {  	s2 =	sld [smem:$0x3F9A];
	s0 =	simm.s32 @p1 $0x1  }
0x15: {  	[smem:$0x3FB7] =	sst s0;
	s0 =	simm.s32 @!p2 $0x0  }
0x16: {  	s3 =	sld [smem:$0x3FDB];
	s0 =	simm.s32 @p2 $0x1  }
0x17: {  	s4 =	simm.s32 $0x1BF5;
	[smem:$0x3FB9] =	sst s0  }
0x18: {  	s0 =	sld [smem:$0x3F9C];
	_ =	swait.ge [sflag:s4], $0x0  }
0x19: {  	s7 =	sld [smem:$0x3F9D]  }
0x1a: {  	s8 =	sadd.s32 $0xFFFFE003, lr  }
0x1b: {  	s9 =	sadd.s32 $0xFFFFFEF7, lr;
	s5 =	simm.s32 $0xFFFFFFFF;
	p2 =	slt.u32 s8, $0xFFFFF086  }
0x1c: {  	p1 =	slt.u32 s9, $0xF7A;
	s5 =	simm.s32 @!p2 $0x0  }
0x1d: {  	s5 =	simm.s32 @p1 $0x1;
	p0 =	seq.s32 s7, s2  }
0x1e: {  	s7 =	smul.u32 @!p0 $0xF7A, s2;
	p2 =	seq.s32 @!p0 s5, $0x0  }
0x1f: {  	s9 =	smul.u32 $0xF7A, s1;
	s8 =	simm.s32 @!p0 $0x1BF5;
	p2 =	por !p2, p0  }
0x20: {  	[sflag:s8] =	ssyncset.s32 @!p0 $0xFFFFF086;
	s6 =	sadd.s32 @!p0 s3, s7;
	s7 =	simm.s32 @!p0 $0x108  }
0x21: {  	s3 =	sadd.s32 s3, s9;
	s6 =	sadd.s32 @!p0 $0x88, s6;
	s7 =	simm.s32 @p2 $0x1082  }
0x22: {  	[simem:s7], [sflag:s8] =	dma.local @!p0 [hbm:s6], $0xF7A  }
0x23: {  	s9 =	sor.u32 $0xD0000000, s2;
	s6 =	simm.s32 $0x108;
	_ =	swait.ge @!p0 [sflag:s8], $0x0  }
0x24: {  	s3 =	sadd.s32 $0x88, s3;
	s6 =	simm.s32 @!p1 $0x1082;
	[sflag:s4] =	ssyncset.s32 $0xFFFFF086  }
0x25: {  	[simem:s6], [sflag:s4] =	dma.local [hbm:s3], $0xF7A  }
0x26: {  	[smem:$0x3F9D] =	sst s1;
	(tag) =	ssettag s2;
	_ =	strace s9  }
0x27: {  	s1 =	sld [smem:$0x3FAD]  }
0x28: {  	s2 =	sld [smem:$0x3FAE]  }
0x29: {  	s4 =	sld [smem:$0x3FB0]  }
0x2a: {  	p0 =	seq.s32 s5, $0x0;
	s5 =	sld [smem:$0x3FB1]  }
0x2b: {  	s6 =	sld [smem:$0x3FB2]  }
0x2c: {  	s7 =	sld [smem:$0x3FB3]  }
0x2d: {  	s3 =	simm.s32 $0x108;
	s8 =	sld [smem:$0x3FB4]  }
0x2e: {  	s3 =	simm.s32 @!p0 $0x1082;
	s9 =	sld [smem:$0x3FB5]  }
0x2f: {  	lr =	sadd.s32 s0, s3;
	s0 =	sld [smem:$0x3FAC]  }
0x30: {  	s3 =	sld [smem:$0x3FAF]  }
0x31: {  	[smem:$0x3FB8] =	sst s10  }
0x32: {  	s10 =	sld [smem:$0x3FB6];
	_ =	sdelay $0x3  }
0x33: {  	p0 =	seq.s32 s10, $0x1;
	s10 =	sld [smem:$0x3FB8];
	_ =	sdelay $0x3  }
0x34: {  	[smem:$0x3FB8] =	sst s10  }
0x35: {  	s10 =	sld [smem:$0x3FB7];
	_ =	sdelay $0x3  }
0x36: {  	p1 =	seq.s32 s10, $0x1;
	s10 =	sld [smem:$0x3FB8];
	_ =	sdelay $0x3  }
0x37: {  	[smem:$0x3FB8] =	sst s10  }
0x38: {  	s10 =	sld [smem:$0x3FB9]  }
0x39: {  	_ = 	snop;
	(pc) =	sbr.ind lr, $3  }
0x3a: {  	_ = 	snop  }
0x3b: {  	_ = 	snop  }
0x3c: {  	p2 =	seq.s32 s10, $0x1;
	s10 =	sld [smem:$0x3FB8]  }
0x3d: {  	_ =	shalt  }
0x3e: {  	_ =	shalt  }
0x3f: {  	_ =	shalt  }
0x40: {  	_ =	shalt  }
0x41: {  	_ =	shalt  }
0x42: {  	_ =	shalt  }
0x43: {  	_ =	shalt  }
0x44: {  	_ =	shalt  }
0x45: {  	_ =	shalt  }
0x46: {  	_ =	shalt  }
0x47: {  	_ =	shalt  }
0x48: {  	_ =	shalt  }
0x49: {  	_ =	shalt  }
0x4a: {  	_ =	shalt  }
0x4b: {  	_ =	shalt  }
0x4c: {  	_ =	shalt  }
0x4d: {  	_ =	shalt  }
0x4e: {  	_ =	shalt  }
0x4f: {  	_ =	shalt  }
0x50: {  	_ =	shalt  }
0x51: {  	_ =	shalt  }
0x52: {  	_ =	shalt  }
0x53: {  	_ =	shalt  }
0x54: {  	_ =	shalt  }
0x55: {  	_ =	shalt  }
0x56: {  	_ =	shalt  }
0x57: {  	_ =	shalt  }
0x58: {  	_ =	shalt  }
0x59: {  	_ =	shalt  }
0x5a: {  	_ =	shalt  }
0x5b: {  	_ =	shalt  }
0x5c: {  	_ =	shalt  }
0x5d: {  	_ =	shalt  }
0x5e: {  	_ =	shalt  }
0x5f: {  	_ =	shalt  }
0x60: {  	_ =	shalt  }
0x61: {  	_ =	shalt  }
0x62: {  	_ =	shalt  }
0x63: {  	_ =	shalt  }
0x64: {  	_ =	shalt  }
0x65: {  	_ =	shalt  }
0x66: {  	_ =	shalt  }
0x67: {  	_ =	shalt  }
0x68: {  	_ =	shalt  }
0x69: {  	_ =	shalt  }
0x6a: {  	_ =	shalt  }
0x6b: {  	_ =	shalt  }
0x6c: {  	_ =	shalt  }
0x6d: {  	_ =	shalt  }
0x6e: {  	_ =	shalt  }
0x6f: {  	_ =	shalt  }
0x70: {  	_ =	shalt  }
0x71: {  	_ =	shalt  }
0x72: {  	_ =	shalt  }
0x73: {  	_ =	shalt  }
0x74: {  	_ =	shalt  }
0x75: {  	_ =	shalt  }
0x76: {  	_ =	shalt  }
0x77: {  	_ =	shalt  }
0x78: {  	_ =	shalt  }
0x79: {  	_ =	shalt  }
0x7a: {  	_ =	shalt  }
0x7b: {  	_ =	shalt  }
0x7c: {  	_ =	shalt  }
0x7d: {  	_ =	shalt  }
0x7e: {  	_ =	shalt  }
0x7f: {  	_ =	shalt  }
0x80: {  	_ =	shalt  }
0x81: {  	_ =	shalt  }
0x82: {  	_ =	shalt  }
0x83: {  	_ =	shalt  }
0x84: {  	_ =	shalt  }
0x85: {  	_ =	shalt  }
0x86: {  	_ =	shalt  }
0x87: {  	_ =	shalt  }
.Lfunc_end0:
.L_simem_size_0:
called_computation_lowered:
.L_overlay_start_0:
0x88: {  	s2 =	sld [smem:$0x3FD9]  }
0x89: {  	s3 =	sld [smem:$0x3FFE];
	_ =	sdelay $0x1  }
0x8a: {  	s1 =	srdreg.scid  }
0x8b: {  	s0 =	sand.u32 $0x1, s1  }
0x8c: {  	s16 =	sshll.u32 s0, $0xA;
	s2 =	sadd.s32 s3, s2  }
0x8d: {  	s2 =	sadd.s32 s2, s16  }
0x8e: {  	[smem:$0x3FC4] =	sst s2  }
0x8f: {  	_ = 	snop  }
0x90: {  	(tm) =	ssettm $0x1  }
0x91: {  	s17 =	sld [smem:$0x3FFB];
	_ =	sdelay $0x3  }
0x92: {  	_ =	strace s17  }
0x93: {  	s2 =	sld [smem:$0x3FFC];
	_ =	sdelay $0x3  }
0x94: {  	_ =	strace s2  }
0x95: {  	s2 =	sld [smem:$0x3FFD];
	_ =	sdelay $0x3  }
0x96: {  	_ =	strace s2  }
0x97: {  	_ =	strace $0x8FFFFFFF  }
0x98: {  	s18 =	sld [smem:$0x3FDB];
	_ =	sdelay $0x1  }
0x99: {  	s19 =	simm.s32 $_scs_section_size  }
0x9a: {  	s4 =	simm.s32 $_size__tile_overlayer_lowered;
	s5 =	simm.s32 $_tile_overlayer_lowered  }
0x9b: {  	s22 =	simm.s32 $0x1BFF;
	s21 =	sshll.u32 s5, $0x1;
	s2 =	sadd.s32 s19, s18  }
0x9c: {  	s6 =	simm.s32 $0x0;
	s20 =	sshll.u32 s4, $0x1;
	s4 =	sadd.s32 s21, s2  }
0x9d: {  	[timem:s6], [sflag:s22] =	dma.local [hbm:s4], s20  }
0x9e: {  	_ =	swait.ge [sflag:s22], s20  }
0x9f: {  	s3 =	ssub.s32 $0x0, s20;
	[sflag:s22] =	ssyncset.done $0x0  }
0xa0: {  	[sflag:s22] =	ssyncadd.s32 s3;
	_ =	sdelay $0x1  }
0xa1: {  	s23 =	simm.s32 $0x1B8B  }
0xa2: {  	_ =	swait.ge [sflag:s23], $0x1  }
0xa3: {  	[sflag:s23] =	ssyncset.done $0x0  }
0xa4: {  	s25 =	simm.s32 $0x1B8E;
	s24 =	sld [smem:$0x3FFE];
	[sflag:s23] =	ssyncadd.s32 $0xFFFFFFFF  }
0xa5: {  	s26 =	simm.s32 $execute0_lowered;
	[smem:$0x3FD2] =	sst s25  }
0xa6: {  	s4 =	sshll.u32 s26, $0x1;
	_ =	strace $0x80000046;
	[dreg:$0x1] =	wrdreg $0xFFFFFFFF  }
0xa7: {  	s28 =	simm.s32 $_size_execute0_lowered;
	s2 =	sadd.s32 s2, s4;
	[dreg:$0x0] =	wrdreg $0x0  }
0xa8: {  	s4 =	sshll.u32 s28, $0x1;
	[dreg:$0x2] =	wrdreg s2  }
0xa9: {  	[dreg:$0x3] =	wrdreg s4  }
0xaa: {  	[dreg:$0x4] =	wrdreg $0xC0  }
0xab: {  	_ =	task [dreg:s6], $0x5FFFF  }
0xac: {  	[dreg:$0x1] =	wrdreg $0xFFFFFFFF  }
0xad: {  	[dreg:$0x0] =	wrdreg $0x60  }
0xae: {  	[dreg:$0x2] =	wrdreg s24  }
0xaf: {  	[dreg:$0x3] =	wrdreg $0x9  }
0xb0: {  	_ =	task.clear_ibuf [dreg:s6], $0x4FFFF;
	_ =	strace $0x90000046  }
0xb1: {  	s29 =	simm.s32 $0x9;
	_ =	strace $0x80000048  }
0xb2: {  	_ =	swait.ge [sflag:s29], $0x1  }
0xb3: {  	[sflag:s29] =	ssyncadd.s32 $0xFFFFFFFF  }
0xb4: {  	_ =	strace $0x90000048  }
0xb5: {  	_ =	sfence  }
0xb6: {  	s30 =	sld [smem:$0x0];
	_ =	sdelay $0x2  }
0xb7: {  	s31 =	sshll.u32 s1, $0xD;
	s1 =	sshrl.u32 s1, $0x2  }
0xb8: {  	s3 =	sand.u32 $0x4000, s31;
	s1 =	sadd.s32 s1, s30  }
0xb9: {  	s0 =	sor.u32 s3, s0;
	s1 =	sshll.u32 s1, $0x11  }
0xba: {  	s0 =	sor.u32 s1, s0  }
0xbb: {  	s0 =	sadd.s32 $0x8F2B, s0  }
0xbc: {  	[sflag:s0] =	ssyncadd.remote.s32 $0x1  }
0xbd: {  	_ =	sfence.sel $0xFFFF  }
0xbe: {  	[dreg:$0x0] =	wrdreg $0xFFFFFFFF;
	(pc) =	sbr.abs _section_cstart, $3  }
0xbf: {  	[dreg:$0x1] =	wrdreg $0xFFFFFFFF  }
0xc0: {  	_ =	task.clear_ibuf [dreg:s6], $0x2FFFF;
	_ =	strace $0x9FFFFFFF  }
0xc1: {  	(tm) =	ssettm $0x7FFFFFFF  }
tec
execute0_lowered:
.L_overlay_start_1:
0x0: {  	(tag) =	ssettag $0x1  }
0x1: {  	v0 =	vimm.s32 $0x58585850  }
0x2: {  	v1 =	vimm.s32 $0x68606060;
	v0 =	vunpack.c.0.s8.s32 v0  }
0x3: {  	vm1 =	vcmask $0xF00;
	vm0 =	vcmask $0x1F10;
	v1 =	vunpack.c.0.s8.s32 v1  }
0x4: {  	s1 =	srdreg.scid;
	s0 =	stileid.u32;
	v2 =	vimm.s32 $0x70706868;
	v3 =	vimm.s32 $0x38383830;
	v0 =	vnsel vm1, $0x78, v0  }
0x5: {  	v4 =	vimm.s32 $0x8000000;
	s4 =	sand.u32 $0x1, s1;
	s5 =	sshll.u32 s0, $0x1;
	v0 =	vsel vm0, v1, v0;
	v1 =	vimm.s32 $0x30302828  }
0x6: {  	v5 =	vimm.s32 $0x10100808;
	v6 =	vimm.s32 $0x18181810;
	s5 =	sor.u32 s4, s5;
	v1 =	vunpack.c.0.s8.s32 v1  }
0x7: {  	s3 =	rddreg [dreg:$0x0];
	v7 =	vimm.s32 $0x49249249;
	v8 =	vimm.s32 $0x92492492;
	v3 =	vunpack.c.0.s8.s32 v3;
	s6 =	smul.u32 $0x1C20, s5  }
0x8: {  	v2 =	vunpack.c.0.s8.s32 v2;
	v4 =	vunpack.c.0.s8.s32 v4;
	s8 =	smul.u32 $0x4B00, s5;
	s30 =	sshllo.u32 s5, $0x2;
	v1 =	vnsel vm1, $0x50, v1  }
0x9: {  	s2 =	simm.s32 $0x0;
	s7 =	sshll.u32 s5, $0x2;
	s16 =	smul.u32 $0x708, s30;
	v1 =	vsel vm0, v3, v1;
	v3 =	vunpack.c.0.s8.s32 v5;
	v5 =	vimm.s32 $0x48404040  }
0xa: {  	s1 =	rddreg [dreg:$0x1];
	v8 =	vunpack.c.l.s2.s4 v8;
	v4 =	vnsel vm1, $0x28, v4;
	s9 =	sor.u32 $0x1, s7;
	s31 =	smul.u32 $0x12C0, s30;
	v5 =	vunpack.c.0.s8.s32 v5  }
0xb: {  	[smem:$0x7FF] =	sst s2;
	s11 =	sadd.s32 $0x960E00, s3;
	s10 =	smul.u32 $0x708, s9;
	v3 =	vsel vm0, v3, v4;
	v4 =	vunpack.c.0.s8.s32 v6;
	v6 =	vimm.s32 $0x24924924  }
0xc: {  	vm2 =	vcmask $0x2F20;
	v7 =	vunpack.c.l.s2.s4 v7;
	s29 =	ssub.s32 $0x2, s4;
	s7 =	sor.u32 $0x2, s7;
	s9 =	smul.u32 $0x12C0, s9;
	v6 =	vunpack.c.l.s2.s4 v6  }
0xd: {  	s12 =	sadd.s32 $0xE00, s3;
	s4 =	sshrl.u32 s29, $0x1;
	s13 =	smul.u32 $0x708, s7;
	v0 =	vsel vm2, v2, v0;
	v1 =	vsel vm2, v5, v1;
	v5 =	vunpack.c.l.s4.s8 v8  }
0xe: {  	_ =	strace $0x80000047;
	s15 =	ssub.s32 s29, s4;
	s14 =	smul.u32 $0x12C0, s7;
	v2 =	vsel vm2, v4, v3;
	v4 =	vunpack.c.l.s4.s8 v7;
	v3 =	vunpack.c.l.s4.s8 v6  }
0xf: {  	vm13 =	vcmask $0x3330;
	vm14 =	vcmask $0x3730;
	vm15 =	vcmask $0x3B30;
	s3 =	sadd.s32 s11, s6;
	s4 =	sadd.s32 s12, s8;
	s5 =	sadd.s32 s11, s10  }
0x10: {  	s6 =	sadd.s32 s12, s9;
	s7 =	sadd.s32 s11, s13;
	s8 =	sadd.s32 s12, s14;
	v5 =	vunpack.c.0.s8.s32 v5;
	v4 =	vunpack.c.0.s8.s32 v4;
	v3 =	vunpack.c.0.s8.s32 v3  }
0x11: {  	v0 =	vsel vm13, $0x70, v0;
	s9 =	sadd.s32 s11, s16;
	s10 =	sadd.s32 s12, s31;
	s11 =	smax.u32 s15, $0x1;
	v1 =	vsel vm14, $0x48, v1;
	v2 =	vsel vm15, $0x20, v2  }
0x12: {  	s12 =	simm.s32 $0x1;
	s13 =	simm.s32 $0x3840;
	s14 =	simm.s32 $0x0;
	v5 =	vand.u32 $0x3, v5;
	v4 =	vand.u32 $0x3, v4;
	v3 =	vand.u32 $0x3, v3  }
.LBB2_1:
0x13: {  	[tilespmem:s2], [sflag:$0x1] =	stream.linear.gather [hbm4b:s3+s2], $0x3840, $0x38;
	[tilespmem:$0xCE40] =	vst v63  }
0x14: {  	v6 =	vmov s2;
	_ =	swait.ge [sflag:s12], $0x3840  }
0x15: {  	v6 =	vshll.u32 v6, $0x3;
	[sflag:s12] =	ssyncset.done $0x0  }
0x16: {  	s15 =	simm.s32 $0x20;
	v7 =	vor.u32 v2, v6;
	[sflag:s12] =	ssyncadd.s32 $0xFFFFC7C0  }
0x17: {  	v7 =	vor.u32 v3, v7;
	v8 =	vld [tilespmem:s15+$0xFFFFFFE0];
	_ =	sdelay $0x4  }
0x18: {  	[tilespmem:v7+s13+$0x0] =	vst.idx.msk $0xffff, v8;
	v7 =	vor.u32 v1, v6  }
0x19: {  	v8 =	vld [tilespmem:s15+$0xFFFFFFF0];
	v7 =	vor.u32 v4, v7;
	_ =	sdelay $0x4  }
0x1a: {  	[tilespmem:v7+s13+$0x0] =	vst.idx.msk $0xffff, v8;
	v7 =	vor.u32 v0, v6  }
0x1b: {  	v6 =	vld [tilespmem:s15+$0x0];
	v7 =	vor.u32 v5, v7;
	_ =	sdelay $0x1  }
0x1c: {  	s16 =	simm.s32 $0x10  }
0x1d: {  	v8 =	vmov s16;
	s16 =	simm.s32 $0x20  }
.LBB2_2:
0x1e: {  	p0 =	sne.s32 s16, $0x12B0;
	v8 =	vshll.u32 v8, $0x3  }
0x1f: {  	s15 =	sadd.s32 $0x30, s15;
	v9 =	vor.u32 v2, v8;
	[tilespmem:v7+s13+$0x0] =	vst.idx.msk $0xffff, v6  }
0x20: {  	v6 =	vld [tilespmem:s15+$0xFFFFFFE0];
	v7 =	vor.u32 v3, v9;
	_ =	sdelay $0x4  }
0x21: {  	[tilespmem:v7+s13+$0x0] =	vst.idx.msk $0xffff, v6;
	v6 =	vor.u32 v1, v8  }
0x22: {  	v7 =	vld [tilespmem:s15+$0xFFFFFFF0];
	v6 =	vor.u32 v4, v6;
	_ =	sdelay $0x4  }
.Ltmp0:
0x23: {  	[tilespmem:v6+s13+$0x0] =	vst.idx.msk $0xffff, v7;
	v7 =	vor.u32 v0, v8;
	(pc) =	sbr.rel @p0 .LBB2_2-.Ltmp0, $2  }
0x24: {  	v6 =	vld [tilespmem:s15+$0x0];
	v7 =	vor.u32 v5, v7;
	_ =	sdelay $0x2  }
0x25: {  	v8 =	vmov s16;
	s16 =	sadd.s32 $0x10, s16  }
0x26: {  	_ =	sdelay $0x2  }
0x27: {  	v8 =	vshll.u32 v8, $0x3  }
0x28: {  	s15 =	sadd.s32 $0x30, s15;
	v9 =	vor.u32 v2, v8;
	[tilespmem:v7+s13+$0x0] =	vst.idx.msk $0xffff, v6  }
0x29: {  	v6 =	vld [tilespmem:s15+$0xFFFFFFE0];
	v7 =	vor.u32 v3, v9;
	_ =	sdelay $0x4  }
0x2a: {  	[tilespmem:v7+s13+$0x0] =	vst.idx.msk $0xffff, v6;
	v6 =	vor.u32 v1, v8  }
0x2b: {  	v7 =	vld [tilespmem:s15+$0xFFFFFFF0];
	v6 =	vor.u32 v4, v6;
	_ =	sdelay $0x4  }
0x2c: {  	[tilespmem:v6+s13+$0x0] =	vst.idx.msk $0xffff, v7;
	v6 =	vor.u32 v0, v8  }
0x2d: {  	v7 =	vld [tilespmem:s15+$0x0];
	v6 =	vor.u32 v5, v6;
	_ =	sdelay $0x4  }
0x2e: {  	s31 =	simm.s32 $0x0;
	[tilespmem:v6+s13+$0x0] =	vst.idx.msk $0xffff, v7  }
0x2f: {  	[hbm4b:s4+s31] =	stream.linear.scatter [tilespmem:s13], [sflag:$0x1], $0x9600, $0x38;
	[tilespmem:$0xCE40] =	vst v63  }
0x30: {  	_ =	swait.ge [sflag:s12], $0x9600  }
0x31: {  	[sflag:s12] =	ssyncset.done $0x0  }
0x32: {  	[sflag:s12] =	ssyncadd.s32 $0xFFFF6A00  }
0x33: {  	[tilespmem:s31], [sflag:$0x1] =	stream.linear.gather [hbm4b:s5+s31], $0x3840, $0x38;
	[tilespmem:$0xCE40] =	vst v63  }
0x34: {  	v6 =	vmov s31;
	_ =	swait.ge [sflag:s12], $0x3840  }
0x35: {  	v6 =	vshll.u32 v6, $0x3;
	[sflag:s12] =	ssyncset.done $0x0  }
0x36: {  	s15 =	simm.s32 $0x20;
	v7 =	vor.u32 v2, v6;
	[sflag:s12] =	ssyncadd.s32 $0xFFFFC7C0  }
0x37: {  	v7 =	vor.u32 v3, v7;
	v8 =	vld [tilespmem:s15+$0xFFFFFFE0];
	_ =	sdelay $0x4  }
0x38: {  	[tilespmem:v7+s13+$0x0] =	vst.idx.msk $0xffff, v8;
	v7 =	vor.u32 v1, v6  }
0x39: {  	v8 =	vld [tilespmem:s15+$0xFFFFFFF0];
	v7 =	vor.u32 v4, v7;
	_ =	sdelay $0x4  }
0x3a: {  	[tilespmem:v7+s13+$0x0] =	vst.idx.msk $0xffff, v8;
	v7 =	vor.u32 v0, v6  }
0x3b: {  	v6 =	vld [tilespmem:s15+$0x0];
	v7 =	vor.u32 v5, v7;
	_ =	sdelay $0x1  }
0x3c: {  	s16 =	simm.s32 $0x10  }
0x3d: {  	v8 =	vmov s16;
	s16 =	simm.s32 $0x20  }
.LBB2_4:
0x3e: {  	p0 =	sne.s32 s16, $0x12B0;
	v8 =	vshll.u32 v8, $0x3  }
0x3f: {  	s15 =	sadd.s32 $0x30, s15;
	v9 =	vor.u32 v2, v8;
	[tilespmem:v7+s13+$0x0] =	vst.idx.msk $0xffff, v6  }
0x40: {  	v6 =	vld [tilespmem:s15+$0xFFFFFFE0];
	v7 =	vor.u32 v3, v9;
	_ =	sdelay $0x4  }
0x41: {  	[tilespmem:v7+s13+$0x0] =	vst.idx.msk $0xffff, v6;
	v6 =	vor.u32 v1, v8  }
0x42: {  	v7 =	vld [tilespmem:s15+$0xFFFFFFF0];
	v6 =	vor.u32 v4, v6;
	_ =	sdelay $0x4  }
.Ltmp1:
0x43: {  	[tilespmem:v6+s13+$0x0] =	vst.idx.msk $0xffff, v7;
	v7 =	vor.u32 v0, v8;
	(pc) =	sbr.rel @p0 .LBB2_4-.Ltmp1, $2  }
0x44: {  	v6 =	vld [tilespmem:s15+$0x0];
	v7 =	vor.u32 v5, v7;
	_ =	sdelay $0x2  }
0x45: {  	v8 =	vmov s16;
	s16 =	sadd.s32 $0x10, s16  }
0x46: {  	_ =	sdelay $0x2  }
0x47: {  	v8 =	vshll.u32 v8, $0x3  }
0x48: {  	s15 =	sadd.s32 $0x30, s15;
	v9 =	vor.u32 v2, v8;
	[tilespmem:v7+s13+$0x0] =	vst.idx.msk $0xffff, v6  }
0x49: {  	v6 =	vld [tilespmem:s15+$0xFFFFFFE0];
	v7 =	vor.u32 v3, v9;
	_ =	sdelay $0x4  }
0x4a: {  	[tilespmem:v7+s13+$0x0] =	vst.idx.msk $0xffff, v6;
	v6 =	vor.u32 v1, v8  }
0x4b: {  	v7 =	vld [tilespmem:s15+$0xFFFFFFF0];
	v6 =	vor.u32 v4, v6;
	_ =	sdelay $0x4  }
0x4c: {  	[tilespmem:v6+s13+$0x0] =	vst.idx.msk $0xffff, v7;
	v6 =	vor.u32 v0, v8  }
0x4d: {  	v7 =	vld [tilespmem:s15+$0x0];
	v6 =	vor.u32 v5, v6;
	_ =	sdelay $0x4  }
0x4e: {  	s31 =	simm.s32 $0x0;
	[tilespmem:v6+s13+$0x0] =	vst.idx.msk $0xffff, v7  }
0x4f: {  	[hbm4b:s6+s31] =	stream.linear.scatter [tilespmem:s13], [sflag:$0x1], $0x9600, $0x38;
	[tilespmem:$0xCE40] =	vst v63  }
0x50: {  	_ =	swait.ge [sflag:s12], $0x9600  }
0x51: {  	[sflag:s12] =	ssyncset.done $0x0  }
0x52: {  	[sflag:s12] =	ssyncadd.s32 $0xFFFF6A00  }
0x53: {  	[tilespmem:s31], [sflag:$0x1] =	stream.linear.gather [hbm4b:s7+s31], $0x3840, $0x38;
	[tilespmem:$0xCE40] =	vst v63  }
0x54: {  	v6 =	vmov s31;
	_ =	swait.ge [sflag:s12], $0x3840  }
0x55: {  	v6 =	vshll.u32 v6, $0x3;
	[sflag:s12] =	ssyncset.done $0x0  }
0x56: {  	s15 =	simm.s32 $0x20;
	v7 =	vor.u32 v2, v6;
	[sflag:s12] =	ssyncadd.s32 $0xFFFFC7C0  }
0x57: {  	v7 =	vor.u32 v3, v7;
	v8 =	vld [tilespmem:s15+$0xFFFFFFE0];
	_ =	sdelay $0x4  }
0x58: {  	[tilespmem:v7+s13+$0x0] =	vst.idx.msk $0xffff, v8;
	v7 =	vor.u32 v1, v6  }
0x59: {  	v8 =	vld [tilespmem:s15+$0xFFFFFFF0];
	v7 =	vor.u32 v4, v7;
	_ =	sdelay $0x4  }
0x5a: {  	[tilespmem:v7+s13+$0x0] =	vst.idx.msk $0xffff, v8;
	v7 =	vor.u32 v0, v6  }
0x5b: {  	v6 =	vld [tilespmem:s15+$0x0];
	v7 =	vor.u32 v5, v7;
	_ =	sdelay $0x1  }
0x5c: {  	s16 =	simm.s32 $0x10  }
0x5d: {  	v8 =	vmov s16;
	s16 =	simm.s32 $0x20  }
.LBB2_6:
0x5e: {  	p0 =	sne.s32 s16, $0x12B0;
	v8 =	vshll.u32 v8, $0x3  }
0x5f: {  	s15 =	sadd.s32 $0x30, s15;
	v9 =	vor.u32 v2, v8;
	[tilespmem:v7+s13+$0x0] =	vst.idx.msk $0xffff, v6  }
0x60: {  	v6 =	vld [tilespmem:s15+$0xFFFFFFE0];
	v7 =	vor.u32 v3, v9;
	_ =	sdelay $0x4  }
0x61: {  	[tilespmem:v7+s13+$0x0] =	vst.idx.msk $0xffff, v6;
	v6 =	vor.u32 v1, v8  }
0x62: {  	v7 =	vld [tilespmem:s15+$0xFFFFFFF0];
	v6 =	vor.u32 v4, v6;
	_ =	sdelay $0x4  }
.Ltmp2:
0x63: {  	[tilespmem:v6+s13+$0x0] =	vst.idx.msk $0xffff, v7;
	v7 =	vor.u32 v0, v8;
	(pc) =	sbr.rel @p0 .LBB2_6-.Ltmp2, $2  }
0x64: {  	v6 =	vld [tilespmem:s15+$0x0];
	v7 =	vor.u32 v5, v7;
	_ =	sdelay $0x2  }
0x65: {  	v8 =	vmov s16;
	s16 =	sadd.s32 $0x10, s16  }
0x66: {  	_ =	sdelay $0x2  }
0x67: {  	v8 =	vshll.u32 v8, $0x3  }
0x68: {  	s15 =	sadd.s32 $0x30, s15;
	v9 =	vor.u32 v2, v8;
	[tilespmem:v7+s13+$0x0] =	vst.idx.msk $0xffff, v6  }
0x69: {  	v6 =	vld [tilespmem:s15+$0xFFFFFFE0];
	v7 =	vor.u32 v3, v9;
	_ =	sdelay $0x4  }
0x6a: {  	[tilespmem:v7+s13+$0x0] =	vst.idx.msk $0xffff, v6;
	v6 =	vor.u32 v1, v8  }
0x6b: {  	v7 =	vld [tilespmem:s15+$0xFFFFFFF0];
	v6 =	vor.u32 v4, v6;
	_ =	sdelay $0x4  }
0x6c: {  	[tilespmem:v6+s13+$0x0] =	vst.idx.msk $0xffff, v7;
	v6 =	vor.u32 v0, v8  }
0x6d: {  	v7 =	vld [tilespmem:s15+$0x0];
	v6 =	vor.u32 v5, v6;
	_ =	sdelay $0x4  }
0x6e: {  	s31 =	simm.s32 $0x0;
	[tilespmem:v6+s13+$0x0] =	vst.idx.msk $0xffff, v7  }
0x6f: {  	[hbm4b:s8+s31] =	stream.linear.scatter [tilespmem:s13], [sflag:$0x1], $0x9600, $0x38;
	[tilespmem:$0xCE40] =	vst v63  }
0x70: {  	_ =	swait.ge [sflag:s12], $0x9600  }
0x71: {  	[sflag:s12] =	ssyncset.done $0x0  }
0x72: {  	[sflag:s12] =	ssyncadd.s32 $0xFFFF6A00  }
0x73: {  	[tilespmem:s31], [sflag:$0x1] =	stream.linear.gather [hbm4b:s9+s31], $0x3840, $0x38;
	[tilespmem:$0xCE40] =	vst v63  }
0x74: {  	v6 =	vmov s31;
	_ =	swait.ge [sflag:s12], $0x3840  }
0x75: {  	v6 =	vshll.u32 v6, $0x3;
	[sflag:s12] =	ssyncset.done $0x0  }
0x76: {  	s15 =	simm.s32 $0x20;
	v7 =	vor.u32 v2, v6;
	[sflag:s12] =	ssyncadd.s32 $0xFFFFC7C0  }
0x77: {  	v7 =	vor.u32 v3, v7;
	v8 =	vld [tilespmem:s15+$0xFFFFFFE0];
	_ =	sdelay $0x4  }
0x78: {  	[tilespmem:v7+s13+$0x0] =	vst.idx.msk $0xffff, v8;
	v7 =	vor.u32 v1, v6  }
0x79: {  	v8 =	vld [tilespmem:s15+$0xFFFFFFF0];
	v7 =	vor.u32 v4, v7;
	_ =	sdelay $0x4  }
0x7a: {  	[tilespmem:v7+s13+$0x0] =	vst.idx.msk $0xffff, v8;
	v7 =	vor.u32 v0, v6  }
0x7b: {  	v6 =	vld [tilespmem:s15+$0x0];
	v7 =	vor.u32 v5, v7;
	_ =	sdelay $0x1  }
0x7c: {  	s16 =	simm.s32 $0x10  }
0x7d: {  	v8 =	vmov s16;
	s16 =	simm.s32 $0x20  }
.LBB2_8:
0x7e: {  	p0 =	sne.s32 s16, $0x12B0;
	v8 =	vshll.u32 v8, $0x3  }
0x7f: {  	s15 =	sadd.s32 $0x30, s15;
	v9 =	vor.u32 v2, v8;
	[tilespmem:v7+s13+$0x0] =	vst.idx.msk $0xffff, v6  }
0x80: {  	v6 =	vld [tilespmem:s15+$0xFFFFFFE0];
	v7 =	vor.u32 v3, v9;
	_ =	sdelay $0x4  }
0x81: {  	[tilespmem:v7+s13+$0x0] =	vst.idx.msk $0xffff, v6;
	v6 =	vor.u32 v1, v8  }
0x82: {  	v7 =	vld [tilespmem:s15+$0xFFFFFFF0];
	v6 =	vor.u32 v4, v6;
	_ =	sdelay $0x4  }
.Ltmp3:
0x83: {  	[tilespmem:v6+s13+$0x0] =	vst.idx.msk $0xffff, v7;
	v7 =	vor.u32 v0, v8;
	(pc) =	sbr.rel @p0 .LBB2_8-.Ltmp3, $2  }
0x84: {  	v6 =	vld [tilespmem:s15+$0x0];
	v7 =	vor.u32 v5, v7;
	_ =	sdelay $0x2  }
0x85: {  	v8 =	vmov s16;
	s16 =	sadd.s32 $0x10, s16  }
0x86: {  	_ =	sdelay $0x2  }
0x87: {  	v8 =	vshll.u32 v8, $0x3  }
0x88: {  	s15 =	sadd.s32 $0x30, s15;
	v9 =	vor.u32 v2, v8;
	[tilespmem:v7+s13+$0x0] =	vst.idx.msk $0xffff, v6  }
0x89: {  	v6 =	vld [tilespmem:s15+$0xFFFFFFE0];
	v7 =	vor.u32 v3, v9;
	_ =	sdelay $0x4  }
0x8a: {  	[tilespmem:v7+s13+$0x0] =	vst.idx.msk $0xffff, v6;
	v6 =	vor.u32 v1, v8  }
0x8b: {  	v7 =	vld [tilespmem:s15+$0xFFFFFFF0];
	v6 =	vor.u32 v4, v6;
	_ =	sdelay $0x4  }
0x8c: {  	[tilespmem:v6+s13+$0x0] =	vst.idx.msk $0xffff, v7;
	v6 =	vor.u32 v0, v8  }
0x8d: {  	v7 =	vld [tilespmem:s15+$0x0];
	v6 =	vor.u32 v5, v6;
	_ =	sdelay $0x2  }
0x8e: {  	s14 =	sadd.s32 $0x1, s14  }
0x8f: {  	p0 =	sne.s32 s14, s11  }
.Ltmp4:
0x90: {  	[tilespmem:v6+s13+$0x0] =	vst.idx.msk $0xffff, v7;
	(pc) =	sbr.rel @p0 .LBB2_1-.Ltmp4, $4  }
0x91: {  	[hbm4b:s10+s2] =	stream.linear.scatter [tilespmem:s13], [sflag:$0x1], $0x9600, $0x38;
	[tilespmem:$0xCE40] =	vst v63  }
0x92: {  	_ =	swait.ge [sflag:s12], $0x9600  }
0x93: {  	[sflag:s12] =	ssyncset.done $0x0  }
0x94: {  	[sflag:s12] =	ssyncadd.s32 $0xFFFF6A00  }
0x95: {  	_ =	sfence.sel $0x180000  }
0x96: {  	[bflag:$0x0] =	sbarrier.arrive $0xFFFF  }
0x97: {  	p0 =	sne.s32 s0, $0x0;
	_ =	strace $0x90000047  }
0x98: {  	s0 =	sadd.s32 @!p0 $0x100000, s1;
	[bflag:$0x2] =	sbarrier.arrive $0xFFFF  }
0x99: {  	[sflag:s0] =	ssyncadd.tile.s32 @!p0 $0x1;
	_ =	shalt  }
.Lfunc_end2:
_tile_overlayer_lowered:
.L_overlay_start_2:
0x9a: {  	(tag) =	ssettag $0x2  }
0x9b: {  	s0 =	rddreg [dreg:$0x0];
	s2 =	stileid.u32  }
0x9c: {  	s1 =	rddreg [dreg:$0x1];
	p0 =	sne.s32 s2, $0x0  }
0x9d: {  	s3 =	rddreg [dreg:$0x2];
	[bflag:$0x3] =	sbarrier.arrive $0xFFFF;
	s2 =	simm.s32 @!p0 $0x1C01  }
0x9e: {  	[timem:s3], [sflag:s2] =	dma.local @!p0 [hbm:s0], s1  }
0x9f: {  	s0 =	simm.s32 @!p0 $0x1  }
0xa0: {  	_ =	swait.ge @!p0 [sflag:s0], s1  }
0xa1: {  	s1 =	ssub.s32 @!p0 $0x0, s1;
	[sflag:s0] =	ssyncset.done @!p0 $0x0  }
0xa2: {  	[sflag:s0] =	ssyncadd.s32 @!p0 s1  }
0xa3: {  	[bflag:$0x3] =	sbarrier.arrive $0xFFFF  }
0xa4: {  	_ =	shalt  }

// kernel: kernel.8.cloned.1.call-start
scs
__scs_entry_jumppad:
0x0: {  	(pc) =	sbr.rel $0x88, $3  }
0x1: {  	(tag) =	ssettag $0x0;
	lr =	simm.s32 $0x1  }
0x2: {  	[smem:$0x3F9D] =	sst lr;
	_ =	strace $0xD0000000  }
0x3: {  	_ = 	snop  }
0x4: {  	_ = 	snop  }
0x5: {  	_ = 	snop  }
0x6: {  	_ = 	snop  }
0x7: {  	_ = 	snop  }
__scs_overlays_trampoline_lowered:
0x8: {  	[smem:$0x3FAC] =	sst s0  }
0x9: {  	[smem:$0x3FAD] =	sst s1  }
0xa: {  	[smem:$0x3FAE] =	sst s2  }
0xb: {  	[smem:$0x3FAF] =	sst s3  }
0xc: {  	[smem:$0x3FB0] =	sst s4  }
0xd: {  	[smem:$0x3FB1] =	sst s5  }
0xe: {  	[smem:$0x3FB2] =	sst s6  }
0xf: {  	[smem:$0x3FB3] =	sst s7  }
0x10: {  	[smem:$0x3FB4] =	sst s8  }
0x11: {  	[smem:$0x3FB5] =	sst s9;
	s0 =	simm.s32 @!p0 $0x0  }
0x12: {  	s1 =	sld [smem:$0x3F9B];
	s0 =	simm.s32 @p0 $0x1  }
0x13: {  	[smem:$0x3FB6] =	sst s0;
	s0 =	simm.s32 @!p1 $0x0  }
0x14: {  	s2 =	sld [smem:$0x3F9A];
	s0 =	simm.s32 @p1 $0x1  }
0x15: {  	[smem:$0x3FB7] =	sst s0;
	s0 =	simm.s32 @!p2 $0x0  }
0x16: {  	s3 =	sld [smem:$0x3FDB];
	s0 =	simm.s32 @p2 $0x1  }
0x17: {  	s4 =	simm.s32 $0x1BF5;
	[smem:$0x3FB9] =	sst s0  }
0x18: {  	s0 =	sld [smem:$0x3F9C];
	_ =	swait.ge [sflag:s4], $0x0  }
0x19: {  	s7 =	sld [smem:$0x3F9D]  }
0x1a: {  	s8 =	sadd.s32 $0xFFFFE003, lr  }
0x1b: {  	s9 =	sadd.s32 $0xFFFFFEF7, lr;
	s5 =	simm.s32 $0xFFFFFFFF;
	p2 =	slt.u32 s8, $0xFFFFF086  }
0x1c: {  	p1 =	slt.u32 s9, $0xF7A;
	s5 =	simm.s32 @!p2 $0x0  }
0x1d: {  	s5 =	simm.s32 @p1 $0x1;
	p0 =	seq.s32 s7, s2  }
0x1e: {  	s7 =	smul.u32 @!p0 $0xF7A, s2;
	p2 =	seq.s32 @!p0 s5, $0x0  }
0x1f: {  	s9 =	smul.u32 $0xF7A, s1;
	s8 =	simm.s32 @!p0 $0x1BF5;
	p2 =	por !p2, p0  }
0x20: {  	[sflag:s8] =	ssyncset.s32 @!p0 $0xFFFFF086;
	s6 =	sadd.s32 @!p0 s3, s7;
	s7 =	simm.s32 @!p0 $0x108  }
0x21: {  	s3 =	sadd.s32 s3, s9;
	s6 =	sadd.s32 @!p0 $0x88, s6;
	s7 =	simm.s32 @p2 $0x1082  }
0x22: {  	[simem:s7], [sflag:s8] =	dma.local @!p0 [hbm:s6], $0xF7A  }
0x23: {  	s9 =	sor.u32 $0xD0000000, s2;
	s6 =	simm.s32 $0x108;
	_ =	swait.ge @!p0 [sflag:s8], $0x0  }
0x24: {  	s3 =	sadd.s32 $0x88, s3;
	s6 =	simm.s32 @!p1 $0x1082;
	[sflag:s4] =	ssyncset.s32 $0xFFFFF086  }
0x25: {  	[simem:s6], [sflag:s4] =	dma.local [hbm:s3], $0xF7A  }
0x26: {  	[smem:$0x3F9D] =	sst s1;
	(tag) =	ssettag s2;
	_ =	strace s9  }
0x27: {  	s1 =	sld [smem:$0x3FAD]  }
0x28: {  	s2 =	sld [smem:$0x3FAE]  }
0x29: {  	s4 =	sld [smem:$0x3FB0]  }
0x2a: {  	p0 =	seq.s32 s5, $0x0;
	s5 =	sld [smem:$0x3FB1]  }
0x2b: {  	s6 =	sld [smem:$0x3FB2]  }
0x2c: {  	s7 =	sld [smem:$0x3FB3]  }
0x2d: {  	s3 =	simm.s32 $0x108;
	s8 =	sld [smem:$0x3FB4]  }
0x2e: {  	s3 =	simm.s32 @!p0 $0x1082;
	s9 =	sld [smem:$0x3FB5]  }
0x2f: {  	lr =	sadd.s32 s0, s3;
	s0 =	sld [smem:$0x3FAC]  }
0x30: {  	s3 =	sld [smem:$0x3FAF]  }
0x31: {  	[smem:$0x3FB8] =	sst s10  }
0x32: {  	s10 =	sld [smem:$0x3FB6];
	_ =	sdelay $0x3  }
0x33: {  	p0 =	seq.s32 s10, $0x1;
	s10 =	sld [smem:$0x3FB8];
	_ =	sdelay $0x3  }
0x34: {  	[smem:$0x3FB8] =	sst s10  }
0x35: {  	s10 =	sld [smem:$0x3FB7];
	_ =	sdelay $0x3  }
0x36: {  	p1 =	seq.s32 s10, $0x1;
	s10 =	sld [smem:$0x3FB8];
	_ =	sdelay $0x3  }
0x37: {  	[smem:$0x3FB8] =	sst s10  }
0x38: {  	s10 =	sld [smem:$0x3FB9]  }
0x39: {  	_ = 	snop;
	(pc) =	sbr.ind lr, $3  }
0x3a: {  	_ = 	snop  }
0x3b: {  	_ = 	snop  }
0x3c: {  	p2 =	seq.s32 s10, $0x1;
	s10 =	sld [smem:$0x3FB8]  }
0x3d: {  	_ =	shalt  }
0x3e: {  	_ =	shalt  }
0x3f: {  	_ =	shalt  }
0x40: {  	_ =	shalt  }
0x41: {  	_ =	shalt  }
0x42: {  	_ =	shalt  }
0x43: {  	_ =	shalt  }
0x44: {  	_ =	shalt  }
0x45: {  	_ =	shalt  }
0x46: {  	_ =	shalt  }
0x47: {  	_ =	shalt  }
0x48: {  	_ =	shalt  }
0x49: {  	_ =	shalt  }
0x4a: {  	_ =	shalt  }
0x4b: {  	_ =	shalt  }
0x4c: {  	_ =	shalt  }
0x4d: {  	_ =	shalt  }
0x4e: {  	_ =	shalt  }
0x4f: {  	_ =	shalt  }
0x50: {  	_ =	shalt  }
0x51: {  	_ =	shalt  }
0x52: {  	_ =	shalt  }
0x53: {  	_ =	shalt  }
0x54: {  	_ =	shalt  }
0x55: {  	_ =	shalt  }
0x56: {  	_ =	shalt  }
0x57: {  	_ =	shalt  }
0x58: {  	_ =	shalt  }
0x59: {  	_ =	shalt  }
0x5a: {  	_ =	shalt  }
0x5b: {  	_ =	shalt  }
0x5c: {  	_ =	shalt  }
0x5d: {  	_ =	shalt  }
0x5e: {  	_ =	shalt  }
0x5f: {  	_ =	shalt  }
0x60: {  	_ =	shalt  }
0x61: {  	_ =	shalt  }
0x62: {  	_ =	shalt  }
0x63: {  	_ =	shalt  }
0x64: {  	_ =	shalt  }
0x65: {  	_ =	shalt  }
0x66: {  	_ =	shalt  }
0x67: {  	_ =	shalt  }
0x68: {  	_ =	shalt  }
0x69: {  	_ =	shalt  }
0x6a: {  	_ =	shalt  }
0x6b: {  	_ =	shalt  }
0x6c: {  	_ =	shalt  }
0x6d: {  	_ =	shalt  }
0x6e: {  	_ =	shalt  }
0x6f: {  	_ =	shalt  }
0x70: {  	_ =	shalt  }
0x71: {  	_ =	shalt  }
0x72: {  	_ =	shalt  }
0x73: {  	_ =	shalt  }
0x74: {  	_ =	shalt  }
0x75: {  	_ =	shalt  }
0x76: {  	_ =	shalt  }
0x77: {  	_ =	shalt  }
0x78: {  	_ =	shalt  }
0x79: {  	_ =	shalt  }
0x7a: {  	_ =	shalt  }
0x7b: {  	_ =	shalt  }
0x7c: {  	_ =	shalt  }
0x7d: {  	_ =	shalt  }
0x7e: {  	_ =	shalt  }
0x7f: {  	_ =	shalt  }
0x80: {  	_ =	shalt  }
0x81: {  	_ =	shalt  }
0x82: {  	_ =	shalt  }
0x83: {  	_ =	shalt  }
0x84: {  	_ =	shalt  }
0x85: {  	_ =	shalt  }
0x86: {  	_ =	shalt  }
0x87: {  	_ =	shalt  }
.Lfunc_end0:
.L_simem_size_0:
called_computation.1_lowered:
.L_overlay_start_0:
0x88: {  	s2 =	sld [smem:$0x3FD9]  }
0x89: {  	s3 =	sld [smem:$0x3FFE];
	_ =	sdelay $0x1  }
0x8a: {  	s1 =	srdreg.scid  }
0x8b: {  	s0 =	sand.u32 $0x1, s1  }
0x8c: {  	s17 =	sshll.u32 s0, $0xA;
	s2 =	sadd.s32 s3, s2  }
0x8d: {  	s2 =	sadd.s32 s2, s17  }
0x8e: {  	[smem:$0x3FC4] =	sst s2  }
0x8f: {  	_ = 	snop  }
0x90: {  	(tm) =	ssettm $0x1  }
0x91: {  	s18 =	sld [smem:$0x3FFB];
	_ =	sdelay $0x3  }
0x92: {  	_ =	strace s18  }
0x93: {  	s2 =	sld [smem:$0x3FFC];
	_ =	sdelay $0x3  }
0x94: {  	_ =	strace s2  }
0x95: {  	s2 =	sld [smem:$0x3FFD];
	_ =	sdelay $0x3  }
0x96: {  	_ =	strace s2  }
0x97: {  	_ =	strace $0x8FFFFFFF  }
0x98: {  	s19 =	sld [smem:$0x3FDB];
	_ =	sdelay $0x1  }
0x99: {  	s20 =	simm.s32 $_scs_section_size  }
0x9a: {  	s4 =	simm.s32 $_size__tile_overlayer_lowered;
	s5 =	simm.s32 $_tile_overlayer_lowered  }
0x9b: {  	s6 =	simm.s32 $0x1BFF;
	s21 =	sshll.u32 s5, $0x1;
	s3 =	sadd.s32 s20, s19  }
0x9c: {  	s22 =	simm.s32 $0x0;
	s4 =	sshll.u32 s4, $0x1;
	s5 =	sadd.s32 s21, s3  }
0x9d: {  	[timem:s22], [sflag:s6] =	dma.local [hbm:s5], s4  }
0x9e: {  	_ =	swait.ge [sflag:s6], s4  }
0x9f: {  	s4 =	ssub.s32 $0x0, s4;
	[sflag:s6] =	ssyncset.done $0x0  }
0xa0: {  	[sflag:s6] =	ssyncadd.s32 s4;
	_ =	sdelay $0x1  }
0xa1: {  	s23 =	simm.s32 $0x1B8B  }
0xa2: {  	_ =	swait.ge [sflag:s23], $0x1  }
0xa3: {  	[sflag:s23] =	ssyncset.done $0x0  }
0xa4: {  	[sflag:s23] =	ssyncadd.s32 $0xFFFFFFFF  }
0xa5: {  	s4 =	sld [smem:$0x0]  }
0xa6: {  	s5 =	sand.u32 $0xFFFFFFFE, s1  }
0xa7: {  	p0 =	sne.s32 s1, s5  }
0xa8: {  	s5 =	sshll.u32 @p0 s5, $0xE  }
0xa9: {  	s5 =	sadd.s32 @p0 $0x11B8D, s5;
	s6 =	sshll.u32 @p0 s4, $0x11  }
0xaa: {  	s5 =	sor.u32 @p0 s6, s5  }
0xab: {  	[sflag:s5] =	ssyncadd.remote.s32 @p0 $0x1;
	_ =	sdelay $0x1  }
0xac: {  	s5 =	simm.s32 @p0 $0x1B8D  }
0xad: {  	_ =	swait.eq @p0 [sflag:s5], $0x1  }
0xae: {  	[sflag:s5] =	ssyncadd.s32 @p0 $0xFFFFFFFF  }
0xaf: {  	s6 =	sshll.u32 @!p0 s1, $0xE  }
0xb0: {  	s6 =	sor.u32 @!p0 $0x4000, s6;
	s5 =	simm.s32 @!p0 $0x1B8D  }
0xb1: {  	s4 =	sshll.u32 @!p0 s4, $0x11;
	s6 =	sadd.s32 @!p0 $0x11B8D, s6;
	_ =	swait.eq @!p0 [sflag:s5], $0x1  }
0xb2: {  	s4 =	sor.u32 @!p0 s4, s6;
	[sflag:s5] =	ssyncadd.s32 @!p0 $0xFFFFFFFF  }
0xb3: {  	s25 =	simm.s32 $0x1B8E;
	s24 =	sld [smem:$0x3FFE];
	[sflag:s4] =	ssyncadd.remote.s32 @!p0 $0x1  }
0xb4: {  	s26 =	simm.s32 $execute0_lowered;
	[smem:$0x3FD2] =	sst s25  }
0xb5: {  	s5 =	sshll.u32 s26, $0x1;
	_ =	strace $0x80000049;
	[dreg:$0x1] =	wrdreg $0xFFFFFFFF  }
0xb6: {  	s28 =	simm.s32 $_size_execute0_lowered;
	s3 =	sadd.s32 s3, s5;
	[dreg:$0x0] =	wrdreg $0x0  }
0xb7: {  	s5 =	sshll.u32 s28, $0x1;
	[dreg:$0x2] =	wrdreg s3  }
0xb8: {  	[dreg:$0x3] =	wrdreg s5  }
0xb9: {  	[dreg:$0x4] =	wrdreg $0xC0  }
0xba: {  	_ =	task [dreg:s22], $0x5FFFF  }
0xbb: {  	[dreg:$0x1] =	wrdreg $0xFFFFFFFF  }
0xbc: {  	[dreg:$0x0] =	wrdreg $0x60  }
0xbd: {  	[dreg:$0x2] =	wrdreg s24  }
0xbe: {  	[dreg:$0x3] =	wrdreg $0xA  }
0xbf: {  	_ =	task.clear_ibuf [dreg:s22], $0x4FFFF;
	_ =	strace $0x90000049  }
0xc0: {  	s29 =	simm.s32 $0xA;
	_ =	strace $0x8000004B  }
0xc1: {  	_ =	swait.ge [sflag:s29], $0x1  }
0xc2: {  	[sflag:s29] =	ssyncadd.s32 $0xFFFFFFFF  }
0xc3: {  	_ =	strace $0x9000004B  }
0xc4: {  	_ =	sfence  }
0xc5: {  	s30 =	sld [smem:$0x0];
	_ =	sdelay $0x2  }
0xc6: {  	s31 =	sshll.u32 s1, $0xD;
	s1 =	sshrl.u32 s1, $0x2  }
0xc7: {  	s4 =	sand.u32 $0x4000, s31;
	s1 =	sadd.s32 s1, s30  }
0xc8: {  	s0 =	sor.u32 s4, s0;
	s1 =	sshll.u32 s1, $0x11  }
0xc9: {  	s0 =	sor.u32 s1, s0  }
0xca: {  	s0 =	sadd.s32 $0x8F2B, s0  }
0xcb: {  	[sflag:s0] =	ssyncadd.remote.s32 $0x1  }
0xcc: {  	_ =	sfence.sel $0xFFFF  }
0xcd: {  	[dreg:$0x0] =	wrdreg $0xFFFFFFFF;
	(pc) =	sbr.abs _section_cstart, $3  }
0xce: {  	[dreg:$0x1] =	wrdreg $0xFFFFFFFF  }
0xcf: {  	_ =	task.clear_ibuf [dreg:s22], $0x2FFFF;
	_ =	strace $0x9FFFFFFF  }
0xd0: {  	(tm) =	ssettm $0x7FFFFFFF  }
0xd1: {  	_ =	shalt  }
tec
execute0_lowered:
.L_overlay_start_1:
0x0: {  	(tag) =	ssettag $0x1  }
0x1: {  	v0 =	vlaneseq.u32  }
0x2: {  	vm0 =	vcmask $0x3F20;
	v1 =	vor.u32 $0x10, v0;
	v2 =	vor.u32 $0x20, v0  }
0x3: {  	v3 =	vor.u32 $0x30, v0;
	v4 =	vor.u32 $0x40, v0;
	v5 =	vor.u32 $0x50, v0  }
0x4: {  	v6 =	vor.u32 $0x60, v0;
	v7 =	vor.u32 $0x70, v0;
	v8 =	vor.u32 $0x400, v0  }
0x5: {  	v9 =	vor.u32 $0x410, v0;
	v10 =	vor.u32 $0x420, v0;
	v11 =	vor.u32 $0x430, v0  }
0x6: {  	v12 =	vor.u32 $0x440, v0;
	v13 =	vor.u32 $0x450, v0;
	v14 =	vor.u32 $0x460, v0  }
0x7: {  	s4 =	rddreg [dreg:$0x0];
	v15 =	vor.u32 $0x470, v0;
	v16 =	vor.u32 $0x800, v0;
	v17 =	vor.u32 $0x810, v0  }
0x8: {  	s0 =	rddreg [dreg:$0x1];
	v18 =	vor.u32 $0x820, v0;
	v19 =	vor.u32 $0x830, v0;
	v20 =	vor.u32 $0x840, v0  }
0x9: {  	s1 =	simm.s32 $0x0;
	s2 =	srdreg.scid;
	s8 =	simm.s32 $0x5000;
	v21 =	vor.u32 $0x850, v0;
	v22 =	vor.u32 $0x860, v0;
	v23 =	vor.u32 $0x870, v0  }
0xa: {  	s9 =	simm.s32 $0x0;
	[smem:$0x7FF] =	sst s1;
	s5 =	sand.u32 $0x1, s2;
	v24 =	vor.u32 $0xC00, v0;
	v25 =	vor.u32 $0xC10, v0;
	v26 =	vor.u32 $0xC20, v0  }
0xb: {  	s3 =	sadd.s32 $0x96E00, s4;
	s2 =	stileid.u32;
	v27 =	vor.u32 $0xC30, v0;
	v28 =	vor.u32 $0xC40, v0;
	v29 =	vor.u32 $0xC50, v0;
	s6 =	ssub.s32 $0x2, s5  }
0xc: {  	v30 =	vor.u32 $0xC60, v0;
	v31 =	vor.u32 $0xC70, v0;
	s4 =	sadd.s32 $0x1D6E00, s4;
	_ =	strace $0x8000004A;
	s7 =	sshrl.u32 s6, $0x1  }
0xd: {  	v32 =	vor.u32 $0x1000, v0;
	v33 =	vor.u32 $0x1010, v0;
	v34 =	vor.u32 $0x1020, v0;
	s31 =	sshll.u32 s2, $0xA;
	s5 =	sshll.u32 s5, $0x9;
	s6 =	ssub.s32 s6, s7  }
0xe: {  	v35 =	vor.u32 $0x1030, v0;
	v36 =	vor.u32 $0x1040, v0;
	v37 =	vadd.s32 $0x48, v0;
	s5 =	sor.u32 s5, s31;
	s7 =	simm.s32 $0x1;
	s6 =	smax.u32 s6, $0x1  }
.LBB2_1:
0xf: {  	s10 =	simm.s32 $0x0  }
.LBB2_2:
0x10: {  	s12 =	simm.s32 $0x0  }
0x11: {  	s11 =	sshll.u32 s10, $0x5;
	v38 =	vmov s12  }
0x12: {  	s11 =	sadd.s32 s5, s11;
	v39 =	vshrl.u32 v38, $0x3  }
0x13: {  	s13 =	sshrl.u32 s11, $0x3;
	v38 =	vshll.u32 v38, $0x7;
	v39 =	vmul.u32 $0x1400, v39  }
0x14: {  	s13 =	smul.u32 $0x280, s13;
	v38 =	vand.u32 $0x380, v38  }
0x15: {  	v38 =	vor.u32 v38, v39  }
0x16: {  	s13 =	sadd.s32 s3, s13;
	v39 =	vor.u32 v0, v38  }
0x17: {  	[tilespmem:s12], [sflag:$0x1] =	stream.linear.gather [hbm4b:s13+s12], $0x5000, $0x38;
	[tilespmem:$0x9B00] =	vst v63  }
0x18: {  	_ =	swait.ge [sflag:s7], $0x5000  }
0x19: {  	[sflag:s7] =	ssyncset.done $0x0  }
0x1a: {  	s13 =	simm.s32 $0x0;
	[sflag:s7] =	ssyncadd.s32 $0xFFFFB000  }
0x1b: {  	v40 =	vadd.s32 s13, v0;
	v39 =	vld.idx.msk [tilespmem:v39+s1+$0x0], $0xffff  }
0x1c: {  	v41 =	vor.u32 v1, v38;
	_ =	sdelay $0x3  }
0x1d: {  	s14 =	simm.s32 $0x10;
	[tilespmem:v40+s8+$0x0] =	vst.idx.msk $0xffff, v39  }
0x1e: {  	v54 =	vadd.s32 s14, v0;
	v39 =	vld.idx.msk [tilespmem:v41+s1+$0x0], $0xffff  }
0x1f: {  	v55 =	vor.u32 v2, v38;
	_ =	sdelay $0x3  }
0x20: {  	s15 =	simm.s32 $0x20;
	[tilespmem:v54+s8+$0x0] =	vst.idx.msk $0xffff, v39  }
0x21: {  	v56 =	vadd.s32 s15, v0;
	v39 =	vld.idx.msk [tilespmem:v55+s1+$0x0], $0xffff  }
0x22: {  	v57 =	vor.u32 v3, v38;
	_ =	sdelay $0x3  }
0x23: {  	s16 =	simm.s32 $0x30;
	[tilespmem:v56+s8+$0x0] =	vst.idx.msk $0xffff, v39  }
0x24: {  	v58 =	vadd.s32 s16, v0;
	v39 =	vld.idx.msk [tilespmem:v57+s1+$0x0], $0xffff  }
0x25: {  	v59 =	vor.u32 v4, v38;
	_ =	sdelay $0x3  }
0x26: {  	s17 =	simm.s32 $0x40;
	[tilespmem:v58+s8+$0x0] =	vst.idx.msk $0xffff, v39  }
0x27: {  	v60 =	vadd.s32 s17, v0;
	v39 =	vld.idx.msk [tilespmem:v59+s1+$0x0], $0xffff  }
0x28: {  	v61 =	vor.u32 v5, v38;
	_ =	sdelay $0x3  }
0x29: {  	s18 =	simm.s32 $0x50;
	[tilespmem:v60+s8+$0x0] =	vst.idx.msk $0xffff, v39  }
0x2a: {  	v62 =	vadd.s32 s18, v0;
	v39 =	vld.idx.msk [tilespmem:v61+s1+$0x0], $0xffff  }
0x2b: {  	v63 =	vor.u32 v6, v38;
	_ =	sdelay $0x3  }
0x2c: {  	s19 =	simm.s32 $0x60;
	[tilespmem:v62+s8+$0x0] =	vst.idx.msk $0xffff, v39  }
0x2d: {  	v44 =	vadd.s32 s19, v0;
	v39 =	vld.idx.msk [tilespmem:v63+s1+$0x0], $0xffff  }
0x2e: {  	v45 =	vor.u32 v7, v38;
	_ =	sdelay $0x3  }
0x2f: {  	s20 =	simm.s32 $0x70;
	[tilespmem:v44+s8+$0x0] =	vst.idx.msk $0xffff, v39  }
0x30: {  	v46 =	vadd.s32 s20, v0;
	v39 =	vld.idx.msk [tilespmem:v45+s1+$0x0], $0xffff  }
0x31: {  	v47 =	vadd.s32 v8, v38;
	_ =	sdelay $0x3  }
0x32: {  	s21 =	simm.s32 $0x80;
	[tilespmem:v46+s8+$0x0] =	vst.idx.msk $0xffff, v39  }
0x33: {  	v48 =	vadd.s32 s21, v0;
	v39 =	vld.idx.msk [tilespmem:v47+s1+$0x0], $0xffff  }
0x34: {  	v49 =	vadd.s32 v9, v38;
	_ =	sdelay $0x3  }
0x35: {  	s22 =	simm.s32 $0x90;
	[tilespmem:v48+s8+$0x0] =	vst.idx.msk $0xffff, v39  }
0x36: {  	v50 =	vadd.s32 s22, v0;
	v39 =	vld.idx.msk [tilespmem:v49+s1+$0x0], $0xffff  }
0x37: {  	v51 =	vadd.s32 v10, v38;
	_ =	sdelay $0x3  }
0x38: {  	s23 =	simm.s32 $0xA0;
	[tilespmem:v50+s8+$0x0] =	vst.idx.msk $0xffff, v39  }
0x39: {  	v52 =	vadd.s32 s23, v0;
	v39 =	vld.idx.msk [tilespmem:v51+s1+$0x0], $0xffff  }
0x3a: {  	v53 =	vadd.s32 v11, v38;
	_ =	sdelay $0x3  }
0x3b: {  	s24 =	simm.s32 $0xB0;
	[tilespmem:v52+s8+$0x0] =	vst.idx.msk $0xffff, v39  }
0x3c: {  	v54 =	vadd.s32 s24, v0;
	v39 =	vld.idx.msk [tilespmem:v53+s1+$0x0], $0xffff  }
0x3d: {  	v55 =	vadd.s32 v12, v38;
	_ =	sdelay $0x3  }
0x3e: {  	s25 =	simm.s32 $0xC0;
	[tilespmem:v54+s8+$0x0] =	vst.idx.msk $0xffff, v39  }
0x3f: {  	v56 =	vadd.s32 s25, v0;
	v39 =	vld.idx.msk [tilespmem:v55+s1+$0x0], $0xffff  }
0x40: {  	v57 =	vadd.s32 v13, v38;
	_ =	sdelay $0x3  }
0x41: {  	s26 =	simm.s32 $0xD0;
	[tilespmem:v56+s8+$0x0] =	vst.idx.msk $0xffff, v39  }
0x42: {  	v58 =	vadd.s32 s26, v0;
	v39 =	vld.idx.msk [tilespmem:v57+s1+$0x0], $0xffff  }
0x43: {  	v59 =	vadd.s32 v14, v38;
	_ =	sdelay $0x3  }
0x44: {  	s28 =	simm.s32 $0xE0;
	[tilespmem:v58+s8+$0x0] =	vst.idx.msk $0xffff, v39  }
0x45: {  	v60 =	vadd.s32 s28, v0;
	v39 =	vld.idx.msk [tilespmem:v59+s1+$0x0], $0xffff  }
0x46: {  	v61 =	vadd.s32 v15, v38;
	_ =	sdelay $0x3  }
0x47: {  	s29 =	simm.s32 $0xF0;
	[tilespmem:v60+s8+$0x0] =	vst.idx.msk $0xffff, v39  }
0x48: {  	v62 =	vadd.s32 s29, v0;
	v39 =	vld.idx.msk [tilespmem:v61+s1+$0x0], $0xffff  }
0x49: {  	v63 =	vadd.s32 v16, v38;
	_ =	sdelay $0x3  }
0x4a: {  	s30 =	simm.s32 $0x100;
	[tilespmem:v62+s8+$0x0] =	vst.idx.msk $0xffff, v39  }
0x4b: {  	v44 =	vadd.s32 s30, v0;
	v39 =	vld.idx.msk [tilespmem:v63+s1+$0x0], $0xffff  }
0x4c: {  	v45 =	vadd.s32 v17, v38;
	_ =	sdelay $0x3  }
0x4d: {  	s31 =	simm.s32 $0x110;
	[tilespmem:v44+s8+$0x0] =	vst.idx.msk $0xffff, v39  }
0x4e: {  	v46 =	vadd.s32 s31, v0;
	v39 =	vld.idx.msk [tilespmem:v45+s1+$0x0], $0xffff  }
0x4f: {  	v47 =	vadd.s32 v18, v38;
	_ =	sdelay $0x3  }
0x50: {  	s13 =	simm.s32 $0x120;
	[tilespmem:v46+s8+$0x0] =	vst.idx.msk $0xffff, v39  }
0x51: {  	v48 =	vadd.s32 s13, v0;
	v39 =	vld.idx.msk [tilespmem:v47+s1+$0x0], $0xffff  }
0x52: {  	v49 =	vadd.s32 v19, v38;
	_ =	sdelay $0x3  }
0x53: {  	s14 =	simm.s32 $0x130;
	[tilespmem:v48+s8+$0x0] =	vst.idx.msk $0xffff, v39  }
0x54: {  	v50 =	vadd.s32 s14, v0;
	v39 =	vld.idx.msk [tilespmem:v49+s1+$0x0], $0xffff  }
0x55: {  	v51 =	vadd.s32 v20, v38;
	_ =	sdelay $0x3  }
0x56: {  	s15 =	simm.s32 $0x140;
	[tilespmem:v50+s8+$0x0] =	vst.idx.msk $0xffff, v39  }
0x57: {  	v52 =	vadd.s32 s15, v0;
	v39 =	vld.idx.msk [tilespmem:v51+s1+$0x0], $0xffff  }
0x58: {  	v53 =	vadd.s32 v21, v38;
	_ =	sdelay $0x3  }
0x59: {  	s16 =	simm.s32 $0x150;
	[tilespmem:v52+s8+$0x0] =	vst.idx.msk $0xffff, v39  }
0x5a: {  	v54 =	vadd.s32 s16, v0;
	v39 =	vld.idx.msk [tilespmem:v53+s1+$0x0], $0xffff  }
0x5b: {  	v55 =	vadd.s32 v22, v38;
	_ =	sdelay $0x3  }
0x5c: {  	s17 =	simm.s32 $0x160;
	[tilespmem:v54+s8+$0x0] =	vst.idx.msk $0xffff, v39  }
0x5d: {  	v56 =	vadd.s32 s17, v0;
	v39 =	vld.idx.msk [tilespmem:v55+s1+$0x0], $0xffff  }
0x5e: {  	v57 =	vadd.s32 v23, v38;
	_ =	sdelay $0x3  }
0x5f: {  	s18 =	simm.s32 $0x170;
	[tilespmem:v56+s8+$0x0] =	vst.idx.msk $0xffff, v39  }
0x60: {  	v58 =	vadd.s32 s18, v0;
	v39 =	vld.idx.msk [tilespmem:v57+s1+$0x0], $0xffff  }
0x61: {  	v59 =	vadd.s32 v24, v38;
	_ =	sdelay $0x3  }
0x62: {  	s19 =	simm.s32 $0x180;
	[tilespmem:v58+s8+$0x0] =	vst.idx.msk $0xffff, v39  }
0x63: {  	v60 =	vadd.s32 s19, v0;
	v39 =	vld.idx.msk [tilespmem:v59+s1+$0x0], $0xffff  }
0x64: {  	v61 =	vadd.s32 v25, v38;
	_ =	sdelay $0x3  }
0x65: {  	s20 =	simm.s32 $0x190;
	[tilespmem:v60+s8+$0x0] =	vst.idx.msk $0xffff, v39  }
0x66: {  	v62 =	vadd.s32 s20, v0;
	v39 =	vld.idx.msk [tilespmem:v61+s1+$0x0], $0xffff  }
0x67: {  	v63 =	vadd.s32 v26, v38;
	_ =	sdelay $0x3  }
0x68: {  	s21 =	simm.s32 $0x1A0;
	[tilespmem:v62+s8+$0x0] =	vst.idx.msk $0xffff, v39  }
0x69: {  	v44 =	vadd.s32 s21, v0;
	v39 =	vld.idx.msk [tilespmem:v63+s1+$0x0], $0xffff  }
0x6a: {  	v45 =	vadd.s32 v27, v38;
	_ =	sdelay $0x3  }
0x6b: {  	s22 =	simm.s32 $0x1B0;
	[tilespmem:v44+s8+$0x0] =	vst.idx.msk $0xffff, v39  }
0x6c: {  	v46 =	vadd.s32 s22, v0;
	v39 =	vld.idx.msk [tilespmem:v45+s1+$0x0], $0xffff  }
0x6d: {  	v47 =	vadd.s32 v28, v38;
	_ =	sdelay $0x3  }
0x6e: {  	s23 =	simm.s32 $0x1C0;
	[tilespmem:v46+s8+$0x0] =	vst.idx.msk $0xffff, v39  }
0x6f: {  	v48 =	vadd.s32 s23, v0;
	v39 =	vld.idx.msk [tilespmem:v47+s1+$0x0], $0xffff  }
0x70: {  	v49 =	vadd.s32 v29, v38;
	_ =	sdelay $0x3  }
0x71: {  	s24 =	simm.s32 $0x1D0;
	[tilespmem:v48+s8+$0x0] =	vst.idx.msk $0xffff, v39  }
0x72: {  	v50 =	vadd.s32 s24, v0;
	v39 =	vld.idx.msk [tilespmem:v49+s1+$0x0], $0xffff  }
0x73: {  	v51 =	vadd.s32 v30, v38;
	_ =	sdelay $0x3  }
0x74: {  	s25 =	simm.s32 $0x1E0;
	[tilespmem:v50+s8+$0x0] =	vst.idx.msk $0xffff, v39  }
0x75: {  	v52 =	vadd.s32 s25, v0;
	v39 =	vld.idx.msk [tilespmem:v51+s1+$0x0], $0xffff  }
0x76: {  	v53 =	vadd.s32 v31, v38;
	_ =	sdelay $0x3  }
0x77: {  	s26 =	simm.s32 $0x1F0;
	[tilespmem:v52+s8+$0x0] =	vst.idx.msk $0xffff, v39  }
0x78: {  	v54 =	vadd.s32 s26, v0;
	v39 =	vld.idx.msk [tilespmem:v53+s1+$0x0], $0xffff  }
0x79: {  	v55 =	vadd.s32 v32, v38;
	_ =	sdelay $0x3  }
0x7a: {  	s28 =	simm.s32 $0x200;
	[tilespmem:v54+s8+$0x0] =	vst.idx.msk $0xffff, v39  }
0x7b: {  	v56 =	vadd.s32 s28, v0;
	v39 =	vld.idx.msk [tilespmem:v55+s1+$0x0], $0xffff  }
0x7c: {  	v57 =	vadd.s32 v33, v38;
	_ =	sdelay $0x3  }
0x7d: {  	s29 =	simm.s32 $0x210;
	[tilespmem:v56+s8+$0x0] =	vst.idx.msk $0xffff, v39  }
0x7e: {  	v58 =	vadd.s32 s29, v0;
	v39 =	vld.idx.msk [tilespmem:v57+s1+$0x0], $0xffff  }
0x7f: {  	v59 =	vadd.s32 v34, v38;
	_ =	sdelay $0x3  }
0x80: {  	s30 =	simm.s32 $0x220;
	[tilespmem:v58+s8+$0x0] =	vst.idx.msk $0xffff, v39  }
0x81: {  	v60 =	vadd.s32 s30, v0;
	v39 =	vld.idx.msk [tilespmem:v59+s1+$0x0], $0xffff  }
0x82: {  	v61 =	vadd.s32 v35, v38;
	_ =	sdelay $0x3  }
0x83: {  	s31 =	simm.s32 $0x230;
	[tilespmem:v60+s8+$0x0] =	vst.idx.msk $0xffff, v39  }
0x84: {  	v62 =	vadd.s32 s31, v0;
	v39 =	vld.idx.msk [tilespmem:v61+s1+$0x0], $0xffff  }
0x85: {  	v63 =	vadd.s32 v36, v38;
	_ =	sdelay $0x3  }
0x86: {  	s15 =	simm.s32 $0x240;
	[tilespmem:v62+s8+$0x0] =	vst.idx.msk $0xffff, v39  }
0x87: {  	v40 =	vadd.s32 s15, v0;
	v38 =	vadd.s32 $0x1000, v38;
	v39 =	vld.idx.msk [tilespmem:v63+s1+$0x0], $0xffff  }
0x88: {  	v38 =	vor.u32 v37, v38  }
0x89: {  	s14 =	simm.s32 $0x1  }
0x8a: {  	s12 =	simm.s32 $0x4A0;
	s13 =	simm.s32 $0x248;
	v41 =	vmov s14;
	s15 =	simm.s32 $0x6F8  }
.LBB2_3:
0x8b: {  	p0 =	sne.s32 s15, $0x4AF0;
	v42 =	vshrl.u32 v41, $0x3  }
0x8c: {  	v41 =	vshll.u32 v41, $0x7;
	v42 =	vmul.u32 $0x1400, v42;
	[tilespmem:v40+s8+$0x0] =	vst.idx.msk $0xffff, v39  }
0x8d: {  	v39 =	vand.u32 $0x380, v41;
	v40 =	vld.idx.msk [tilespmem:v38+s1+$0x0], $0xffff  }
0x8e: {  	v38 =	vor.u32 v39, v42;
	v39 =	vadd.s32 s13, v0;
	s13 =	smov.u32 s12;
	s12 =	smov.u32 s15  }
0x8f: {  	v41 =	vor.u32 v0, v38;
	_ =	sdelay $0x3  }
0x90: {  	[tilespmem:v39+s8+$0x0] =	vst.idx.msk vm0, v40  }
0x91: {  	s16 =	sadd.s32 $0xFFFFFDB8, s13;
	v39 =	vld.idx.msk [tilespmem:v41+s1+$0x0], $0xffff  }
0x92: {  	v40 =	vadd.s32 s16, v0  }
0x93: {  	v41 =	vor.u32 v1, v38;
	_ =	sdelay $0x3  }
0x94: {  	[tilespmem:v40+s8+$0x0] =	vst.idx.msk $0xffff, v39  }
0x95: {  	s16 =	sadd.s32 $0xFFFFFDC8, s13;
	v39 =	vld.idx.msk [tilespmem:v41+s1+$0x0], $0xffff  }
0x96: {  	v40 =	vadd.s32 s16, v0  }
0x97: {  	v41 =	vor.u32 v2, v38;
	_ =	sdelay $0x3  }
0x98: {  	[tilespmem:v40+s8+$0x0] =	vst.idx.msk $0xffff, v39  }
0x99: {  	s16 =	sadd.s32 $0xFFFFFDD8, s13;
	v39 =	vld.idx.msk [tilespmem:v41+s1+$0x0], $0xffff  }
0x9a: {  	v40 =	vadd.s32 s16, v0  }
0x9b: {  	v41 =	vor.u32 v3, v38;
	_ =	sdelay $0x3  }
0x9c: {  	[tilespmem:v40+s8+$0x0] =	vst.idx.msk $0xffff, v39  }
0x9d: {  	s16 =	sadd.s32 $0xFFFFFDE8, s13;
	v39 =	vld.idx.msk [tilespmem:v41+s1+$0x0], $0xffff  }
0x9e: {  	v40 =	vadd.s32 s16, v0  }
0x9f: {  	v41 =	vor.u32 v4, v38;
	_ =	sdelay $0x3  }
0xa0: {  	[tilespmem:v40+s8+$0x0] =	vst.idx.msk $0xffff, v39  }
0xa1: {  	s16 =	sadd.s32 $0xFFFFFDF8, s13;
	v39 =	vld.idx.msk [tilespmem:v41+s1+$0x0], $0xffff  }
0xa2: {  	v40 =	vadd.s32 s16, v0  }
0xa3: {  	v41 =	vor.u32 v5, v38;
	_ =	sdelay $0x3  }
0xa4: {  	[tilespmem:v40+s8+$0x0] =	vst.idx.msk $0xffff, v39  }
0xa5: {  	s16 =	sadd.s32 $0xFFFFFE08, s13;
	v39 =	vld.idx.msk [tilespmem:v41+s1+$0x0], $0xffff  }
0xa6: {  	v40 =	vadd.s32 s16, v0  }
0xa7: {  	v41 =	vor.u32 v6, v38;
	_ =	sdelay $0x3  }
0xa8: {  	[tilespmem:v40+s8+$0x0] =	vst.idx.msk $0xffff, v39  }
0xa9: {  	s16 =	sadd.s32 $0xFFFFFE18, s13;
	v39 =	vld.idx.msk [tilespmem:v41+s1+$0x0], $0xffff  }
0xaa: {  	v40 =	vadd.s32 s16, v0  }
0xab: {  	v41 =	vor.u32 v7, v38;
	_ =	sdelay $0x3  }
0xac: {  	[tilespmem:v40+s8+$0x0] =	vst.idx.msk $0xffff, v39  }
0xad: {  	s16 =	sadd.s32 $0xFFFFFE28, s13;
	v39 =	vld.idx.msk [tilespmem:v41+s1+$0x0], $0xffff  }
0xae: {  	v40 =	vadd.s32 s16, v0  }
0xaf: {  	v41 =	vadd.s32 v8, v38;
	_ =	sdelay $0x3  }
0xb0: {  	[tilespmem:v40+s8+$0x0] =	vst.idx.msk $0xffff, v39  }
0xb1: {  	s16 =	sadd.s32 $0xFFFFFE38, s13;
	v39 =	vld.idx.msk [tilespmem:v41+s1+$0x0], $0xffff  }
0xb2: {  	v40 =	vadd.s32 s16, v0  }
0xb3: {  	v41 =	vadd.s32 v9, v38;
	_ =	sdelay $0x3  }
0xb4: {  	[tilespmem:v40+s8+$0x0] =	vst.idx.msk $0xffff, v39  }
0xb5: {  	s16 =	sadd.s32 $0xFFFFFE48, s13;
	v39 =	vld.idx.msk [tilespmem:v41+s1+$0x0], $0xffff  }
0xb6: {  	v40 =	vadd.s32 s16, v0  }
0xb7: {  	v41 =	vadd.s32 v10, v38;
	_ =	sdelay $0x3  }
0xb8: {  	[tilespmem:v40+s8+$0x0] =	vst.idx.msk $0xffff, v39  }
0xb9: {  	s16 =	sadd.s32 $0xFFFFFE58, s13;
	v39 =	vld.idx.msk [tilespmem:v41+s1+$0x0], $0xffff  }
0xba: {  	v40 =	vadd.s32 s16, v0  }
0xbb: {  	v41 =	vadd.s32 v11, v38;
	_ =	sdelay $0x3  }
0xbc: {  	[tilespmem:v40+s8+$0x0] =	vst.idx.msk $0xffff, v39  }
0xbd: {  	s16 =	sadd.s32 $0xFFFFFE68, s13;
	v39 =	vld.idx.msk [tilespmem:v41+s1+$0x0], $0xffff  }
0xbe: {  	v40 =	vadd.s32 s16, v0  }
0xbf: {  	v41 =	vadd.s32 v12, v38;
	_ =	sdelay $0x3  }
0xc0: {  	[tilespmem:v40+s8+$0x0] =	vst.idx.msk $0xffff, v39  }
0xc1: {  	s16 =	sadd.s32 $0xFFFFFE78, s13;
	v39 =	vld.idx.msk [tilespmem:v41+s1+$0x0], $0xffff  }
0xc2: {  	v40 =	vadd.s32 s16, v0  }
0xc3: {  	v41 =	vadd.s32 v13, v38;
	_ =	sdelay $0x3  }
0xc4: {  	[tilespmem:v40+s8+$0x0] =	vst.idx.msk $0xffff, v39  }
0xc5: {  	s16 =	sadd.s32 $0xFFFFFE88, s13;
	v39 =	vld.idx.msk [tilespmem:v41+s1+$0x0], $0xffff  }
0xc6: {  	v40 =	vadd.s32 s16, v0  }
0xc7: {  	v41 =	vadd.s32 v14, v38;
	_ =	sdelay $0x3  }
0xc8: {  	[tilespmem:v40+s8+$0x0] =	vst.idx.msk $0xffff, v39  }
0xc9: {  	s16 =	sadd.s32 $0xFFFFFE98, s13;
	v39 =	vld.idx.msk [tilespmem:v41+s1+$0x0], $0xffff  }
0xca: {  	v40 =	vadd.s32 s16, v0  }
0xcb: {  	v41 =	vadd.s32 v15, v38;
	_ =	sdelay $0x3  }
0xcc: {  	[tilespmem:v40+s8+$0x0] =	vst.idx.msk $0xffff, v39  }
0xcd: {  	s16 =	sadd.s32 $0xFFFFFEA8, s13;
	v39 =	vld.idx.msk [tilespmem:v41+s1+$0x0], $0xffff  }
0xce: {  	v40 =	vadd.s32 s16, v0  }
0xcf: {  	v41 =	vadd.s32 v16, v38;
	_ =	sdelay $0x3  }
0xd0: {  	[tilespmem:v40+s8+$0x0] =	vst.idx.msk $0xffff, v39  }
0xd1: {  	s16 =	sadd.s32 $0xFFFFFEB8, s13;
	v39 =	vld.idx.msk [tilespmem:v41+s1+$0x0], $0xffff  }
0xd2: {  	v40 =	vadd.s32 s16, v0  }
0xd3: {  	v41 =	vadd.s32 v17, v38;
	_ =	sdelay $0x3  }
0xd4: {  	[tilespmem:v40+s8+$0x0] =	vst.idx.msk $0xffff, v39  }
0xd5: {  	s16 =	sadd.s32 $0xFFFFFEC8, s13;
	v39 =	vld.idx.msk [tilespmem:v41+s1+$0x0], $0xffff  }
0xd6: {  	v40 =	vadd.s32 s16, v0  }
0xd7: {  	v41 =	vadd.s32 v18, v38;
	_ =	sdelay $0x3  }
0xd8: {  	[tilespmem:v40+s8+$0x0] =	vst.idx.msk $0xffff, v39  }
0xd9: {  	s16 =	sadd.s32 $0xFFFFFED8, s13;
	v39 =	vld.idx.msk [tilespmem:v41+s1+$0x0], $0xffff  }
0xda: {  	v40 =	vadd.s32 s16, v0  }
0xdb: {  	v41 =	vadd.s32 v19, v38;
	_ =	sdelay $0x3  }
0xdc: {  	[tilespmem:v40+s8+$0x0] =	vst.idx.msk $0xffff, v39  }
0xdd: {  	s16 =	sadd.s32 $0xFFFFFEE8, s13;
	v39 =	vld.idx.msk [tilespmem:v41+s1+$0x0], $0xffff  }
0xde: {  	v40 =	vadd.s32 s16, v0  }
0xdf: {  	v41 =	vadd.s32 v20, v38;
	_ =	sdelay $0x3  }
0xe0: {  	[tilespmem:v40+s8+$0x0] =	vst.idx.msk $0xffff, v39  }
0xe1: {  	s16 =	sadd.s32 $0xFFFFFEF8, s13;
	v39 =	vld.idx.msk [tilespmem:v41+s1+$0x0], $0xffff  }
0xe2: {  	v40 =	vadd.s32 s16, v0  }
0xe3: {  	v41 =	vadd.s32 v21, v38;
	_ =	sdelay $0x3  }
0xe4: {  	[tilespmem:v40+s8+$0x0] =	vst.idx.msk $0xffff, v39  }
0xe5: {  	s16 =	sadd.s32 $0xFFFFFF08, s13;
	v39 =	vld.idx.msk [tilespmem:v41+s1+$0x0], $0xffff  }
0xe6: {  	v40 =	vadd.s32 s16, v0  }
0xe7: {  	v41 =	vadd.s32 v22, v38;
	_ =	sdelay $0x3  }
0xe8: {  	[tilespmem:v40+s8+$0x0] =	vst.idx.msk $0xffff, v39  }
0xe9: {  	s16 =	sadd.s32 $0xFFFFFF18, s13;
	v39 =	vld.idx.msk [tilespmem:v41+s1+$0x0], $0xffff  }
0xea: {  	v40 =	vadd.s32 s16, v0  }
0xeb: {  	v41 =	vadd.s32 v23, v38;
	_ =	sdelay $0x3  }
0xec: {  	[tilespmem:v40+s8+$0x0] =	vst.idx.msk $0xffff, v39  }
0xed: {  	s16 =	sadd.s32 $0xFFFFFF28, s13;
	v39 =	vld.idx.msk [tilespmem:v41+s1+$0x0], $0xffff  }
0xee: {  	v40 =	vadd.s32 s16, v0  }
0xef: {  	v41 =	vadd.s32 v24, v38;
	_ =	sdelay $0x3  }
0xf0: {  	[tilespmem:v40+s8+$0x0] =	vst.idx.msk $0xffff, v39  }
0xf1: {  	s16 =	sadd.s32 $0xFFFFFF38, s13;
	v39 =	vld.idx.msk [tilespmem:v41+s1+$0x0], $0xffff  }
0xf2: {  	v40 =	vadd.s32 s16, v0  }
0xf3: {  	v41 =	vadd.s32 v25, v38;
	_ =	sdelay $0x3  }
0xf4: {  	[tilespmem:v40+s8+$0x0] =	vst.idx.msk $0xffff, v39  }
0xf5: {  	s16 =	sadd.s32 $0xFFFFFF48, s13;
	v39 =	vld.idx.msk [tilespmem:v41+s1+$0x0], $0xffff  }
0xf6: {  	v40 =	vadd.s32 s16, v0  }
0xf7: {  	v41 =	vadd.s32 v26, v38;
	_ =	sdelay $0x3  }
0xf8: {  	[tilespmem:v40+s8+$0x0] =	vst.idx.msk $0xffff, v39  }
0xf9: {  	s16 =	sadd.s32 $0xFFFFFF58, s13;
	v39 =	vld.idx.msk [tilespmem:v41+s1+$0x0], $0xffff  }
0xfa: {  	v40 =	vadd.s32 s16, v0  }
0xfb: {  	v41 =	vadd.s32 v27, v38;
	_ =	sdelay $0x3  }
0xfc: {  	[tilespmem:v40+s8+$0x0] =	vst.idx.msk $0xffff, v39  }
0xfd: {  	s16 =	sadd.s32 $0xFFFFFF68, s13;
	v39 =	vld.idx.msk [tilespmem:v41+s1+$0x0], $0xffff  }
0xfe: {  	v40 =	vadd.s32 s16, v0  }
0xff: {  	v41 =	vadd.s32 v28, v38;
	_ =	sdelay $0x3  }
0x100: {  	[tilespmem:v40+s8+$0x0] =	vst.idx.msk $0xffff, v39  }
0x101: {  	s16 =	sadd.s32 $0xFFFFFF78, s13;
	v39 =	vld.idx.msk [tilespmem:v41+s1+$0x0], $0xffff  }
0x102: {  	v40 =	vadd.s32 s16, v0  }
0x103: {  	v41 =	vadd.s32 v29, v38;
	_ =	sdelay $0x3  }
0x104: {  	[tilespmem:v40+s8+$0x0] =	vst.idx.msk $0xffff, v39  }
0x105: {  	s16 =	sadd.s32 $0xFFFFFF88, s13;
	v39 =	vld.idx.msk [tilespmem:v41+s1+$0x0], $0xffff  }
0x106: {  	v40 =	vadd.s32 s16, v0  }
0x107: {  	v41 =	vadd.s32 v30, v38;
	_ =	sdelay $0x3  }
0x108: {  	[tilespmem:v40+s8+$0x0] =	vst.idx.msk $0xffff, v39  }
0x109: {  	s16 =	sadd.s32 $0xFFFFFF98, s13;
	v39 =	vld.idx.msk [tilespmem:v41+s1+$0x0], $0xffff  }
0x10a: {  	v40 =	vadd.s32 s16, v0  }
0x10b: {  	v41 =	vadd.s32 v31, v38;
	_ =	sdelay $0x3  }
0x10c: {  	[tilespmem:v40+s8+$0x0] =	vst.idx.msk $0xffff, v39  }
0x10d: {  	s16 =	sadd.s32 $0xFFFFFFA8, s13;
	v39 =	vld.idx.msk [tilespmem:v41+s1+$0x0], $0xffff  }
0x10e: {  	v40 =	vadd.s32 s16, v0  }
0x10f: {  	v41 =	vadd.s32 v32, v38;
	_ =	sdelay $0x3  }
0x110: {  	[tilespmem:v40+s8+$0x0] =	vst.idx.msk $0xffff, v39  }
0x111: {  	s16 =	sadd.s32 $0xFFFFFFB8, s13;
	v39 =	vld.idx.msk [tilespmem:v41+s1+$0x0], $0xffff  }
0x112: {  	v40 =	vadd.s32 s16, v0  }
0x113: {  	v41 =	vadd.s32 v33, v38;
	_ =	sdelay $0x3  }
0x114: {  	[tilespmem:v40+s8+$0x0] =	vst.idx.msk $0xffff, v39  }
0x115: {  	s16 =	sadd.s32 $0xFFFFFFC8, s13;
	v39 =	vld.idx.msk [tilespmem:v41+s1+$0x0], $0xffff  }
0x116: {  	v40 =	vadd.s32 s16, v0  }
0x117: {  	v41 =	vadd.s32 v34, v38;
	_ =	sdelay $0x3  }
0x118: {  	[tilespmem:v40+s8+$0x0] =	vst.idx.msk $0xffff, v39  }
0x119: {  	s16 =	sadd.s32 $0xFFFFFFD8, s13;
	v39 =	vld.idx.msk [tilespmem:v41+s1+$0x0], $0xffff  }
0x11a: {  	v40 =	vadd.s32 s16, v0  }
0x11b: {  	v41 =	vadd.s32 v35, v38;
	_ =	sdelay $0x3  }
0x11c: {  	[tilespmem:v40+s8+$0x0] =	vst.idx.msk $0xffff, v39  }
0x11d: {  	s16 =	sadd.s32 $0xFFFFFFE8, s13;
	v39 =	vld.idx.msk [tilespmem:v41+s1+$0x0], $0xffff  }
0x11e: {  	v40 =	vadd.s32 s16, v0  }
0x11f: {  	v41 =	vadd.s32 v36, v38;
	_ =	sdelay $0x3  }
0x120: {  	[tilespmem:v40+s8+$0x0] =	vst.idx.msk $0xffff, v39  }
.Ltmp0:
0x121: {  	s16 =	sadd.s32 $0xFFFFFFF8, s13;
	v39 =	vld.idx.msk [tilespmem:v41+s1+$0x0], $0xffff;
	(pc) =	sbr.rel @p0 .LBB2_3-.Ltmp0, $4  }
0x122: {  	v38 =	vadd.s32 $0x1000, v38;
	v40 =	vadd.s32 s16, v0  }
0x123: {  	v38 =	vor.u32 v37, v38  }
0x124: {  	s14 =	sadd.s32 $0x1, s14  }
0x125: {  	s15 =	sadd.s32 $0x258, s15;
	v41 =	vmov s14  }
0x126: {  	_ =	sdelay $0x1  }
0x127: {  	v42 =	vshrl.u32 v41, $0x3  }
0x128: {  	v46 =	vshll.u32 v41, $0x7;
	v42 =	vmul.u32 $0x1400, v42  }
0x129: {  	[tilespmem:v40+s8+$0x0] =	vst.idx.msk $0xffff, v39;
	v47 =	vand.u32 $0x380, v46  }
0x12a: {  	v48 =	vadd.s32 s13, v0;
	v40 =	vld.idx.msk [tilespmem:v38+s1+$0x0], $0xffff;
	v38 =	vor.u32 v47, v42  }
0x12b: {  	v49 =	vor.u32 v0, v38;
	_ =	sdelay $0x3  }
0x12c: {  	s29 =	sadd.s32 $0xFFFFFDB8, s12;
	[tilespmem:v48+s8+$0x0] =	vst.idx.msk vm0, v40  }
0x12d: {  	v50 =	vadd.s32 s29, v0;
	v39 =	vld.idx.msk [tilespmem:v49+s1+$0x0], $0xffff  }
0x12e: {  	v51 =	vor.u32 v1, v38;
	_ =	sdelay $0x3  }
0x12f: {  	s30 =	sadd.s32 $0xFFFFFDC8, s12;
	[tilespmem:v50+s8+$0x0] =	vst.idx.msk $0xffff, v39  }
0x130: {  	v52 =	vadd.s32 s30, v0;
	v39 =	vld.idx.msk [tilespmem:v51+s1+$0x0], $0xffff  }
0x131: {  	v53 =	vor.u32 v2, v38;
	_ =	sdelay $0x3  }
0x132: {  	s31 =	sadd.s32 $0xFFFFFDD8, s12;
	[tilespmem:v52+s8+$0x0] =	vst.idx.msk $0xffff, v39  }
0x133: {  	v54 =	vadd.s32 s31, v0;
	v39 =	vld.idx.msk [tilespmem:v53+s1+$0x0], $0xffff  }
0x134: {  	v55 =	vor.u32 v3, v38;
	_ =	sdelay $0x3  }
0x135: {  	s14 =	sadd.s32 $0xFFFFFDE8, s12;
	[tilespmem:v54+s8+$0x0] =	vst.idx.msk $0xffff, v39  }
0x136: {  	v56 =	vadd.s32 s14, v0;
	v39 =	vld.idx.msk [tilespmem:v55+s1+$0x0], $0xffff  }
0x137: {  	v57 =	vor.u32 v4, v38;
	_ =	sdelay $0x3  }
0x138: {  	s15 =	sadd.s32 $0xFFFFFDF8, s12;
	[tilespmem:v56+s8+$0x0] =	vst.idx.msk $0xffff, v39  }
0x139: {  	v58 =	vadd.s32 s15, v0;
	v39 =	vld.idx.msk [tilespmem:v57+s1+$0x0], $0xffff  }
0x13a: {  	v59 =	vor.u32 v5, v38;
	_ =	sdelay $0x3  }
0x13b: {  	s16 =	sadd.s32 $0xFFFFFE08, s12;
	[tilespmem:v58+s8+$0x0] =	vst.idx.msk $0xffff, v39  }
0x13c: {  	v60 =	vadd.s32 s16, v0;
	v39 =	vld.idx.msk [tilespmem:v59+s1+$0x0], $0xffff  }
0x13d: {  	v61 =	vor.u32 v6, v38;
	_ =	sdelay $0x3  }
0x13e: {  	s17 =	sadd.s32 $0xFFFFFE18, s12;
	[tilespmem:v60+s8+$0x0] =	vst.idx.msk $0xffff, v39  }
0x13f: {  	v62 =	vadd.s32 s17, v0;
	v39 =	vld.idx.msk [tilespmem:v61+s1+$0x0], $0xffff  }
0x140: {  	v63 =	vor.u32 v7, v38;
	_ =	sdelay $0x3  }
0x141: {  	s18 =	sadd.s32 $0xFFFFFE28, s12;
	[tilespmem:v62+s8+$0x0] =	vst.idx.msk $0xffff, v39  }
0x142: {  	v44 =	vadd.s32 s18, v0;
	v39 =	vld.idx.msk [tilespmem:v63+s1+$0x0], $0xffff  }
0x143: {  	v45 =	vadd.s32 v8, v38;
	_ =	sdelay $0x3  }
0x144: {  	s19 =	sadd.s32 $0xFFFFFE38, s12;
	[tilespmem:v44+s8+$0x0] =	vst.idx.msk $0xffff, v39  }
0x145: {  	v46 =	vadd.s32 s19, v0;
	v39 =	vld.idx.msk [tilespmem:v45+s1+$0x0], $0xffff  }
0x146: {  	v47 =	vadd.s32 v9, v38;
	_ =	sdelay $0x3  }
0x147: {  	s20 =	sadd.s32 $0xFFFFFE48, s12;
	[tilespmem:v46+s8+$0x0] =	vst.idx.msk $0xffff, v39  }
0x148: {  	v48 =	vadd.s32 s20, v0;
	v39 =	vld.idx.msk [tilespmem:v47+s1+$0x0], $0xffff  }
0x149: {  	v49 =	vadd.s32 v10, v38;
	_ =	sdelay $0x3  }
0x14a: {  	s21 =	sadd.s32 $0xFFFFFE58, s12;
	[tilespmem:v48+s8+$0x0] =	vst.idx.msk $0xffff, v39  }
0x14b: {  	v50 =	vadd.s32 s21, v0;
	v39 =	vld.idx.msk [tilespmem:v49+s1+$0x0], $0xffff  }
0x14c: {  	v51 =	vadd.s32 v11, v38;
	_ =	sdelay $0x3  }
0x14d: {  	s22 =	sadd.s32 $0xFFFFFE68, s12;
	[tilespmem:v50+s8+$0x0] =	vst.idx.msk $0xffff, v39  }
0x14e: {  	v52 =	vadd.s32 s22, v0;
	v39 =	vld.idx.msk [tilespmem:v51+s1+$0x0], $0xffff  }
0x14f: {  	v53 =	vadd.s32 v12, v38;
	_ =	sdelay $0x3  }
0x150: {  	s23 =	sadd.s32 $0xFFFFFE78, s12;
	[tilespmem:v52+s8+$0x0] =	vst.idx.msk $0xffff, v39  }
0x151: {  	v54 =	vadd.s32 s23, v0;
	v39 =	vld.idx.msk [tilespmem:v53+s1+$0x0], $0xffff  }
0x152: {  	v55 =	vadd.s32 v13, v38;
	_ =	sdelay $0x3  }
0x153: {  	s24 =	sadd.s32 $0xFFFFFE88, s12;
	[tilespmem:v54+s8+$0x0] =	vst.idx.msk $0xffff, v39  }
0x154: {  	v56 =	vadd.s32 s24, v0;
	v39 =	vld.idx.msk [tilespmem:v55+s1+$0x0], $0xffff  }
0x155: {  	v57 =	vadd.s32 v14, v38;
	_ =	sdelay $0x3  }
0x156: {  	s25 =	sadd.s32 $0xFFFFFE98, s12;
	[tilespmem:v56+s8+$0x0] =	vst.idx.msk $0xffff, v39  }
0x157: {  	v58 =	vadd.s32 s25, v0;
	v39 =	vld.idx.msk [tilespmem:v57+s1+$0x0], $0xffff  }
0x158: {  	v59 =	vadd.s32 v15, v38;
	_ =	sdelay $0x3  }
0x159: {  	s26 =	sadd.s32 $0xFFFFFEA8, s12;
	[tilespmem:v58+s8+$0x0] =	vst.idx.msk $0xffff, v39  }
0x15a: {  	v60 =	vadd.s32 s26, v0;
	v39 =	vld.idx.msk [tilespmem:v59+s1+$0x0], $0xffff  }
0x15b: {  	v61 =	vadd.s32 v16, v38;
	_ =	sdelay $0x3  }
0x15c: {  	s28 =	sadd.s32 $0xFFFFFEB8, s12;
	[tilespmem:v60+s8+$0x0] =	vst.idx.msk $0xffff, v39  }
0x15d: {  	v62 =	vadd.s32 s28, v0;
	v39 =	vld.idx.msk [tilespmem:v61+s1+$0x0], $0xffff  }
0x15e: {  	v63 =	vadd.s32 v17, v38;
	_ =	sdelay $0x3  }
0x15f: {  	s29 =	sadd.s32 $0xFFFFFEC8, s12;
	[tilespmem:v62+s8+$0x0] =	vst.idx.msk $0xffff, v39  }
0x160: {  	v44 =	vadd.s32 s29, v0;
	v39 =	vld.idx.msk [tilespmem:v63+s1+$0x0], $0xffff  }
0x161: {  	v45 =	vadd.s32 v18, v38;
	_ =	sdelay $0x3  }
0x162: {  	s30 =	sadd.s32 $0xFFFFFED8, s12;
	[tilespmem:v44+s8+$0x0] =	vst.idx.msk $0xffff, v39  }
0x163: {  	v46 =	vadd.s32 s30, v0;
	v39 =	vld.idx.msk [tilespmem:v45+s1+$0x0], $0xffff  }
0x164: {  	v47 =	vadd.s32 v19, v38;
	_ =	sdelay $0x3  }
0x165: {  	s31 =	sadd.s32 $0xFFFFFEE8, s12;
	[tilespmem:v46+s8+$0x0] =	vst.idx.msk $0xffff, v39  }
0x166: {  	v48 =	vadd.s32 s31, v0;
	v39 =	vld.idx.msk [tilespmem:v47+s1+$0x0], $0xffff  }
0x167: {  	v49 =	vadd.s32 v20, v38;
	_ =	sdelay $0x3  }
0x168: {  	s14 =	sadd.s32 $0xFFFFFEF8, s12;
	[tilespmem:v48+s8+$0x0] =	vst.idx.msk $0xffff, v39  }
0x169: {  	v50 =	vadd.s32 s14, v0;
	v39 =	vld.idx.msk [tilespmem:v49+s1+$0x0], $0xffff  }
0x16a: {  	v51 =	vadd.s32 v21, v38;
	_ =	sdelay $0x3  }
0x16b: {  	s15 =	sadd.s32 $0xFFFFFF08, s12;
	[tilespmem:v50+s8+$0x0] =	vst.idx.msk $0xffff, v39  }
0x16c: {  	v52 =	vadd.s32 s15, v0;
	v39 =	vld.idx.msk [tilespmem:v51+s1+$0x0], $0xffff  }
0x16d: {  	v53 =	vadd.s32 v22, v38;
	_ =	sdelay $0x3  }
0x16e: {  	s16 =	sadd.s32 $0xFFFFFF18, s12;
	[tilespmem:v52+s8+$0x0] =	vst.idx.msk $0xffff, v39  }
0x16f: {  	v54 =	vadd.s32 s16, v0;
	v39 =	vld.idx.msk [tilespmem:v53+s1+$0x0], $0xffff  }
0x170: {  	v55 =	vadd.s32 v23, v38;
	_ =	sdelay $0x3  }
0x171: {  	s17 =	sadd.s32 $0xFFFFFF28, s12;
	[tilespmem:v54+s8+$0x0] =	vst.idx.msk $0xffff, v39  }
0x172: {  	v56 =	vadd.s32 s17, v0;
	v39 =	vld.idx.msk [tilespmem:v55+s1+$0x0], $0xffff  }
0x173: {  	v57 =	vadd.s32 v24, v38;
	_ =	sdelay $0x3  }
0x174: {  	s18 =	sadd.s32 $0xFFFFFF38, s12;
	[tilespmem:v56+s8+$0x0] =	vst.idx.msk $0xffff, v39  }
0x175: {  	v58 =	vadd.s32 s18, v0;
	v39 =	vld.idx.msk [tilespmem:v57+s1+$0x0], $0xffff  }
0x176: {  	v59 =	vadd.s32 v25, v38;
	_ =	sdelay $0x3  }
0x177: {  	s19 =	sadd.s32 $0xFFFFFF48, s12;
	[tilespmem:v58+s8+$0x0] =	vst.idx.msk $0xffff, v39  }
0x178: {  	v60 =	vadd.s32 s19, v0;
	v39 =	vld.idx.msk [tilespmem:v59+s1+$0x0], $0xffff  }
0x179: {  	v61 =	vadd.s32 v26, v38;
	_ =	sdelay $0x3  }
0x17a: {  	s20 =	sadd.s32 $0xFFFFFF58, s12;
	[tilespmem:v60+s8+$0x0] =	vst.idx.msk $0xffff, v39  }
0x17b: {  	v62 =	vadd.s32 s20, v0;
	v39 =	vld.idx.msk [tilespmem:v61+s1+$0x0], $0xffff  }
0x17c: {  	v63 =	vadd.s32 v27, v38;
	_ =	sdelay $0x3  }
0x17d: {  	s21 =	sadd.s32 $0xFFFFFF68, s12;
	[tilespmem:v62+s8+$0x0] =	vst.idx.msk $0xffff, v39  }
0x17e: {  	v44 =	vadd.s32 s21, v0;
	v39 =	vld.idx.msk [tilespmem:v63+s1+$0x0], $0xffff  }
0x17f: {  	v45 =	vadd.s32 v28, v38;
	_ =	sdelay $0x3  }
0x180: {  	s22 =	sadd.s32 $0xFFFFFF78, s12;
	[tilespmem:v44+s8+$0x0] =	vst.idx.msk $0xffff, v39  }
0x181: {  	v46 =	vadd.s32 s22, v0;
	v39 =	vld.idx.msk [tilespmem:v45+s1+$0x0], $0xffff  }
0x182: {  	v47 =	vadd.s32 v29, v38;
	_ =	sdelay $0x3  }
0x183: {  	s23 =	sadd.s32 $0xFFFFFF88, s12;
	[tilespmem:v46+s8+$0x0] =	vst.idx.msk $0xffff, v39  }
0x184: {  	v48 =	vadd.s32 s23, v0;
	v39 =	vld.idx.msk [tilespmem:v47+s1+$0x0], $0xffff  }
0x185: {  	v49 =	vadd.s32 v30, v38;
	_ =	sdelay $0x3  }
0x186: {  	s24 =	sadd.s32 $0xFFFFFF98, s12;
	[tilespmem:v48+s8+$0x0] =	vst.idx.msk $0xffff, v39  }
0x187: {  	v50 =	vadd.s32 s24, v0;
	v39 =	vld.idx.msk [tilespmem:v49+s1+$0x0], $0xffff  }
0x188: {  	v51 =	vadd.s32 v31, v38;
	_ =	sdelay $0x3  }
0x189: {  	s25 =	sadd.s32 $0xFFFFFFA8, s12;
	[tilespmem:v50+s8+$0x0] =	vst.idx.msk $0xffff, v39  }
0x18a: {  	v52 =	vadd.s32 s25, v0;
	v39 =	vld.idx.msk [tilespmem:v51+s1+$0x0], $0xffff  }
0x18b: {  	v53 =	vadd.s32 v32, v38;
	_ =	sdelay $0x3  }
0x18c: {  	s26 =	sadd.s32 $0xFFFFFFB8, s12;
	[tilespmem:v52+s8+$0x0] =	vst.idx.msk $0xffff, v39  }
0x18d: {  	v54 =	vadd.s32 s26, v0;
	v39 =	vld.idx.msk [tilespmem:v53+s1+$0x0], $0xffff  }
0x18e: {  	v55 =	vadd.s32 v33, v38;
	_ =	sdelay $0x3  }
0x18f: {  	s28 =	sadd.s32 $0xFFFFFFC8, s12;
	[tilespmem:v54+s8+$0x0] =	vst.idx.msk $0xffff, v39  }
0x190: {  	v56 =	vadd.s32 s28, v0;
	v39 =	vld.idx.msk [tilespmem:v55+s1+$0x0], $0xffff  }
0x191: {  	v57 =	vadd.s32 v34, v38;
	_ =	sdelay $0x3  }
0x192: {  	s29 =	sadd.s32 $0xFFFFFFD8, s12;
	[tilespmem:v56+s8+$0x0] =	vst.idx.msk $0xffff, v39  }
0x193: {  	v58 =	vadd.s32 s29, v0;
	v39 =	vld.idx.msk [tilespmem:v57+s1+$0x0], $0xffff  }
0x194: {  	v59 =	vadd.s32 v35, v38;
	_ =	sdelay $0x3  }
0x195: {  	s30 =	sadd.s32 $0xFFFFFFE8, s12;
	[tilespmem:v58+s8+$0x0] =	vst.idx.msk $0xffff, v39  }
0x196: {  	v60 =	vadd.s32 s30, v0;
	v39 =	vld.idx.msk [tilespmem:v59+s1+$0x0], $0xffff  }
0x197: {  	v61 =	vadd.s32 v36, v38;
	_ =	sdelay $0x3  }
0x198: {  	s31 =	sadd.s32 $0xFFFFFFF8, s12;
	[tilespmem:v60+s8+$0x0] =	vst.idx.msk $0xffff, v39  }
0x199: {  	v38 =	vadd.s32 $0x1000, v38;
	v62 =	vadd.s32 s31, v0;
	v39 =	vld.idx.msk [tilespmem:v61+s1+$0x0], $0xffff  }
0x19a: {  	v38 =	vor.u32 v37, v38;
	_ =	sdelay $0x3  }
0x19b: {  	[tilespmem:v62+s8+$0x0] =	vst.idx.msk $0xffff, v39  }
0x19c: {  	v63 =	vadd.s32 s12, v0;
	v38 =	vld.idx.msk [tilespmem:v38+s1+$0x0], $0xffff;
	_ =	sdelay $0x2  }
0x19d: {  	s11 =	smul.u32 $0x4B, s11;
	s10 =	sadd.s32 $0x1, s10  }
0x19e: {  	p0 =	sne.s32 s10, $0x10  }
.Ltmp1:
0x19f: {  	s11 =	sadd.s32 s4, s11;
	[tilespmem:v63+s8+$0x0] =	vst.idx.msk vm0, v38;
	(pc) =	sbr.rel @p0 .LBB2_2-.Ltmp1, $4  }
0x1a0: {  	[hbm4b:s11+s1] =	stream.linear.scatter [tilespmem:s8], [sflag:$0x1], $0x4B00, $0x38;
	[tilespmem:$0x9B00] =	vst v63  }
0x1a1: {  	_ =	swait.ge [sflag:s7], $0x4B00  }
0x1a2: {  	[sflag:s7] =	ssyncset.done $0x0  }
0x1a3: {  	[sflag:s7] =	ssyncadd.s32 $0xFFFFB500  }
0x1a4: {  	s9 =	sadd.s32 $0x1, s9  }
0x1a5: {  	p0 =	sne.s32 s9, s6  }
.Ltmp2:
0x1a6: {  	_ = 	snop;
	(pc) =	sbr.rel @p0 .LBB2_1-.Ltmp2, $1  }
0x1a7: {  	_ =	sdelay $0x3  }
0x1a8: {  	_ =	sfence.sel $0x180000  }
0x1a9: {  	[bflag:$0x0] =	sbarrier.arrive $0xFFFF  }
0x1aa: {  	p0 =	sne.s32 s2, $0x0;
	_ =	strace $0x9000004A  }
0x1ab: {  	s0 =	sadd.s32 @!p0 $0x100000, s0;
	[bflag:$0x2] =	sbarrier.arrive $0xFFFF  }
0x1ac: {  	[sflag:s0] =	ssyncadd.tile.s32 @!p0 $0x1;
	_ =	shalt  }
.Lfunc_end2:
_tile_overlayer_lowered:
.L_overlay_start_2:
0x1ad: {  	(tag) =	ssettag $0x2  }
0x1ae: {  	s0 =	rddreg [dreg:$0x0];
	s2 =	stileid.u32  }
0x1af: {  	s1 =	rddreg [dreg:$0x1];
	p0 =	sne.s32 s2, $0x0  }
0x1b0: {  	s3 =	rddreg [dreg:$0x2];
	[bflag:$0x3] =	sbarrier.arrive $0xFFFF;
	s2 =	simm.s32 @!p0 $0x1C01  }
0x1b1: {  	[timem:s3], [sflag:s2] =	dma.local @!p0 [hbm:s0], s1  }
0x1b2: {  	s0 =	simm.s32 @!p0 $0x1  }
0x1b3: {  	_ =	swait.ge @!p0 [sflag:s0], s1  }
0x1b4: {  	s1 =	ssub.s32 @!p0 $0x0, s1;
	[sflag:s0] =	ssyncset.done @!p0 $0x0  }
0x1b5: {  	[sflag:s0] =	ssyncadd.s32 @!p0 s1  }
0x1b6: {  	[bflag:$0x3] =	sbarrier.arrive $0xFFFF  }
0x1b7: {  	_ =	shalt  }

</sc_bundles>
